<compile_context>
chip_gen: v7x
topology: tpu7x:2x2x1
jax: 0.10.2.dev20260603
libtpu: 0.0.44.dev20260713+nightly
codegen_flags: <defaults>
</compile_context>

<pallas_src>
import functools

import jax
import jax.numpy as jnp
from jax import lax
from jax.experimental import pallas as pl
from jax.experimental.pallas import tpu as pltpu
from jax.experimental.pallas import tpu_sc as plsc

_NUM_CLASSES = 4
_PROTO_MOMENTUM = 0.9
_CONF_THRESH = 0.8
_LAMBDA_INTRA = 1.0
_LAMBDA_INTER = 0.1
_MARGIN_M = 1.0

_NV = 1024
_ROWS = 5 * 66
_NW = 32
_TC_CHUNK = 32768
_SC_FRAC = 0.125


def _sc_body(feat_hbm, pred_hbm, label_hbm, islab_hbm, out_hbm,
             featbuf, predbuf, labelbuf, islabbuf, acc, *, B, K, S):
    wid = lax.axis_index("s") * 2 + lax.axis_index("c")
    span = S // _NW
    nchunks = span // _NV
    ngroups = _NV // 16

    lane = lax.iota(jnp.int32, 16)
    zeros16 = jnp.zeros((16,), jnp.float32)
    ones16 = jnp.ones((16,), jnp.float32)

    def _zero(i, _):
        acc[pl.ds(i * 16, 16)] = zeros16
        return 0
    lax.fori_loop(0, _ROWS, _zero, 0)

    pltpu.sync_copy(islab_hbm, islabbuf)

    for b in range(B):
        islab_v = islabbuf[b]
        for ch in range(nchunks):
            off = wid * span + ch * _NV
            pltpu.sync_copy(feat_hbm.at[b, :, pl.ds(off, _NV)], featbuf)
            pltpu.sync_copy(pred_hbm.at[b, :, pl.ds(off, _NV)], predbuf)
            pltpu.sync_copy(label_hbm.at[b, pl.ds(off, _NV)], labelbuf)

            def _group(g, _):
                g16 = g * 16
                conf = predbuf[0, pl.ds(g16, 16)]
                cls = jnp.zeros((16,), jnp.int32)
                for k in range(1, K):
                    pk = predbuf[k, pl.ds(g16, 16)]
                    better = pk > conf
                    conf = jnp.where(better, pk, conf)
                    cls = jnp.where(better, k, cls)
                lbl = labelbuf[pl.ds(g16, 16)]
                sel = (conf > _CONF_THRESH) & (cls > 0)
                sel = sel & ((cls == lbl) | (islab_v < 0.5))
                cls_eff = jnp.where(sel, cls, 0)
                idx = cls_eff * (66 * 16) + lane
                s2v = zeros16
                for c in range(64):
                    fv = featbuf[c, pl.ds(g16, 16)]
                    plsc.addupdate_scatter(acc, [idx + c * 16], fv)
                    s2v = s2v + fv * fv
                plsc.addupdate_scatter(acc, [idx + 64 * 16], ones16)
                plsc.addupdate_scatter(acc, [idx + 65 * 16], s2v)
                return 0
            lax.fori_loop(0, ngroups, _group, 0)

    pltpu.sync_copy(acc, out_hbm.at[wid])


def _tcs_body(pred_ref, label_ref, islab_ref, feat_ref,
              sums_ref, cnt_ref, s2_ref, *, kcls):
    b = pl.program_id(0)
    i = pl.program_id(1)
    first = (b == 0) & (i == 0)

    p = pred_ref[0]
    lbl = label_ref[0]
    islab = islab_ref[0, 0, 0]

    conf = p[0:1]
    cls = jnp.zeros_like(lbl)
    for k in range(1, kcls):
        pk = p[k:k + 1]
        better = pk > conf
        conf = jnp.where(better, pk, conf)
        cls = jnp.where(better, k, cls)

    mask = (conf > _CONF_THRESH) & (cls > 0)
    mask &= (cls == lbl) | (islab < 0.5)
    w = mask.astype(jnp.float32)

    kv = jax.lax.broadcasted_iota(jnp.int32, (_NUM_CLASSES, 1), 0) + 1
    w4 = jnp.where(cls == kv, w, 0.0)

    dot = functools.partial(jax.lax.dot_general,
                            precision=jax.lax.Precision.DEFAULT,
                            preferred_element_type=jnp.float32)
    f = feat_ref[0]
    dsums = dot(w4, f, (((1,), (1,)), ((), ())))
    s2 = jnp.sum(f * f, axis=0, keepdims=True)
    dcnt = jnp.sum(w4, axis=1, keepdims=True)
    ds2 = dot(w4, s2, (((1,), (1,)), ((), ())))

    @pl.when(first)
    def _init():
        sums_ref[...] = dsums
        cnt_ref[...] = dcnt
        s2_ref[...] = ds2

    @pl.when(jnp.logical_not(first))
    def _acc():
        sums_ref[...] += dsums
        cnt_ref[...] += dcnt
        s2_ref[...] += ds2


def _epi_body(p_ref, tsums_ref, tcnt_ref, ts2_ref, proto_ref, pinit_ref,
              out_ref, *, nw):
    x = p_ref[...]
    y = x[0]
    for w in range(1, nw):
        y = y + x[w]
    rowsum = jnp.sum(y, axis=1, keepdims=True)

    hi = functools.partial(jax.lax.dot_general,
                           precision=jax.lax.Precision.HIGHEST,
                           preferred_element_type=jnp.float32)
    rr = jax.lax.broadcasted_iota(jnp.int32, (_ROWS, 64), 0)
    cc = jax.lax.broadcasted_iota(jnp.int32, (_ROWS, 64), 1)
    chm = ((rr % 66) == cc).astype(jnp.float32)
    kk = jax.lax.broadcasted_iota(jnp.int32, (_NUM_CLASSES, _ROWS), 0)
    rr2 = jax.lax.broadcasted_iota(jnp.int32, (_NUM_CLASSES, _ROWS), 1)
    ks = ((rr2 // 66) == (kk + 1)).astype(jnp.float32)
    rr1 = jax.lax.broadcasted_iota(jnp.int32, (_ROWS, 1), 0)

    sums = hi(ks, rowsum * chm, (((1,), (0,)), ((), ()))) + tsums_ref[...]
    counts = (hi(ks, rowsum * ((rr1 % 66) == 64), (((1,), (0,)), ((), ())))
              + tcnt_ref[...])
    s2sum = (hi(ks, rowsum * ((rr1 % 66) == 65), (((1,), (0,)), ((), ())))
             + ts2_ref[...])

    proto = proto_ref[...]
    pinit = pinit_ref[...] > 0.5

    present = counts > 0.0
    new_proto = sums / jnp.maximum(counts, 1.0)
    updated = jnp.where(present,
                        jnp.where(pinit,
                                  _PROTO_MOMENTUM * proto
                                  + (1.0 - _PROTO_MOMENTUM) * new_proto,
                                  new_proto),
                        proto)
    ini = pinit | present

    un2 = jnp.sum(updated * updated, axis=1, keepdims=True)
    total = (jnp.sum(s2sum)
             - 2.0 * jnp.sum(sums * updated)
             + jnp.sum(counts * un2))
    vp = jnp.sum(counts)
    loss_intra = jnp.where(vp > 0.0, total / jnp.maximum(vp, 1.0), 0.0)

    gram = hi(updated, updated, (((1,), (1,)), ((), ())))
    d2m = un2 + jnp.reshape(un2, (1, _NUM_CLASSES)) - 2.0 * gram
    dist = jnp.sqrt(jnp.maximum(d2m, 0.0) + 1e-12)
    r = jax.lax.broadcasted_iota(jnp.int32, (_NUM_CLASSES, _NUM_CLASSES), 0)
    c = jax.lax.broadcasted_iota(jnp.int32, (_NUM_CLASSES, _NUM_CLASSES), 1)
    pair_valid = (ini & jnp.reshape(ini, (1, _NUM_CLASSES)) & (c > r))
    pen = jnp.maximum(_MARGIN_M - dist, 0.0) ** 2
    pvf = pair_valid.astype(jnp.float32)
    n_pairs = jnp.sum(pvf)
    loss_inter = jnp.where(n_pairs > 0.0,
                           jnp.sum(pen * pvf) / jnp.maximum(n_pairs, 1.0),
                           0.0)
    loss = _LAMBDA_INTRA * loss_intra + _LAMBDA_INTER * loss_inter
    out_ref[...] = jnp.reshape(loss, (1, 1))


def kernel(feat, pred, label, is_labelled, prototypes, prototype_initialized):
    B, C, H, W, D = feat.shape
    K = pred.shape[1]
    M = H * W * D

    gran = _NW * _NV
    S = (int(M * _SC_FRAC) // gran) * gran
    rest = M - S
    ctc = min(_TC_CHUNK, rest)
    while rest % ctc:
        ctc //= 2
    nc_tc = rest // ctc
    off_blocks = S // ctc

    feat3 = feat.reshape(B, C, M)
    pred3 = pred.reshape(B, K, M)
    label2 = label.reshape(B, M)
    label3 = label.reshape(B, 1, M)
    islab16 = jnp.broadcast_to(
        is_labelled.astype(jnp.float32).reshape(B, 1), (B, 16))
    islab = is_labelled.astype(jnp.float32).reshape(B, 1, 1)
    pinit = prototype_initialized.astype(jnp.float32).reshape(_NUM_CLASSES, 1)

    tsums, tcnt, ts2 = pl.pallas_call(
        functools.partial(_tcs_body, kcls=K),
        grid=(B, nc_tc),
        in_specs=[
            pl.BlockSpec((1, K, ctc),
                         lambda b, i: (b, 0, i + off_blocks)),
            pl.BlockSpec((1, 1, ctc),
                         lambda b, i: (b, 0, i + off_blocks)),
            pl.BlockSpec((1, 1, 1), lambda b, i: (b, 0, 0)),
            pl.BlockSpec((1, C, ctc),
                         lambda b, i: (b, 0, i + off_blocks)),
        ],
        out_specs=[
            pl.BlockSpec((_NUM_CLASSES, C), lambda b, i: (0, 0)),
            pl.BlockSpec((_NUM_CLASSES, 1), lambda b, i: (0, 0)),
            pl.BlockSpec((_NUM_CLASSES, 1), lambda b, i: (0, 0)),
        ],
        out_shape=[
            jax.ShapeDtypeStruct((_NUM_CLASSES, C), jnp.float32),
            jax.ShapeDtypeStruct((_NUM_CLASSES, 1), jnp.float32),
            jax.ShapeDtypeStruct((_NUM_CLASSES, 1), jnp.float32),
        ],
    )(pred3, label3, islab, feat3)

    mesh = plsc.VectorSubcoreMesh(core_axis_name="c", subcore_axis_name="s")
    sck = functools.partial(
        pl.kernel,
        mesh=mesh,
        compiler_params=pltpu.CompilerParams(needs_layout_passes=False, has_side_effects=False),
        out_type=jax.ShapeDtypeStruct((_NW, _ROWS * 16), jnp.float32),
        scratch_types=[
            pltpu.VMEM((C, _NV), jnp.float32),
            pltpu.VMEM((K, _NV), jnp.float32),
            pltpu.VMEM((_NV,), jnp.int32),
            pltpu.VMEM((B, 16), jnp.float32),
            pltpu.VMEM((_ROWS * 16,), jnp.float32),
        ],
    )(functools.partial(_sc_body, B=B, K=K, S=S))
    partials = sck(feat3, pred3, label2, islab16)

    out = pl.pallas_call(
        functools.partial(_epi_body, nw=_NW),
        in_specs=[
            pl.BlockSpec((_NW, _ROWS, 16), lambda: (0, 0, 0)),
            pl.BlockSpec((_NUM_CLASSES, C), lambda: (0, 0)),
            pl.BlockSpec((_NUM_CLASSES, 1), lambda: (0, 0)),
            pl.BlockSpec((_NUM_CLASSES, 1), lambda: (0, 0)),
            pl.BlockSpec((_NUM_CLASSES, C), lambda: (0, 0)),
            pl.BlockSpec((_NUM_CLASSES, 1), lambda: (0, 0)),
        ],
        out_specs=pl.BlockSpec((1, 1), lambda: (0, 0)),
        out_shape=jax.ShapeDtypeStruct((1, 1), jnp.float32),
    )(partials.reshape(_NW, _ROWS, 16), tsums, tcnt, ts2,
      prototypes, pinit)
    return out.reshape(())

# --- scband reference (transcript-rebuilt; emitter-appended) ---
"""Pipeline reference for scband-prototype-memory-48971217109505 (READ-ONLY COPY).

The authoritative reference and input builder live on the scoring server;
editing this copy changes nothing except your own understanding.
"""

import jax, jax.numpy as jnp
import numpy as np

NUM_CLASSES = 4
FEAT_DIM = 64
PROTO_MOMENTUM = 0.9
CONF_THRESH = 0.8
LAMBDA_INTRA = 1.0
LAMBDA_INTER = 0.1
MARGIN_M = 1.0


def setup_inputs(seed: int = 0) -> dict:
    key = jax.random.key(seed)
    k1, k2, k3 = jax.random.split(key, 3)
    B, C, H, W, D = 2, FEAT_DIM, 64, 64, 64
    K = NUM_CLASSES + 1
    feat = jax.random.normal(k1, (B, C, H, W, D), dtype=jnp.float32)
    pred = jax.random.uniform(k2, (B, K, H, W, D), dtype=jnp.float32)
    label = jax.random.randint(k3, (B, 1, H, W, D), 0, K).astype(jnp.int32)
    is_labelled = jnp.ones((B,), dtype=bool)
    prototypes = jnp.zeros((NUM_CLASSES, FEAT_DIM), dtype=jnp.float32)
    prototype_initialized = jnp.zeros((NUM_CLASSES,), dtype=bool)
    return {"feat": feat, "pred": pred, "label": label, "is_labelled": is_labelled,
            "prototypes": prototypes, "prototype_initialized": prototype_initialized}


def reference(feat, pred, label, is_labelled, prototypes, prototype_initialized):
    B, C, H, W, D = feat.shape
    K = pred.shape[1]
    # flatten spatial dims
    feat_flat = jnp.transpose(feat, (0, 2, 3, 4, 1)).reshape(-1, C)
    pred_flat = jnp.transpose(pred, (0, 2, 3, 4, 1)).reshape(-1, K)
    label_flat = label.reshape(-1)
    is_lab_flat = jnp.broadcast_to(is_labelled.reshape(B, 1, 1, 1), (B, H, W, D)).reshape(-1)
    # high-confidence mask
    pred_conf = jnp.max(pred_flat, axis=1)
    pred_class = jnp.argmax(pred_flat, axis=1)
    conf_mask = (pred_conf > CONF_THRESH) & (pred_class > 0)
    conf_mask = conf_mask & ((pred_class == label_flat) | (~is_lab_flat))
    w = conf_mask.astype(feat_flat.dtype)
    # per-class scatter-add of confident features into prototype memory
    sums = jax.ops.segment_sum(feat_flat * w[:, None], pred_class, num_segments=K)[1:]
    counts = jax.ops.segment_sum(w, pred_class, num_segments=K)[1:]
    present = counts > 0
    new_proto = sums / jnp.maximum(counts, 1.0)[:, None]
    new_proto = jax.lax.stop_gradient(new_proto)  # buffer update (no grad in torch)
    updated = jnp.where(present[:, None],
                        jnp.where(prototype_initialized[:, None],
                                  PROTO_MOMENTUM * prototypes + (1.0 - PROTO_MOMENTUM) * new_proto,
                                  new_proto),
                        prototypes)
    initialized = prototype_initialized | present
    # intra-class compactness: gather prototype per confident voxel
    fg = jnp.clip(pred_class - 1, 0, NUM_CLASSES - 1)
    proto_per_voxel = jnp.take(updated, fg, axis=0)
    valid = w * initialized[fg].astype(feat_flat.dtype)
    d2 = jnp.sum((feat_flat - proto_per_voxel) ** 2, axis=1)
    total = jnp.sum(d2 * valid)
    vp = jnp.sum(valid)
    loss_intra = jnp.where(vp > 0, total / jnp.maximum(vp, 1.0), 0.0)
    # inter-class separation: hinge on pairwise prototype distances
    diff = updated[:, None, :] - updated[None, :, :]
    dist = jnp.sqrt(jnp.sum(diff ** 2, axis=-1) + 1e-12)
    pair_valid = (initialized[:, None] & initialized[None, :]) & jnp.triu(jnp.ones((NUM_CLASSES, NUM_CLASSES), dtype=bool), k=1)
    pen = jnp.maximum(MARGIN_M - dist, 0.0) ** 2
    n_pairs = jnp.sum(pair_valid)
    loss_inter = jnp.where(n_pairs > 0, jnp.sum(pen * pair_valid) / jnp.maximum(n_pairs, 1), 0.0)
    total_loss = LAMBDA_INTRA * loss_intra + LAMBDA_INTER * loss_inter
    return total_loss

if __name__ == "__main__":
    import jax
    _d = setup_inputs()
    print(jax.jit(kernel)(*tuple(_d.values())))

</pallas_src>

<mosaic_0001>
#map = affine_map<(d0, d1) -> (0, 0, 0)>
#map1 = affine_map<(d0, d1) -> (0, 0)>
module attributes {stable_mosaic.version = 14 : i64} {
  func.func @_sc_body(%arg0: i32, %arg1: i32, %arg2: memref<2x64x262144xf32, #tpu.memory_space<hbm>>, %arg3: memref<2x5x262144xf32, #tpu.memory_space<hbm>>, %arg4: memref<2x262144xi32, #tpu.memory_space<hbm>>, %arg5: memref<2x16xf32, #tpu.memory_space<hbm>>, %arg6: memref<32x5280xf32, #tpu.memory_space<hbm>>, %arg7: memref<64x1024xf32, #tpu.memory_space<vmem>>, %arg8: memref<5x1024xf32, #tpu.memory_space<vmem>>, %arg9: memref<1024xi32, #tpu.memory_space<vmem>>, %arg10: memref<2x16xf32, #tpu.memory_space<vmem>>, %arg11: memref<5280xf32, #tpu.memory_space<vmem>>) attributes {dimension_semantics = [#tpu.dimension_semantics<core_parallel>, #tpu.dimension_semantics<subcore_parallel>], iteration_bounds = array<i64: 2, 16>, scalar_prefetch = 0 : i64, scratch_operands = 5 : i64, tpu.core_type = #tpu.core_type<sc_vector_subcore>, window_params = [{transform_indices = #map}, {transform_indices = #map}, {transform_indices = #map1}, {transform_indices = #map1}, {transform_indices = #map1}]} {
    %mul3A = arith.constant 2 : i32
    %mul3A_0 = arith.muli %arg1, %mul3A : i32
    %add3A = arith.addi %mul3A_0, %arg0 : i32
    %iota3A = tpu.iota {dimensions = array<i32: 0>} : vector<16xi32>
    %broadcast_in_dim3A = arith.constant 0.000000e+00 : f32
    %broadcast_in_dim3A_1 = vector.broadcast %broadcast_in_dim3A : f32 to vector<16xf32>
    %broadcast_in_dim3A_2 = arith.constant 1.000000e+00 : f32
    %broadcast_in_dim3A_3 = vector.broadcast %broadcast_in_dim3A_2 : f32 to vector<16xf32>
    %scan3A = arith.constant 0 : i32
    %scan3A_4 = arith.constant 0 : i32
    %scan3A_5 = arith.constant 330 : i32
    %scan3A_6 = arith.addi %scan3A_4, %scan3A_5 : i32
    %scan3A_7 = arith.constant 1 : i32
    %scan3A_8 = scf.for %scan3A_44 = %scan3A_4 to %scan3A_6 step %scan3A_7 iter_args(%scan3A_45 = %scan3A) -> (i32)  : i32 {
      %mul3A_46 = arith.constant 16 : i32
      %mul3A_47 = arith.muli %scan3A_44, %mul3A_46 : i32
      %swap3A = arith.index_cast %mul3A_47 : i32 to index
      %swap3A_48 = tpu.vector_load %arg11[%swap3A] {strides = array<i32>} : memref<5280xf32, #tpu.memory_space<vmem>>, vector<16xf32>,
      tpu.vector_store %arg11[%swap3A], %broadcast_in_dim3A_1 {strides = array<i32>} : memref<5280xf32, #tpu.memory_space<vmem>>, vector<16xf32>,
      %scan3A_49 = arith.constant 0 : i32
      scf.yield %scan3A_49 : i32
    }
    %scan3A_9 = arith.constant 330 : i32
    "tpu.region"() ({
      %run_scoped3A_44 = tpu.sem_alloc : memref<!tpu.dma_semaphore, #tpu.memory_space<semaphore_mem>>
      tpu.enqueue_dma source(%arg5 : memref<2x16xf32, #tpu.memory_space<hbm>>) target(%arg10 : memref<2x16xf32, #tpu.memory_space<vmem>>) target_semaphore(%run_scoped3A_44 : memref<!tpu.dma_semaphore, #tpu.memory_space<semaphore_mem>>)
      tpu.wait_dma2 semaphore(%run_scoped3A_44 : memref<!tpu.dma_semaphore, #tpu.memory_space<semaphore_mem>>) src(%arg5 : memref<2x16xf32, #tpu.memory_space<hbm>>) dst(%arg10 : memref<2x16xf32, #tpu.memory_space<vmem>>)
      tpu.yield
    }) : () -> ()
    %get3A = arith.constant 0 : i32
    %get3A_10 = arith.index_cast %get3A : i32 to index
    %get3A_11 = arith.constant 0 : index
    %get3A_12 = tpu.vector_load %arg10[%get3A_10, %get3A_11] {strides = array<i32>} : memref<2x16xf32, #tpu.memory_space<vmem>>, vector<16xf32>,
    %mul3A_13 = arith.constant 1024 : i32
    %mul3A_14 = arith.muli %add3A, %mul3A_13 : i32
    %add3A_15 = arith.constant 0 : i32
    %add3A_16 = arith.addi %mul3A_14, %add3A_15 : i32
    %run_scoped3A = arith.constant 0 : i32
    "tpu.region"() ({
      %run_scoped3A_44 = tpu.sem_alloc : memref<!tpu.dma_semaphore, #tpu.memory_space<semaphore_mem>>
      %dma_start3A = arith.constant 0 : i32
      %dma_start3A_45 = tpu.memref_slice %arg2[%run_scoped3A, %dma_start3A, %add3A_16] : memref<2x64x262144xf32, #tpu.memory_space<hbm>> -> memref<1x64x1024xf32, #tpu.memory_space<hbm>>
      %dma_start3A_46 = tpu.memref_squeeze %dma_start3A_45 : memref<1x64x1024xf32, #tpu.memory_space<hbm>> -> memref<64x1024xf32, #tpu.memory_space<hbm>>
      %dma_start3A_47 = arith.constant 0 : i32
      %dma_start3A_48 = tpu.memref_slice %arg2[%run_scoped3A, %dma_start3A_47, %add3A_16] : memref<2x64x262144xf32, #tpu.memory_space<hbm>> -> memref<1x64x1024xf32, #tpu.memory_space<hbm>>
      %dma_start3A_49 = tpu.memref_squeeze %dma_start3A_48 : memref<1x64x1024xf32, #tpu.memory_space<hbm>> -> memref<64x1024xf32, #tpu.memory_space<hbm>>
      tpu.enqueue_dma source(%dma_start3A_49 : memref<64x1024xf32, #tpu.memory_space<hbm>>) target(%arg7 : memref<64x1024xf32, #tpu.memory_space<vmem>>) target_semaphore(%run_scoped3A_44 : memref<!tpu.dma_semaphore, #tpu.memory_space<semaphore_mem>>)
      %dma_wait3A = arith.constant 0 : i32
      %dma_wait3A_50 = tpu.memref_slice %arg2[%run_scoped3A, %dma_wait3A, %add3A_16] : memref<2x64x262144xf32, #tpu.memory_space<hbm>> -> memref<1x64x1024xf32, #tpu.memory_space<hbm>>
      %dma_wait3A_51 = tpu.memref_squeeze %dma_wait3A_50 : memref<1x64x1024xf32, #tpu.memory_space<hbm>> -> memref<64x1024xf32, #tpu.memory_space<hbm>>
      %dma_wait3A_52 = arith.constant 0 : i32
      %dma_wait3A_53 = tpu.memref_slice %arg2[%run_scoped3A, %dma_wait3A_52, %add3A_16] : memref<2x64x262144xf32, #tpu.memory_space<hbm>> -> memref<1x64x1024xf32, #tpu.memory_space<hbm>>
      %dma_wait3A_54 = tpu.memref_squeeze %dma_wait3A_53 : memref<1x64x1024xf32, #tpu.memory_space<hbm>> -> memref<64x1024xf32, #tpu.memory_space<hbm>>
      tpu.wait_dma2 semaphore(%run_scoped3A_44 : memref<!tpu.dma_semaphore, #tpu.memory_space<semaphore_mem>>) src(%dma_wait3A_54 : memref<64x1024xf32, #tpu.memory_space<hbm>>) dst(%arg7 : memref<64x1024xf32, #tpu.memory_space<vmem>>)
      tpu.yield
    }) : () -> ()
    %run_scoped3A_17 = arith.constant 0 : i32
    "tpu.region"() ({
      %run_scoped3A_44 = tpu.sem_alloc : memref<!tpu.dma_semaphore, #tpu.memory_space<semaphore_mem>>
      %dma_start3A = arith.constant 0 : i32
      %dma_start3A_45 = tpu.memref_slice %arg3[%run_scoped3A_17, %dma_start3A, %add3A_16] : memref<2x5x262144xf32, #tpu.memory_space<hbm>> -> memref<1x5x1024xf32, #tpu.memory_space<hbm>>
      %dma_start3A_46 = tpu.memref_squeeze %dma_start3A_45 : memref<1x5x1024xf32, #tpu.memory_space<hbm>> -> memref<5x1024xf32, #tpu.memory_space<hbm>>
      %dma_start3A_47 = arith.constant 0 : i32
      %dma_start3A_48 = tpu.memref_slice %arg3[%run_scoped3A_17, %dma_start3A_47, %add3A_16] : memref<2x5x262144xf32, #tpu.memory_space<hbm>> -> memref<1x5x1024xf32, #tpu.memory_space<hbm>>
      %dma_start3A_49 = tpu.memref_squeeze %dma_start3A_48 : memref<1x5x1024xf32, #tpu.memory_space<hbm>> -> memref<5x1024xf32, #tpu.memory_space<hbm>>
      tpu.enqueue_dma source(%dma_start3A_49 : memref<5x1024xf32, #tpu.memory_space<hbm>>) target(%arg8 : memref<5x1024xf32, #tpu.memory_space<vmem>>) target_semaphore(%run_scoped3A_44 : memref<!tpu.dma_semaphore, #tpu.memory_space<semaphore_mem>>)
      %dma_wait3A = arith.constant 0 : i32
      %dma_wait3A_50 = tpu.memref_slice %arg3[%run_scoped3A_17, %dma_wait3A, %add3A_16] : memref<2x5x262144xf32, #tpu.memory_space<hbm>> -> memref<1x5x1024xf32, #tpu.memory_space<hbm>>
      %dma_wait3A_51 = tpu.memref_squeeze %dma_wait3A_50 : memref<1x5x1024xf32, #tpu.memory_space<hbm>> -> memref<5x1024xf32, #tpu.memory_space<hbm>>
      %dma_wait3A_52 = arith.constant 0 : i32
      %dma_wait3A_53 = tpu.memref_slice %arg3[%run_scoped3A_17, %dma_wait3A_52, %add3A_16] : memref<2x5x262144xf32, #tpu.memory_space<hbm>> -> memref<1x5x1024xf32, #tpu.memory_space<hbm>>
      %dma_wait3A_54 = tpu.memref_squeeze %dma_wait3A_53 : memref<1x5x1024xf32, #tpu.memory_space<hbm>> -> memref<5x1024xf32, #tpu.memory_space<hbm>>
      tpu.wait_dma2 semaphore(%run_scoped3A_44 : memref<!tpu.dma_semaphore, #tpu.memory_space<semaphore_mem>>) src(%dma_wait3A_54 : memref<5x1024xf32, #tpu.memory_space<hbm>>) dst(%arg8 : memref<5x1024xf32, #tpu.memory_space<vmem>>)
      tpu.yield
    }) : () -> ()
    %run_scoped3A_18 = arith.constant 0 : i32
    "tpu.region"() ({
      %run_scoped3A_44 = tpu.sem_alloc : memref<!tpu.dma_semaphore, #tpu.memory_space<semaphore_mem>>
      %dma_start3A = tpu.memref_slice %arg4[%run_scoped3A_18, %add3A_16] : memref<2x262144xi32, #tpu.memory_space<hbm>> -> memref<1x1024xi32, #tpu.memory_space<hbm>>
      %dma_start3A_45 = tpu.memref_squeeze %dma_start3A : memref<1x1024xi32, #tpu.memory_space<hbm>> -> memref<1024xi32, #tpu.memory_space<hbm>>
      %dma_start3A_46 = tpu.memref_slice %arg4[%run_scoped3A_18, %add3A_16] : memref<2x262144xi32, #tpu.memory_space<hbm>> -> memref<1x1024xi32, #tpu.memory_space<hbm>>
      %dma_start3A_47 = tpu.memref_squeeze %dma_start3A_46 : memref<1x1024xi32, #tpu.memory_space<hbm>> -> memref<1024xi32, #tpu.memory_space<hbm>>
      tpu.enqueue_dma source(%dma_start3A_47 : memref<1024xi32, #tpu.memory_space<hbm>>) target(%arg9 : memref<1024xi32, #tpu.memory_space<vmem>>) target_semaphore(%run_scoped3A_44 : memref<!tpu.dma_semaphore, #tpu.memory_space<semaphore_mem>>)
      %dma_wait3A = tpu.memref_slice %arg4[%run_scoped3A_18, %add3A_16] : memref<2x262144xi32, #tpu.memory_space<hbm>> -> memref<1x1024xi32, #tpu.memory_space<hbm>>
      %dma_wait3A_48 = tpu.memref_squeeze %dma_wait3A : memref<1x1024xi32, #tpu.memory_space<hbm>> -> memref<1024xi32, #tpu.memory_space<hbm>>
      %dma_wait3A_49 = tpu.memref_slice %arg4[%run_scoped3A_18, %add3A_16] : memref<2x262144xi32, #tpu.memory_space<hbm>> -> memref<1x1024xi32, #tpu.memory_space<hbm>>
      %dma_wait3A_50 = tpu.memref_squeeze %dma_wait3A_49 : memref<1x1024xi32, #tpu.memory_space<hbm>> -> memref<1024xi32, #tpu.memory_space<hbm>>
      tpu.wait_dma2 semaphore(%run_scoped3A_44 : memref<!tpu.dma_semaphore, #tpu.memory_space<semaphore_mem>>) src(%dma_wait3A_50 : memref<1024xi32, #tpu.memory_space<hbm>>) dst(%arg9 : memref<1024xi32, #tpu.memory_space<vmem>>)
      tpu.yield
    }) : () -> ()
    %scan3A_19 = arith.constant 0 : i32
    %scan3A_20 = arith.constant 0 : i32
    %scan3A_21 = arith.constant 64 : i32
    %scan3A_22 = arith.addi %scan3A_20, %scan3A_21 : i32
    %scan3A_23 = arith.constant 1 : i32
    %scan3A_24 = scf.for %scan3A_44 = %scan3A_20 to %scan3A_22 step %scan3A_23 iter_args(%scan3A_45 = %scan3A_19) -> (i32)  : i32 {
      %mul3A_46 = arith.constant 16 : i32
      %mul3A_47 = arith.muli %scan3A_44, %mul3A_46 : i32
      %get3A_48 = arith.constant 0 : i32
      %get3A_49 = arith.index_cast %get3A_48 : i32 to index
      %get3A_50 = arith.index_cast %mul3A_47 : i32 to index
      %get3A_51 = tpu.vector_load %arg8[%get3A_49, %get3A_50] {strides = array<i32>} : memref<5x1024xf32, #tpu.memory_space<vmem>>, vector<16xf32>,
      %broadcast_in_dim3A_52 = arith.constant 0 : i32
      %broadcast_in_dim3A_53 = vector.broadcast %broadcast_in_dim3A_52 : i32 to vector<16xi32>
      %get3A_54 = arith.constant 1 : i32
      %get3A_55 = arith.index_cast %get3A_54 : i32 to index
      %get3A_56 = arith.index_cast %mul3A_47 : i32 to index
      %get3A_57 = tpu.vector_load %arg8[%get3A_55, %get3A_56] {strides = array<i32>} : memref<5x1024xf32, #tpu.memory_space<vmem>>, vector<16xf32>,
      %gt3A = arith.cmpf ogt, %get3A_57, %get3A_51 : vector<16xf32>
      %select_n3A = arith.select %gt3A, %get3A_57, %get3A_51 : vector<16xi1>, vector<16xf32>
      %jit3A = arith.constant 1 : i32
      %broadcast_in_dim3A_58 = vector.broadcast %jit3A : i32 to vector<16xi32>
      %select_n3A_59 = arith.select %gt3A, %broadcast_in_dim3A_58, %broadcast_in_dim3A_53 : vector<16xi1>, vector<16xi32>
      %get3A_60 = arith.constant 2 : i32
      %get3A_61 = arith.index_cast %get3A_60 : i32 to index
      %get3A_62 = arith.index_cast %mul3A_47 : i32 to index
      %get3A_63 = tpu.vector_load %arg8[%get3A_61, %get3A_62] {strides = array<i32>} : memref<5x1024xf32, #tpu.memory_space<vmem>>, vector<16xf32>,
      %gt3A_64 = arith.cmpf ogt, %get3A_63, %select_n3A : vector<16xf32>
      %select_n3A_65 = arith.select %gt3A_64, %get3A_63, %select_n3A : vector<16xi1>, vector<16xf32>
      %jit3A_66 = arith.constant 2 : i32
      %broadcast_in_dim3A_67 = vector.broadcast %jit3A_66 : i32 to vector<16xi32>
      %select_n3A_68 = arith.select %gt3A_64, %broadcast_in_dim3A_67, %select_n3A_59 : vector<16xi1>, vector<16xi32>
      %get3A_69 = arith.constant 3 : i32
      %get3A_70 = arith.index_cast %get3A_69 : i32 to index
      %get3A_71 = arith.index_cast %mul3A_47 : i32 to index
      %get3A_72 = tpu.vector_load %arg8[%get3A_70, %get3A_71] {strides = array<i32>} : memref<5x1024xf32, #tpu.memory_space<vmem>>, vector<16xf32>,
      %gt3A_73 = arith.cmpf ogt, %get3A_72, %select_n3A_65 : vector<16xf32>
      %select_n3A_74 = arith.select %gt3A_73, %get3A_72, %select_n3A_65 : vector<16xi1>, vector<16xf32>
      %jit3A_75 = arith.constant 3 : i32
      %broadcast_in_dim3A_76 = vector.broadcast %jit3A_75 : i32 to vector<16xi32>
      %select_n3A_77 = arith.select %gt3A_73, %broadcast_in_dim3A_76, %select_n3A_68 : vector<16xi1>, vector<16xi32>
      %get3A_78 = arith.constant 4 : i32
      %get3A_79 = arith.index_cast %get3A_78 : i32 to index
      %get3A_80 = arith.index_cast %mul3A_47 : i32 to index
      %get3A_81 = tpu.vector_load %arg8[%get3A_79, %get3A_80] {strides = array<i32>} : memref<5x1024xf32, #tpu.memory_space<vmem>>, vector<16xf32>,
      %gt3A_82 = arith.cmpf ogt, %get3A_81, %select_n3A_74 : vector<16xf32>
      %select_n3A_83 = arith.select %gt3A_82, %get3A_81, %select_n3A_74 : vector<16xi1>, vector<16xf32>
      %jit3A_84 = arith.constant 4 : i32
      %broadcast_in_dim3A_85 = vector.broadcast %jit3A_84 : i32 to vector<16xi32>
      %select_n3A_86 = arith.select %gt3A_82, %broadcast_in_dim3A_85, %select_n3A_77 : vector<16xi1>, vector<16xi32>
      %get3A_87 = arith.index_cast %mul3A_47 : i32 to index
      %get3A_88 = tpu.vector_load %arg9[%get3A_87] {strides = array<i32>} : memref<1024xi32, #tpu.memory_space<vmem>>, vector<16xi32>,
      %gt3A_89 = arith.constant 8.000000e-01 : f32
      %gt3A_90 = vector.broadcast %gt3A_89 : f32 to vector<16xf32>
      %gt3A_91 = arith.cmpf ogt, %select_n3A_83, %gt3A_90 : vector<16xf32>
      %gt3A_92 = arith.constant 0 : i32
      %gt3A_93 = vector.broadcast %gt3A_92 : i32 to vector<16xi32>
      %gt3A_94 = arith.cmpi sgt, %select_n3A_86, %gt3A_93 : vector<16xi32>
      %and3A = arith.andi %gt3A_91, %gt3A_94 : vector<16xi1>
      %eq3A = arith.cmpi eq, %select_n3A_86, %get3A_88 : vector<16xi32>
      %lt3A = arith.constant 5.000000e-01 : f32
      %lt3A_95 = vector.broadcast %lt3A : f32 to vector<16xf32>
      %lt3A_96 = arith.cmpf olt, %get3A_12, %lt3A_95 : vector<16xf32>
      %or3A = arith.ori %eq3A, %lt3A_96 : vector<16xi1>
      %and3A_97 = arith.andi %and3A, %or3A : vector<16xi1>
      %jit3A_98 = arith.constant 0 : i32
      %broadcast_in_dim3A_99 = vector.broadcast %jit3A_98 : i32 to vector<16xi32>
      %select_n3A_100 = arith.select %and3A_97, %select_n3A_86, %broadcast_in_dim3A_99 : vector<16xi1>, vector<16xi32>
      %mul3A_101 = arith.constant 1056 : i32
      %mul3A_102 = vector.broadcast %mul3A_101 : i32 to vector<16xi32>
      %mul3A_103 = arith.muli %select_n3A_100, %mul3A_102 : vector<16xi32>
      %add3A_104 = arith.addi %mul3A_103, %iota3A : vector<16xi32>
      %get3A_105 = arith.constant 0 : i32
      %get3A_106 = arith.index_cast %get3A_105 : i32 to index
      %get3A_107 = arith.index_cast %mul3A_47 : i32 to index
      %get3A_108 = tpu.vector_load %arg7[%get3A_106, %get3A_107] {strides = array<i32>} : memref<64x1024xf32, #tpu.memory_space<vmem>>, vector<16xf32>,
      %add3A_109 = arith.constant 0 : i32
      %add3A_110 = vector.broadcast %add3A_109 : i32 to vector<16xi32>
      %add3A_111 = arith.addi %add3A_104, %add3A_110 : vector<16xi32>
      tpu.vector_store_idx %arg11[%add3A_111], %get3A_108 {add = true} : memref<5280xf32, #tpu.memory_space<vmem>>[vector<16xi32>], vector<16xf32>,
      %mul3A_112 = arith.mulf %get3A_108, %get3A_108 : vector<16xf32>
      %add3A_113 = arith.addf %broadcast_in_dim3A_1, %mul3A_112 : vector<16xf32>
      %get3A_114 = arith.constant 1 : i32
      %get3A_115 = arith.index_cast %get3A_114 : i32 to index
      %get3A_116 = arith.index_cast %mul3A_47 : i32 to index
      %get3A_117 = tpu.vector_load %arg7[%get3A_115, %get3A_116] {strides = array<i32>} : memref<64x1024xf32, #tpu.memory_space<vmem>>, vector<16xf32>,
      %add3A_118 = arith.constant 16 : i32
      %add3A_119 = vector.broadcast %add3A_118 : i32 to vector<16xi32>
      %add3A_120 = arith.addi %add3A_104, %add3A_119 : vector<16xi32>
      tpu.vector_store_idx %arg11[%add3A_120], %get3A_117 {add = true} : memref<5280xf32, #tpu.memory_space<vmem>>[vector<16xi32>], vector<16xf32>,
      %mul3A_121 = arith.mulf %get3A_117, %get3A_117 : vector<16xf32>
      %add3A_122 = arith.addf %add3A_113, %mul3A_121 : vector<16xf32>
      %get3A_123 = arith.constant 2 : i32
      %get3A_124 = arith.index_cast %get3A_123 : i32 to index
      %get3A_125 = arith.index_cast %mul3A_47 : i32 to index
      %get3A_126 = tpu.vector_load %arg7[%get3A_124, %get3A_125] {strides = array<i32>} : memref<64x1024xf32, #tpu.memory_space<vmem>>, vector<16xf32>,
      %add3A_127 = arith.constant 32 : i32
      %add3A_128 = vector.broadcast %add3A_127 : i32 to vector<16xi32>
      %add3A_129 = arith.addi %add3A_104, %add3A_128 : vector<16xi32>
      tpu.vector_store_idx %arg11[%add3A_129], %get3A_126 {add = true} : memref<5280xf32, #tpu.memory_space<vmem>>[vector<16xi32>], vector<16xf32>,
      %mul3A_130 = arith.mulf %get3A_126, %get3A_126 : vector<16xf32>
      %add3A_131 = arith.addf %add3A_122, %mul3A_130 : vector<16xf32>
      %get3A_132 = arith.constant 3 : i32
      %get3A_133 = arith.index_cast %get3A_132 : i32 to index
      %get3A_134 = arith.index_cast %mul3A_47 : i32 to index
      %get3A_135 = tpu.vector_load %arg7[%get3A_133, %get3A_134] {strides = array<i32>} : memref<64x1024xf32, #tpu.memory_space<vmem>>, vector<16xf32>,
      %add3A_136 = arith.constant 48 : i32
      %add3A_137 = vector.broadcast %add3A_136 : i32 to vector<16xi32>
      %add3A_138 = arith.addi %add3A_104, %add3A_137 : vector<16xi32>
      tpu.vector_store_idx %arg11[%add3A_138], %get3A_135 {add = true} : memref<5280xf32, #tpu.memory_space<vmem>>[vector<16xi32>], vector<16xf32>,
      %mul3A_139 = arith.mulf %get3A_135, %get3A_135 : vector<16xf32>
      %add3A_140 = arith.addf %add3A_131, %mul3A_139 : vector<16xf32>
      %get3A_141 = arith.constant 4 : i32
      %get3A_142 = arith.index_cast %get3A_141 : i32 to index
      %get3A_143 = arith.index_cast %mul3A_47 : i32 to index
      %get3A_144 = tpu.vector_load %arg7[%get3A_142, %get3A_143] {strides = array<i32>} : memref<64x1024xf32, #tpu.memory_space<vmem>>, vector<16xf32>,
      %add3A_145 = arith.constant 64 : i32
      %add3A_146 = vector.broadcast %add3A_145 : i32 to vector<16xi32>
      %add3A_147 = arith.addi %add3A_104, %add3A_146 : vector<16xi32>
      tpu.vector_store_idx %arg11[%add3A_147], %get3A_144 {add = true} : memref<5280xf32, #tpu.memory_space<vmem>>[vector<16xi32>], vector<16xf32>,
      %mul3A_148 = arith.mulf %get3A_144, %get3A_144 : vector<16xf32>
      %add3A_149 = arith.addf %add3A_140, %mul3A_148 : vector<16xf32>
      %get3A_150 = arith.constant 5 : i32
      %get3A_151 = arith.index_cast %get3A_150 : i32 to index
      %get3A_152 = arith.index_cast %mul3A_47 : i32 to index
      %get3A_153 = tpu.vector_load %arg7[%get3A_151, %get3A_152] {strides = array<i32>} : memref<64x1024xf32, #tpu.memory_space<vmem>>, vector<16xf32>,
      %add3A_154 = arith.constant 80 : i32
      %add3A_155 = vector.broadcast %add3A_154 : i32 to vector<16xi32>
      %add3A_156 = arith.addi %add3A_104, %add3A_155 : vector<16xi32>
      tpu.vector_store_idx %arg11[%add3A_156], %get3A_153 {add = true} : memref<5280xf32, #tpu.memory_space<vmem>>[vector<16xi32>], vector<16xf32>,
      %mul3A_157 = arith.mulf %get3A_153, %get3A_153 : vector<16xf32>
      %add3A_158 = arith.addf %add3A_149, %mul3A_157 : vector<16xf32>
      %get3A_159 = arith.constant 6 : i32
      %get3A_160 = arith.index_cast %get3A_159 : i32 to index
      %get3A_161 = arith.index_cast %mul3A_47 : i32 to index
      %get3A_162 = tpu.vector_load %arg7[%get3A_160, %get3A_161] {strides = array<i32>} : memref<64x1024xf32, #tpu.memory_space<vmem>>, vector<16xf32>,
      %add3A_163 = arith.constant 96 : i32
      %add3A_164 = vector.broadcast %add3A_163 : i32 to vector<16xi32>
      %add3A_165 = arith.addi %add3A_104, %add3A_164 : vector<16xi32>
      tpu.vector_store_idx %arg11[%add3A_165], %get3A_162 {add = true} : memref<5280xf32, #tpu.memory_space<vmem>>[vector<16xi32>], vector<16xf32>,
      %mul3A_166 = arith.mulf %get3A_162, %get3A_162 : vector<16xf32>
      %add3A_167 = arith.addf %add3A_158, %mul3A_166 : vector<16xf32>
      %get3A_168 = arith.constant 7 : i32
      %get3A_169 = arith.index_cast %get3A_168 : i32 to index
      %get3A_170 = arith.index_cast %mul3A_47 : i32 to index
      %get3A_171 = tpu.vector_load %arg7[%get3A_169, %get3A_170] {strides = array<i32>} : memref<64x1024xf32, #tpu.memory_space<vmem>>, vector<16xf32>,
      %add3A_172 = arith.constant 112 : i32
      %add3A_173 = vector.broadcast %add3A_172 : i32 to vector<16xi32>
      %add3A_174 = arith.addi %add3A_104, %add3A_173 : vector<16xi32>
      tpu.vector_store_idx %arg11[%add3A_174], %get3A_171 {add = true} : memref<5280xf32, #tpu.memory_space<vmem>>[vector<16xi32>], vector<16xf32>,
      %mul3A_175 = arith.mulf %get3A_171, %get3A_171 : vector<16xf32>
      %add3A_176 = arith.addf %add3A_167, %mul3A_175 : vector<16xf32>
      %get3A_177 = arith.constant 8 : i32
      %get3A_178 = arith.index_cast %get3A_177 : i32 to index
      %get3A_179 = arith.index_cast %mul3A_47 : i32 to index
      %get3A_180 = tpu.vector_load %arg7[%get3A_178, %get3A_179] {strides = array<i32>} : memref<64x1024xf32, #tpu.memory_space<vmem>>, vector<16xf32>,
      %add3A_181 = arith.constant 128 : i32
      %add3A_182 = vector.broadcast %add3A_181 : i32 to vector<16xi32>
      %add3A_183 = arith.addi %add3A_104, %add3A_182 : vector<16xi32>
      tpu.vector_store_idx %arg11[%add3A_183], %get3A_180 {add = true} : memref<5280xf32, #tpu.memory_space<vmem>>[vector<16xi32>], vector<16xf32>,
      %mul3A_184 = arith.mulf %get3A_180, %get3A_180 : vector<16xf32>
      %add3A_185 = arith.addf %add3A_176, %mul3A_184 : vector<16xf32>
      %get3A_186 = arith.constant 9 : i32
      %get3A_187 = arith.index_cast %get3A_186 : i32 to index
      %get3A_188 = arith.index_cast %mul3A_47 : i32 to index
      %get3A_189 = tpu.vector_load %arg7[%get3A_187, %get3A_188] {strides = array<i32>} : memref<64x1024xf32, #tpu.memory_space<vmem>>, vector<16xf32>,
      %add3A_190 = arith.constant 144 : i32
      %add3A_191 = vector.broadcast %add3A_190 : i32 to vector<16xi32>
      %add3A_192 = arith.addi %add3A_104, %add3A_191 : vector<16xi32>
      tpu.vector_store_idx %arg11[%add3A_192], %get3A_189 {add = true} : memref<5280xf32, #tpu.memory_space<vmem>>[vector<16xi32>], vector<16xf32>,
      %mul3A_193 = arith.mulf %get3A_189, %get3A_189 : vector<16xf32>
      %add3A_194 = arith.addf %add3A_185, %mul3A_193 : vector<16xf32>
      %get3A_195 = arith.constant 10 : i32
      %get3A_196 = arith.index_cast %get3A_195 : i32 to index
      %get3A_197 = arith.index_cast %mul3A_47 : i32 to index
      %get3A_198 = tpu.vector_load %arg7[%get3A_196, %get3A_197] {strides = array<i32>} : memref<64x1024xf32, #tpu.memory_space<vmem>>, vector<16xf32>,
      %add3A_199 = arith.constant 160 : i32
      %add3A_200 = vector.broadcast %add3A_199 : i32 to vector<16xi32>
      %add3A_201 = arith.addi %add3A_104, %add3A_200 : vector<16xi32>
      tpu.vector_store_idx %arg11[%add3A_201], %get3A_198 {add = true} : memref<5280xf32, #tpu.memory_space<vmem>>[vector<16xi32>], vector<16xf32>,
      %mul3A_202 = arith.mulf %get3A_198, %get3A_198 : vector<16xf32>
      %add3A_203 = arith.addf %add3A_194, %mul3A_202 : vector<16xf32>
      %get3A_204 = arith.constant 11 : i32
      %get3A_205 = arith.index_cast %get3A_204 : i32 to index
      %get3A_206 = arith.index_cast %mul3A_47 : i32 to index
      %get3A_207 = tpu.vector_load %arg7[%get3A_205, %get3A_206] {strides = array<i32>} : memref<64x1024xf32, #tpu.memory_space<vmem>>, vector<16xf32>,
      %add3A_208 = arith.constant 176 : i32
      %add3A_209 = vector.broadcast %add3A_208 : i32 to vector<16xi32>
      %add3A_210 = arith.addi %add3A_104, %add3A_209 : vector<16xi32>
      tpu.vector_store_idx %arg11[%add3A_210], %get3A_207 {add = true} : memref<5280xf32, #tpu.memory_space<vmem>>[vector<16xi32>], vector<16xf32>,
      %mul3A_211 = arith.mulf %get3A_207, %get3A_207 : vector<16xf32>
      %add3A_212 = arith.addf %add3A_203, %mul3A_211 : vector<16xf32>
      %get3A_213 = arith.constant 12 : i32
      %get3A_214 = arith.index_cast %get3A_213 : i32 to index
      %get3A_215 = arith.index_cast %mul3A_47 : i32 to index
      %get3A_216 = tpu.vector_load %arg7[%get3A_214, %get3A_215] {strides = array<i32>} : memref<64x1024xf32, #tpu.memory_space<vmem>>, vector<16xf32>,
      %add3A_217 = arith.constant 192 : i32
      %add3A_218 = vector.broadcast %add3A_217 : i32 to vector<16xi32>
      %add3A_219 = arith.addi %add3A_104, %add3A_218 : vector<16xi32>
      tpu.vector_store_idx %arg11[%add3A_219], %get3A_216 {add = true} : memref<5280xf32, #tpu.memory_space<vmem>>[vector<16xi32>], vector<16xf32>,
      %mul3A_220 = arith.mulf %get3A_216, %get3A_216 : vector<16xf32>
      %add3A_221 = arith.addf %add3A_212, %mul3A_220 : vector<16xf32>
      %get3A_222 = arith.constant 13 : i32
      %get3A_223 = arith.index_cast %get3A_222 : i32 to index
      %get3A_224 = arith.index_cast %mul3A_47 : i32 to index
      %get3A_225 = tpu.vector_load %arg7[%get3A_223, %get3A_224] {strides = array<i32>} : memref<64x1024xf32, #tpu.memory_space<vmem>>, vector<16xf32>,
      %add3A_226 = arith.constant 208 : i32
      %add3A_227 = vector.broadcast %add3A_226 : i32 to vector<16xi32>
      %add3A_228 = arith.addi %add3A_104, %add3A_227 : vector<16xi32>
      tpu.vector_store_idx %arg11[%add3A_228], %get3A_225 {add = true} : memref<5280xf32, #tpu.memory_space<vmem>>[vector<16xi32>], vector<16xf32>,
      %mul3A_229 = arith.mulf %get3A_225, %get3A_225 : vector<16xf32>
      %add3A_230 = arith.addf %add3A_221, %mul3A_229 : vector<16xf32>
      %get3A_231 = arith.constant 14 : i32
      %get3A_232 = arith.index_cast %get3A_231 : i32 to index
      %get3A_233 = arith.index_cast %mul3A_47 : i32 to index
      %get3A_234 = tpu.vector_load %arg7[%get3A_232, %get3A_233] {strides = array<i32>} : memref<64x1024xf32, #tpu.memory_space<vmem>>, vector<16xf32>,
      %add3A_235 = arith.constant 224 : i32
      %add3A_236 = vector.broadcast %add3A_235 : i32 to vector<16xi32>
      %add3A_237 = arith.addi %add3A_104, %add3A_236 : vector<16xi32>
      tpu.vector_store_idx %arg11[%add3A_237], %get3A_234 {add = true} : memref<5280xf32, #tpu.memory_space<vmem>>[vector<16xi32>], vector<16xf32>,
      %mul3A_238 = arith.mulf %get3A_234, %get3A_234 : vector<16xf32>
      %add3A_239 = arith.addf %add3A_230, %mul3A_238 : vector<16xf32>
      %get3A_240 = arith.constant 15 : i32
      %get3A_241 = arith.index_cast %get3A_240 : i32 to index
      %get3A_242 = arith.index_cast %mul3A_47 : i32 to index
      %get3A_243 = tpu.vector_load %arg7[%get3A_241, %get3A_242] {strides = array<i32>} : memref<64x1024xf32, #tpu.memory_space<vmem>>, vector<16xf32>,
      %add3A_244 = arith.constant 240 : i32
      %add3A_245 = vector.broadcast %add3A_244 : i32 to vector<16xi32>
      %add3A_246 = arith.addi %add3A_104, %add3A_245 : vector<16xi32>
      tpu.vector_store_idx %arg11[%add3A_246], %get3A_243 {add = true} : memref<5280xf32, #tpu.memory_space<vmem>>[vector<16xi32>], vector<16xf32>,
      %mul3A_247 = arith.mulf %get3A_243, %get3A_243 : vector<16xf32>
      %add3A_248 = arith.addf %add3A_239, %mul3A_247 : vector<16xf32>
      %get3A_249 = arith.constant 16 : i32
      %get3A_250 = arith.index_cast %get3A_249 : i32 to index
      %get3A_251 = arith.index_cast %mul3A_47 : i32 to index
      %get3A_252 = tpu.vector_load %arg7[%get3A_250, %get3A_251] {strides = array<i32>} : memref<64x1024xf32, #tpu.memory_space<vmem>>, vector<16xf32>,
      %add3A_253 = arith.constant 256 : i32
      %add3A_254 = vector.broadcast %add3A_253 : i32 to vector<16xi32>
      %add3A_255 = arith.addi %add3A_104, %add3A_254 : vector<16xi32>
      tpu.vector_store_idx %arg11[%add3A_255], %get3A_252 {add = true} : memref<5280xf32, #tpu.memory_space<vmem>>[vector<16xi32>], vector<16xf32>,
      %mul3A_256 = arith.mulf %get3A_252, %get3A_252 : vector<16xf32>
      %add3A_257 = arith.addf %add3A_248, %mul3A_256 : vector<16xf32>
      %get3A_258 = arith.constant 17 : i32
      %get3A_259 = arith.index_cast %get3A_258 : i32 to index
      %get3A_260 = arith.index_cast %mul3A_47 : i32 to index
      %get3A_261 = tpu.vector_load %arg7[%get3A_259, %get3A_260] {strides = array<i32>} : memref<64x1024xf32, #tpu.memory_space<vmem>>, vector<16xf32>,
      %add3A_262 = arith.constant 272 : i32
      %add3A_263 = vector.broadcast %add3A_262 : i32 to vector<16xi32>
      %add3A_264 = arith.addi %add3A_104, %add3A_263 : vector<16xi32>
      tpu.vector_store_idx %arg11[%add3A_264], %get3A_261 {add = true} : memref<5280xf32, #tpu.memory_space<vmem>>[vector<16xi32>], vector<16xf32>,
      %mul3A_265 = arith.mulf %get3A_261, %get3A_261 : vector<16xf32>
      %add3A_266 = arith.addf %add3A_257, %mul3A_265 : vector<16xf32>
      %get3A_267 = arith.constant 18 : i32
      %get3A_268 = arith.index_cast %get3A_267 : i32 to index
      %get3A_269 = arith.index_cast %mul3A_47 : i32 to index
      %get3A_270 = tpu.vector_load %arg7[%get3A_268, %get3A_269] {strides = array<i32>} : memref<64x1024xf32, #tpu.memory_space<vmem>>, vector<16xf32>,
      %add3A_271 = arith.constant 288 : i32
      %add3A_272 = vector.broadcast %add3A_271 : i32 to vector<16xi32>
      %add3A_273 = arith.addi %add3A_104, %add3A_272 : vector<16xi32>
      tpu.vector_store_idx %arg11[%add3A_273], %get3A_270 {add = true} : memref<5280xf32, #tpu.memory_space<vmem>>[vector<16xi32>], vector<16xf32>,
      %mul3A_274 = arith.mulf %get3A_270, %get3A_270 : vector<16xf32>
      %add3A_275 = arith.addf %add3A_266, %mul3A_274 : vector<16xf32>
      %get3A_276 = arith.constant 19 : i32
      %get3A_277 = arith.index_cast %get3A_276 : i32 to index
      %get3A_278 = arith.index_cast %mul3A_47 : i32 to index
      %get3A_279 = tpu.vector_load %arg7[%get3A_277, %get3A_278] {strides = array<i32>} : memref<64x1024xf32, #tpu.memory_space<vmem>>, vector<16xf32>,
      %add3A_280 = arith.constant 304 : i32
      %add3A_281 = vector.broadcast %add3A_280 : i32 to vector<16xi32>
      %add3A_282 = arith.addi %add3A_104, %add3A_281 : vector<16xi32>
      tpu.vector_store_idx %arg11[%add3A_282], %get3A_279 {add = true} : memref<5280xf32, #tpu.memory_space<vmem>>[vector<16xi32>], vector<16xf32>,
      %mul3A_283 = arith.mulf %get3A_279, %get3A_279 : vector<16xf32>
      %add3A_284 = arith.addf %add3A_275, %mul3A_283 : vector<16xf32>
      %get3A_285 = arith.constant 20 : i32
      %get3A_286 = arith.index_cast %get3A_285 : i32 to index
      %get3A_287 = arith.index_cast %mul3A_47 : i32 to index
      %get3A_288 = tpu.vector_load %arg7[%get3A_286, %get3A_287] {strides = array<i32>} : memref<64x1024xf32, #tpu.memory_space<vmem>>, vector<16xf32>,
      %add3A_289 = arith.constant 320 : i32
      %add3A_290 = vector.broadcast %add3A_289 : i32 to vector<16xi32>
      %add3A_291 = arith.addi %add3A_104, %add3A_290 : vector<16xi32>
      tpu.vector_store_idx %arg11[%add3A_291], %get3A_288 {add = true} : memref<5280xf32, #tpu.memory_space<vmem>>[vector<16xi32>], vector<16xf32>,
      %mul3A_292 = arith.mulf %get3A_288, %get3A_288 : vector<16xf32>
      %add3A_293 = arith.addf %add3A_284, %mul3A_292 : vector<16xf32>
      %get3A_294 = arith.constant 21 : i32
      %get3A_295 = arith.index_cast %get3A_294 : i32 to index
      %get3A_296 = arith.index_cast %mul3A_47 : i32 to index
      %get3A_297 = tpu.vector_load %arg7[%get3A_295, %get3A_296] {strides = array<i32>} : memref<64x1024xf32, #tpu.memory_space<vmem>>, vector<16xf32>,
      %add3A_298 = arith.constant 336 : i32
      %add3A_299 = vector.broadcast %add3A_298 : i32 to vector<16xi32>
      %add3A_300 = arith.addi %add3A_104, %add3A_299 : vector<16xi32>
      tpu.vector_store_idx %arg11[%add3A_300], %get3A_297 {add = true} : memref<5280xf32, #tpu.memory_space<vmem>>[vector<16xi32>], vector<16xf32>,
      %mul3A_301 = arith.mulf %get3A_297, %get3A_297 : vector<16xf32>
      %add3A_302 = arith.addf %add3A_293, %mul3A_301 : vector<16xf32>
      %get3A_303 = arith.constant 22 : i32
      %get3A_304 = arith.index_cast %get3A_303 : i32 to index
      %get3A_305 = arith.index_cast %mul3A_47 : i32 to index
      %get3A_306 = tpu.vector_load %arg7[%get3A_304, %get3A_305] {strides = array<i32>} : memref<64x1024xf32, #tpu.memory_space<vmem>>, vector<16xf32>,
      %add3A_307 = arith.constant 352 : i32
      %add3A_308 = vector.broadcast %add3A_307 : i32 to vector<16xi32>
      %add3A_309 = arith.addi %add3A_104, %add3A_308 : vector<16xi32>
      tpu.vector_store_idx %arg11[%add3A_309], %get3A_306 {add = true} : memref<5280xf32, #tpu.memory_space<vmem>>[vector<16xi32>], vector<16xf32>,
      %mul3A_310 = arith.mulf %get3A_306, %get3A_306 : vector<16xf32>
      %add3A_311 = arith.addf %add3A_302, %mul3A_310 : vector<16xf32>
      %get3A_312 = arith.constant 23 : i32
      %get3A_313 = arith.index_cast %get3A_312 : i32 to index
      %get3A_314 = arith.index_cast %mul3A_47 : i32 to index
      %get3A_315 = tpu.vector_load %arg7[%get3A_313, %get3A_314] {strides = array<i32>} : memref<64x1024xf32, #tpu.memory_space<vmem>>, vector<16xf32>,
      %add3A_316 = arith.constant 368 : i32
      %add3A_317 = vector.broadcast %add3A_316 : i32 to vector<16xi32>
      %add3A_318 = arith.addi %add3A_104, %add3A_317 : vector<16xi32>
      tpu.vector_store_idx %arg11[%add3A_318], %get3A_315 {add = true} : memref<5280xf32, #tpu.memory_space<vmem>>[vector<16xi32>], vector<16xf32>,
      %mul3A_319 = arith.mulf %get3A_315, %get3A_315 : vector<16xf32>
      %add3A_320 = arith.addf %add3A_311, %mul3A_319 : vector<16xf32>
      %get3A_321 = arith.constant 24 : i32
      %get3A_322 = arith.index_cast %get3A_321 : i32 to index
      %get3A_323 = arith.index_cast %mul3A_47 : i32 to index
      %get3A_324 = tpu.vector_load %arg7[%get3A_322, %get3A_323] {strides = array<i32>} : memref<64x1024xf32, #tpu.memory_space<vmem>>, vector<16xf32>,
      %add3A_325 = arith.constant 384 : i32
      %add3A_326 = vector.broadcast %add3A_325 : i32 to vector<16xi32>
      %add3A_327 = arith.addi %add3A_104, %add3A_326 : vector<16xi32>
      tpu.vector_store_idx %arg11[%add3A_327], %get3A_324 {add = true} : memref<5280xf32, #tpu.memory_space<vmem>>[vector<16xi32>], vector<16xf32>,
      %mul3A_328 = arith.mulf %get3A_324, %get3A_324 : vector<16xf32>
      %add3A_329 = arith.addf %add3A_320, %mul3A_328 : vector<16xf32>
      %get3A_330 = arith.constant 25 : i32
      %get3A_331 = arith.index_cast %get3A_330 : i32 to index
      %get3A_332 = arith.index_cast %mul3A_47 : i32 to index
      %get3A_333 = tpu.vector_load %arg7[%get3A_331, %get3A_332] {strides = array<i32>} : memref<64x1024xf32, #tpu.memory_space<vmem>>, vector<16xf32>,
      %add3A_334 = arith.constant 400 : i32
      %add3A_335 = vector.broadcast %add3A_334 : i32 to vector<16xi32>
      %add3A_336 = arith.addi %add3A_104, %add3A_335 : vector<16xi32>
      tpu.vector_store_idx %arg11[%add3A_336], %get3A_333 {add = true} : memref<5280xf32, #tpu.memory_space<vmem>>[vector<16xi32>], vector<16xf32>,
      %mul3A_337 = arith.mulf %get3A_333, %get3A_333 : vector<16xf32>
      %add3A_338 = arith.addf %add3A_329, %mul3A_337 : vector<16xf32>
      %get3A_339 = arith.constant 26 : i32
      %get3A_340 = arith.index_cast %get3A_339 : i32 to index
      %get3A_341 = arith.index_cast %mul3A_47 : i32 to index
      %get3A_342 = tpu.vector_load %arg7[%get3A_340, %get3A_341] {strides = array<i32>} : memref<64x1024xf32, #tpu.memory_space<vmem>>, vector<16xf32>,
      %add3A_343 = arith.constant 416 : i32
      %add3A_344 = vector.broadcast %add3A_343 : i32 to vector<16xi32>
      %add3A_345 = arith.addi %add3A_104, %add3A_344 : vector<16xi32>
      tpu.vector_store_idx %arg11[%add3A_345], %get3A_342 {add = true} : memref<5280xf32, #tpu.memory_space<vmem>>[vector<16xi32>], vector<16xf32>,
      %mul3A_346 = arith.mulf %get3A_342, %get3A_342 : vector<16xf32>
      %add3A_347 = arith.addf %add3A_338, %mul3A_346 : vector<16xf32>
      %get3A_348 = arith.constant 27 : i32
      %get3A_349 = arith.index_cast %get3A_348 : i32 to index
      %get3A_350 = arith.index_cast %mul3A_47 : i32 to index
      %get3A_351 = tpu.vector_load %arg7[%get3A_349, %get3A_350] {strides = array<i32>} : memref<64x1024xf32, #tpu.memory_space<vmem>>, vector<16xf32>,
      %add3A_352 = arith.constant 432 : i32
      %add3A_353 = vector.broadcast %add3A_352 : i32 to vector<16xi32>
      %add3A_354 = arith.addi %add3A_104, %add3A_353 : vector<16xi32>
      tpu.vector_store_idx %arg11[%add3A_354], %get3A_351 {add = true} : memref<5280xf32, #tpu.memory_space<vmem>>[vector<16xi32>], vector<16xf32>,
      %mul3A_355 = arith.mulf %get3A_351, %get3A_351 : vector<16xf32>
      %add3A_356 = arith.addf %add3A_347, %mul3A_355 : vector<16xf32>
      %get3A_357 = arith.constant 28 : i32
      %get3A_358 = arith.index_cast %get3A_357 : i32 to index
      %get3A_359 = arith.index_cast %mul3A_47 : i32 to index
      %get3A_360 = tpu.vector_load %arg7[%get3A_358, %get3A_359] {strides = array<i32>} : memref<64x1024xf32, #tpu.memory_space<vmem>>, vector<16xf32>,
      %add3A_361 = arith.constant 448 : i32
      %add3A_362 = vector.broadcast %add3A_361 : i32 to vector<16xi32>
      %add3A_363 = arith.addi %add3A_104, %add3A_362 : vector<16xi32>
      tpu.vector_store_idx %arg11[%add3A_363], %get3A_360 {add = true} : memref<5280xf32, #tpu.memory_space<vmem>>[vector<16xi32>], vector<16xf32>,
      %mul3A_364 = arith.mulf %get3A_360, %get3A_360 : vector<16xf32>
      %add3A_365 = arith.addf %add3A_356, %mul3A_364 : vector<16xf32>
      %get3A_366 = arith.constant 29 : i32
      %get3A_367 = arith.index_cast %get3A_366 : i32 to index
      %get3A_368 = arith.index_cast %mul3A_47 : i32 to index
      %get3A_369 = tpu.vector_load %arg7[%get3A_367, %get3A_368] {strides = array<i32>} : memref<64x1024xf32, #tpu.memory_space<vmem>>, vector<16xf32>,
      %add3A_370 = arith.constant 464 : i32
      %add3A_371 = vector.broadcast %add3A_370 : i32 to vector<16xi32>
      %add3A_372 = arith.addi %add3A_104, %add3A_371 : vector<16xi32>
      tpu.vector_store_idx %arg11[%add3A_372], %get3A_369 {add = true} : memref<5280xf32, #tpu.memory_space<vmem>>[vector<16xi32>], vector<16xf32>,
      %mul3A_373 = arith.mulf %get3A_369, %get3A_369 : vector<16xf32>
      %add3A_374 = arith.addf %add3A_365, %mul3A_373 : vector<16xf32>
      %get3A_375 = arith.constant 30 : i32
      %get3A_376 = arith.index_cast %get3A_375 : i32 to index
      %get3A_377 = arith.index_cast %mul3A_47 : i32 to index
      %get3A_378 = tpu.vector_load %arg7[%get3A_376, %get3A_377] {strides = array<i32>} : memref<64x1024xf32, #tpu.memory_space<vmem>>, vector<16xf32>,
      %add3A_379 = arith.constant 480 : i32
      %add3A_380 = vector.broadcast %add3A_379 : i32 to vector<16xi32>
      %add3A_381 = arith.addi %add3A_104, %add3A_380 : vector<16xi32>
      tpu.vector_store_idx %arg11[%add3A_381], %get3A_378 {add = true} : memref<5280xf32, #tpu.memory_space<vmem>>[vector<16xi32>], vector<16xf32>,
      %mul3A_382 = arith.mulf %get3A_378, %get3A_378 : vector<16xf32>
      %add3A_383 = arith.addf %add3A_374, %mul3A_382 : vector<16xf32>
      %get3A_384 = arith.constant 31 : i32
      %get3A_385 = arith.index_cast %get3A_384 : i32 to index
      %get3A_386 = arith.index_cast %mul3A_47 : i32 to index
      %get3A_387 = tpu.vector_load %arg7[%get3A_385, %get3A_386] {strides = array<i32>} : memref<64x1024xf32, #tpu.memory_space<vmem>>, vector<16xf32>,
      %add3A_388 = arith.constant 496 : i32
      %add3A_389 = vector.broadcast %add3A_388 : i32 to vector<16xi32>
      %add3A_390 = arith.addi %add3A_104, %add3A_389 : vector<16xi32>
      tpu.vector_store_idx %arg11[%add3A_390], %get3A_387 {add = true} : memref<5280xf32, #tpu.memory_space<vmem>>[vector<16xi32>], vector<16xf32>,
      %mul3A_391 = arith.mulf %get3A_387, %get3A_387 : vector<16xf32>
      %add3A_392 = arith.addf %add3A_383, %mul3A_391 : vector<16xf32>
      %get3A_393 = arith.constant 32 : i32
      %get3A_394 = arith.index_cast %get3A_393 : i32 to index
      %get3A_395 = arith.index_cast %mul3A_47 : i32 to index
      %get3A_396 = tpu.vector_load %arg7[%get3A_394, %get3A_395] {strides = array<i32>} : memref<64x1024xf32, #tpu.memory_space<vmem>>, vector<16xf32>,
      %add3A_397 = arith.constant 512 : i32
      %add3A_398 = vector.broadcast %add3A_397 : i32 to vector<16xi32>
      %add3A_399 = arith.addi %add3A_104, %add3A_398 : vector<16xi32>
      tpu.vector_store_idx %arg11[%add3A_399], %get3A_396 {add = true} : memref<5280xf32, #tpu.memory_space<vmem>>[vector<16xi32>], vector<16xf32>,
      %mul3A_400 = arith.mulf %get3A_396, %get3A_396 : vector<16xf32>
      %add3A_401 = arith.addf %add3A_392, %mul3A_400 : vector<16xf32>
      %get3A_402 = arith.constant 33 : i32
      %get3A_403 = arith.index_cast %get3A_402 : i32 to index
      %get3A_404 = arith.index_cast %mul3A_47 : i32 to index
      %get3A_405 = tpu.vector_load %arg7[%get3A_403, %get3A_404] {strides = array<i32>} : memref<64x1024xf32, #tpu.memory_space<vmem>>, vector<16xf32>,
      %add3A_406 = arith.constant 528 : i32
      %add3A_407 = vector.broadcast %add3A_406 : i32 to vector<16xi32>
      %add3A_408 = arith.addi %add3A_104, %add3A_407 : vector<16xi32>
      tpu.vector_store_idx %arg11[%add3A_408], %get3A_405 {add = true} : memref<5280xf32, #tpu.memory_space<vmem>>[vector<16xi32>], vector<16xf32>,
      %mul3A_409 = arith.mulf %get3A_405, %get3A_405 : vector<16xf32>
      %add3A_410 = arith.addf %add3A_401, %mul3A_409 : vector<16xf32>
      %get3A_411 = arith.constant 34 : i32
      %get3A_412 = arith.index_cast %get3A_411 : i32 to index
      %get3A_413 = arith.index_cast %mul3A_47 : i32 to index
      %get3A_414 = tpu.vector_load %arg7[%get3A_412, %get3A_413] {strides = array<i32>} : memref<64x1024xf32, #tpu.memory_space<vmem>>, vector<16xf32>,
      %add3A_415 = arith.constant 544 : i32
      %add3A_416 = vector.broadcast %add3A_415 : i32 to vector<16xi32>
      %add3A_417 = arith.addi %add3A_104, %add3A_416 : vector<16xi32>
      tpu.vector_store_idx %arg11[%add3A_417], %get3A_414 {add = true} : memref<5280xf32, #tpu.memory_space<vmem>>[vector<16xi32>], vector<16xf32>,
      %mul3A_418 = arith.mulf %get3A_414, %get3A_414 : vector<16xf32>
      %add3A_419 = arith.addf %add3A_410, %mul3A_418 : vector<16xf32>
      %get3A_420 = arith.constant 35 : i32
      %get3A_421 = arith.index_cast %get3A_420 : i32 to index
      %get3A_422 = arith.index_cast %mul3A_47 : i32 to index
      %get3A_423 = tpu.vector_load %arg7[%get3A_421, %get3A_422] {strides = array<i32>} : memref<64x1024xf32, #tpu.memory_space<vmem>>, vector<16xf32>,
      %add3A_424 = arith.constant 560 : i32
      %add3A_425 = vector.broadcast %add3A_424 : i32 to vector<16xi32>
      %add3A_426 = arith.addi %add3A_104, %add3A_425 : vector<16xi32>
      tpu.vector_store_idx %arg11[%add3A_426], %get3A_423 {add = true} : memref<5280xf32, #tpu.memory_space<vmem>>[vector<16xi32>], vector<16xf32>,
      %mul3A_427 = arith.mulf %get3A_423, %get3A_423 : vector<16xf32>
      %add3A_428 = arith.addf %add3A_419, %mul3A_427 : vector<16xf32>
      %get3A_429 = arith.constant 36 : i32
      %get3A_430 = arith.index_cast %get3A_429 : i32 to index
      %get3A_431 = arith.index_cast %mul3A_47 : i32 to index
      %get3A_432 = tpu.vector_load %arg7[%get3A_430, %get3A_431] {strides = array<i32>} : memref<64x1024xf32, #tpu.memory_space<vmem>>, vector<16xf32>,
      %add3A_433 = arith.constant 576 : i32
      %add3A_434 = vector.broadcast %add3A_433 : i32 to vector<16xi32>
      %add3A_435 = arith.addi %add3A_104, %add3A_434 : vector<16xi32>
      tpu.vector_store_idx %arg11[%add3A_435], %get3A_432 {add = true} : memref<5280xf32, #tpu.memory_space<vmem>>[vector<16xi32>], vector<16xf32>,
      %mul3A_436 = arith.mulf %get3A_432, %get3A_432 : vector<16xf32>
      %add3A_437 = arith.addf %add3A_428, %mul3A_436 : vector<16xf32>
      %get3A_438 = arith.constant 37 : i32
      %get3A_439 = arith.index_cast %get3A_438 : i32 to index
      %get3A_440 = arith.index_cast %mul3A_47 : i32 to index
      %get3A_441 = tpu.vector_load %arg7[%get3A_439, %get3A_440] {strides = array<i32>} : memref<64x1024xf32, #tpu.memory_space<vmem>>, vector<16xf32>,
      %add3A_442 = arith.constant 592 : i32
      %add3A_443 = vector.broadcast %add3A_442 : i32 to vector<16xi32>
      %add3A_444 = arith.addi %add3A_104, %add3A_443 : vector<16xi32>
      tpu.vector_store_idx %arg11[%add3A_444], %get3A_441 {add = true} : memref<5280xf32, #tpu.memory_space<vmem>>[vector<16xi32>], vector<16xf32>,
      %mul3A_445 = arith.mulf %get3A_441, %get3A_441 : vector<16xf32>
      %add3A_446 = arith.addf %add3A_437, %mul3A_445 : vector<16xf32>
      %get3A_447 = arith.constant 38 : i32
      %get3A_448 = arith.index_cast %get3A_447 : i32 to index
      %get3A_449 = arith.index_cast %mul3A_47 : i32 to index
      %get3A_450 = tpu.vector_load %arg7[%get3A_448, %get3A_449] {strides = array<i32>} : memref<64x1024xf32, #tpu.memory_space<vmem>>, vector<16xf32>,
      %add3A_451 = arith.constant 608 : i32
      %add3A_452 = vector.broadcast %add3A_451 : i32 to vector<16xi32>
      %add3A_453 = arith.addi %add3A_104, %add3A_452 : vector<16xi32>
      tpu.vector_store_idx %arg11[%add3A_453], %get3A_450 {add = true} : memref<5280xf32, #tpu.memory_space<vmem>>[vector<16xi32>], vector<16xf32>,
      %mul3A_454 = arith.mulf %get3A_450, %get3A_450 : vector<16xf32>
      %add3A_455 = arith.addf %add3A_446, %mul3A_454 : vector<16xf32>
      %get3A_456 = arith.constant 39 : i32
      %get3A_457 = arith.index_cast %get3A_456 : i32 to index
      %get3A_458 = arith.index_cast %mul3A_47 : i32 to index
      %get3A_459 = tpu.vector_load %arg7[%get3A_457, %get3A_458] {strides = array<i32>} : memref<64x1024xf32, #tpu.memory_space<vmem>>, vector<16xf32>,
      %add3A_460 = arith.constant 624 : i32
      %add3A_461 = vector.broadcast %add3A_460 : i32 to vector<16xi32>
      %add3A_462 = arith.addi %add3A_104, %add3A_461 : vector<16xi32>
      tpu.vector_store_idx %arg11[%add3A_462], %get3A_459 {add = true} : memref<5280xf32, #tpu.memory_space<vmem>>[vector<16xi32>], vector<16xf32>,
      %mul3A_463 = arith.mulf %get3A_459, %get3A_459 : vector<16xf32>
      %add3A_464 = arith.addf %add3A_455, %mul3A_463 : vector<16xf32>
      %get3A_465 = arith.constant 40 : i32
      %get3A_466 = arith.index_cast %get3A_465 : i32 to index
      %get3A_467 = arith.index_cast %mul3A_47 : i32 to index
      %get3A_468 = tpu.vector_load %arg7[%get3A_466, %get3A_467] {strides = array<i32>} : memref<64x1024xf32, #tpu.memory_space<vmem>>, vector<16xf32>,
      %add3A_469 = arith.constant 640 : i32
      %add3A_470 = vector.broadcast %add3A_469 : i32 to vector<16xi32>
      %add3A_471 = arith.addi %add3A_104, %add3A_470 : vector<16xi32>
      tpu.vector_store_idx %arg11[%add3A_471], %get3A_468 {add = true} : memref<5280xf32, #tpu.memory_space<vmem>>[vector<16xi32>], vector<16xf32>,
      %mul3A_472 = arith.mulf %get3A_468, %get3A_468 : vector<16xf32>
      %add3A_473 = arith.addf %add3A_464, %mul3A_472 : vector<16xf32>
      %get3A_474 = arith.constant 41 : i32
      %get3A_475 = arith.index_cast %get3A_474 : i32 to index
      %get3A_476 = arith.index_cast %mul3A_47 : i32 to index
      %get3A_477 = tpu.vector_load %arg7[%get3A_475, %get3A_476] {strides = array<i32>} : memref<64x1024xf32, #tpu.memory_space<vmem>>, vector<16xf32>,
      %add3A_478 = arith.constant 656 : i32
      %add3A_479 = vector.broadcast %add3A_478 : i32 to vector<16xi32>
      %add3A_480 = arith.addi %add3A_104, %add3A_479 : vector<16xi32>
      tpu.vector_store_idx %arg11[%add3A_480], %get3A_477 {add = true} : memref<5280xf32, #tpu.memory_space<vmem>>[vector<16xi32>], vector<16xf32>,
      %mul3A_481 = arith.mulf %get3A_477, %get3A_477 : vector<16xf32>
      %add3A_482 = arith.addf %add3A_473, %mul3A_481 : vector<16xf32>
      %get3A_483 = arith.constant 42 : i32
      %get3A_484 = arith.index_cast %get3A_483 : i32 to index
      %get3A_485 = arith.index_cast %mul3A_47 : i32 to index
      %get3A_486 = tpu.vector_load %arg7[%get3A_484, %get3A_485] {strides = array<i32>} : memref<64x1024xf32, #tpu.memory_space<vmem>>, vector<16xf32>,
      %add3A_487 = arith.constant 672 : i32
      %add3A_488 = vector.broadcast %add3A_487 : i32 to vector<16xi32>
      %add3A_489 = arith.addi %add3A_104, %add3A_488 : vector<16xi32>
      tpu.vector_store_idx %arg11[%add3A_489], %get3A_486 {add = true} : memref<5280xf32, #tpu.memory_space<vmem>>[vector<16xi32>], vector<16xf32>,
      %mul3A_490 = arith.mulf %get3A_486, %get3A_486 : vector<16xf32>
      %add3A_491 = arith.addf %add3A_482, %mul3A_490 : vector<16xf32>
      %get3A_492 = arith.constant 43 : i32
      %get3A_493 = arith.index_cast %get3A_492 : i32 to index
      %get3A_494 = arith.index_cast %mul3A_47 : i32 to index
      %get3A_495 = tpu.vector_load %arg7[%get3A_493, %get3A_494] {strides = array<i32>} : memref<64x1024xf32, #tpu.memory_space<vmem>>, vector<16xf32>,
      %add3A_496 = arith.constant 688 : i32
      %add3A_497 = vector.broadcast %add3A_496 : i32 to vector<16xi32>
      %add3A_498 = arith.addi %add3A_104, %add3A_497 : vector<16xi32>
      tpu.vector_store_idx %arg11[%add3A_498], %get3A_495 {add = true} : memref<5280xf32, #tpu.memory_space<vmem>>[vector<16xi32>], vector<16xf32>,
      %mul3A_499 = arith.mulf %get3A_495, %get3A_495 : vector<16xf32>
      %add3A_500 = arith.addf %add3A_491, %mul3A_499 : vector<16xf32>
      %get3A_501 = arith.constant 44 : i32
      %get3A_502 = arith.index_cast %get3A_501 : i32 to index
      %get3A_503 = arith.index_cast %mul3A_47 : i32 to index
      %get3A_504 = tpu.vector_load %arg7[%get3A_502, %get3A_503] {strides = array<i32>} : memref<64x1024xf32, #tpu.memory_space<vmem>>, vector<16xf32>,
      %add3A_505 = arith.constant 704 : i32
      %add3A_506 = vector.broadcast %add3A_505 : i32 to vector<16xi32>
      %add3A_507 = arith.addi %add3A_104, %add3A_506 : vector<16xi32>
      tpu.vector_store_idx %arg11[%add3A_507], %get3A_504 {add = true} : memref<5280xf32, #tpu.memory_space<vmem>>[vector<16xi32>], vector<16xf32>,
      %mul3A_508 = arith.mulf %get3A_504, %get3A_504 : vector<16xf32>
      %add3A_509 = arith.addf %add3A_500, %mul3A_508 : vector<16xf32>
      %get3A_510 = arith.constant 45 : i32
      %get3A_511 = arith.index_cast %get3A_510 : i32 to index
      %get3A_512 = arith.index_cast %mul3A_47 : i32 to index
      %get3A_513 = tpu.vector_load %arg7[%get3A_511, %get3A_512] {strides = array<i32>} : memref<64x1024xf32, #tpu.memory_space<vmem>>, vector<16xf32>,
      %add3A_514 = arith.constant 720 : i32
      %add3A_515 = vector.broadcast %add3A_514 : i32 to vector<16xi32>
      %add3A_516 = arith.addi %add3A_104, %add3A_515 : vector<16xi32>
      tpu.vector_store_idx %arg11[%add3A_516], %get3A_513 {add = true} : memref<5280xf32, #tpu.memory_space<vmem>>[vector<16xi32>], vector<16xf32>,
      %mul3A_517 = arith.mulf %get3A_513, %get3A_513 : vector<16xf32>
      %add3A_518 = arith.addf %add3A_509, %mul3A_517 : vector<16xf32>
      %get3A_519 = arith.constant 46 : i32
      %get3A_520 = arith.index_cast %get3A_519 : i32 to index
      %get3A_521 = arith.index_cast %mul3A_47 : i32 to index
      %get3A_522 = tpu.vector_load %arg7[%get3A_520, %get3A_521] {strides = array<i32>} : memref<64x1024xf32, #tpu.memory_space<vmem>>, vector<16xf32>,
      %add3A_523 = arith.constant 736 : i32
      %add3A_524 = vector.broadcast %add3A_523 : i32 to vector<16xi32>
      %add3A_525 = arith.addi %add3A_104, %add3A_524 : vector<16xi32>
      tpu.vector_store_idx %arg11[%add3A_525], %get3A_522 {add = true} : memref<5280xf32, #tpu.memory_space<vmem>>[vector<16xi32>], vector<16xf32>,
      %mul3A_526 = arith.mulf %get3A_522, %get3A_522 : vector<16xf32>
      %add3A_527 = arith.addf %add3A_518, %mul3A_526 : vector<16xf32>
      %get3A_528 = arith.constant 47 : i32
      %get3A_529 = arith.index_cast %get3A_528 : i32 to index
      %get3A_530 = arith.index_cast %mul3A_47 : i32 to index
      %get3A_531 = tpu.vector_load %arg7[%get3A_529, %get3A_530] {strides = array<i32>} : memref<64x1024xf32, #tpu.memory_space<vmem>>, vector<16xf32>,
      %add3A_532 = arith.constant 752 : i32
      %add3A_533 = vector.broadcast %add3A_532 : i32 to vector<16xi32>
      %add3A_534 = arith.addi %add3A_104, %add3A_533 : vector<16xi32>
      tpu.vector_store_idx %arg11[%add3A_534], %get3A_531 {add = true} : memref<5280xf32, #tpu.memory_space<vmem>>[vector<16xi32>], vector<16xf32>,
      %mul3A_535 = arith.mulf %get3A_531, %get3A_531 : vector<16xf32>
      %add3A_536 = arith.addf %add3A_527, %mul3A_535 : vector<16xf32>
      %get3A_537 = arith.constant 48 : i32
      %get3A_538 = arith.index_cast %get3A_537 : i32 to index
      %get3A_539 = arith.index_cast %mul3A_47 : i32 to index
      %get3A_540 = tpu.vector_load %arg7[%get3A_538, %get3A_539] {strides = array<i32>} : memref<64x1024xf32, #tpu.memory_space<vmem>>, vector<16xf32>,
      %add3A_541 = arith.constant 768 : i32
      %add3A_542 = vector.broadcast %add3A_541 : i32 to vector<16xi32>
      %add3A_543 = arith.addi %add3A_104, %add3A_542 : vector<16xi32>
      tpu.vector_store_idx %arg11[%add3A_543], %get3A_540 {add = true} : memref<5280xf32, #tpu.memory_space<vmem>>[vector<16xi32>], vector<16xf32>,
      %mul3A_544 = arith.mulf %get3A_540, %get3A_540 : vector<16xf32>
      %add3A_545 = arith.addf %add3A_536, %mul3A_544 : vector<16xf32>
      %get3A_546 = arith.constant 49 : i32
      %get3A_547 = arith.index_cast %get3A_546 : i32 to index
      %get3A_548 = arith.index_cast %mul3A_47 : i32 to index
      %get3A_549 = tpu.vector_load %arg7[%get3A_547, %get3A_548] {strides = array<i32>} : memref<64x1024xf32, #tpu.memory_space<vmem>>, vector<16xf32>,
      %add3A_550 = arith.constant 784 : i32
      %add3A_551 = vector.broadcast %add3A_550 : i32 to vector<16xi32>
      %add3A_552 = arith.addi %add3A_104, %add3A_551 : vector<16xi32>
      tpu.vector_store_idx %arg11[%add3A_552], %get3A_549 {add = true} : memref<5280xf32, #tpu.memory_space<vmem>>[vector<16xi32>], vector<16xf32>,
      %mul3A_553 = arith.mulf %get3A_549, %get3A_549 : vector<16xf32>
      %add3A_554 = arith.addf %add3A_545, %mul3A_553 : vector<16xf32>
      %get3A_555 = arith.constant 50 : i32
      %get3A_556 = arith.index_cast %get3A_555 : i32 to index
      %get3A_557 = arith.index_cast %mul3A_47 : i32 to index
      %get3A_558 = tpu.vector_load %arg7[%get3A_556, %get3A_557] {strides = array<i32>} : memref<64x1024xf32, #tpu.memory_space<vmem>>, vector<16xf32>,
      %add3A_559 = arith.constant 800 : i32
      %add3A_560 = vector.broadcast %add3A_559 : i32 to vector<16xi32>
      %add3A_561 = arith.addi %add3A_104, %add3A_560 : vector<16xi32>
      tpu.vector_store_idx %arg11[%add3A_561], %get3A_558 {add = true} : memref<5280xf32, #tpu.memory_space<vmem>>[vector<16xi32>], vector<16xf32>,
      %mul3A_562 = arith.mulf %get3A_558, %get3A_558 : vector<16xf32>
      %add3A_563 = arith.addf %add3A_554, %mul3A_562 : vector<16xf32>
      %get3A_564 = arith.constant 51 : i32
      %get3A_565 = arith.index_cast %get3A_564 : i32 to index
      %get3A_566 = arith.index_cast %mul3A_47 : i32 to index
      %get3A_567 = tpu.vector_load %arg7[%get3A_565, %get3A_566] {strides = array<i32>} : memref<64x1024xf32, #tpu.memory_space<vmem>>, vector<16xf32>,
      %add3A_568 = arith.constant 816 : i32
      %add3A_569 = vector.broadcast %add3A_568 : i32 to vector<16xi32>
      %add3A_570 = arith.addi %add3A_104, %add3A_569 : vector<16xi32>
      tpu.vector_store_idx %arg11[%add3A_570], %get3A_567 {add = true} : memref<5280xf32, #tpu.memory_space<vmem>>[vector<16xi32>], vector<16xf32>,
      %mul3A_571 = arith.mulf %get3A_567, %get3A_567 : vector<16xf32>
      %add3A_572 = arith.addf %add3A_563, %mul3A_571 : vector<16xf32>
      %get3A_573 = arith.constant 52 : i32
      %get3A_574 = arith.index_cast %get3A_573 : i32 to index
      %get3A_575 = arith.index_cast %mul3A_47 : i32 to index
      %get3A_576 = tpu.vector_load %arg7[%get3A_574, %get3A_575] {strides = array<i32>} : memref<64x1024xf32, #tpu.memory_space<vmem>>, vector<16xf32>,
      %add3A_577 = arith.constant 832 : i32
      %add3A_578 = vector.broadcast %add3A_577 : i32 to vector<16xi32>
      %add3A_579 = arith.addi %add3A_104, %add3A_578 : vector<16xi32>
      tpu.vector_store_idx %arg11[%add3A_579], %get3A_576 {add = true} : memref<5280xf32, #tpu.memory_space<vmem>>[vector<16xi32>], vector<16xf32>,
      %mul3A_580 = arith.mulf %get3A_576, %get3A_576 : vector<16xf32>
      %add3A_581 = arith.addf %add3A_572, %mul3A_580 : vector<16xf32>
      %get3A_582 = arith.constant 53 : i32
      %get3A_583 = arith.index_cast %get3A_582 : i32 to index
      %get3A_584 = arith.index_cast %mul3A_47 : i32 to index
      %get3A_585 = tpu.vector_load %arg7[%get3A_583, %get3A_584] {strides = array<i32>} : memref<64x1024xf32, #tpu.memory_space<vmem>>, vector<16xf32>,
      %add3A_586 = arith.constant 848 : i32
      %add3A_587 = vector.broadcast %add3A_586 : i32 to vector<16xi32>
      %add3A_588 = arith.addi %add3A_104, %add3A_587 : vector<16xi32>
      tpu.vector_store_idx %arg11[%add3A_588], %get3A_585 {add = true} : memref<5280xf32, #tpu.memory_space<vmem>>[vector<16xi32>], vector<16xf32>,
      %mul3A_589 = arith.mulf %get3A_585, %get3A_585 : vector<16xf32>
      %add3A_590 = arith.addf %add3A_581, %mul3A_589 : vector<16xf32>
      %get3A_591 = arith.constant 54 : i32
      %get3A_592 = arith.index_cast %get3A_591 : i32 to index
      %get3A_593 = arith.index_cast %mul3A_47 : i32 to index
      %get3A_594 = tpu.vector_load %arg7[%get3A_592, %get3A_593] {strides = array<i32>} : memref<64x1024xf32, #tpu.memory_space<vmem>>, vector<16xf32>,
      %add3A_595 = arith.constant 864 : i32
      %add3A_596 = vector.broadcast %add3A_595 : i32 to vector<16xi32>
      %add3A_597 = arith.addi %add3A_104, %add3A_596 : vector<16xi32>
      tpu.vector_store_idx %arg11[%add3A_597], %get3A_594 {add = true} : memref<5280xf32, #tpu.memory_space<vmem>>[vector<16xi32>], vector<16xf32>,
      %mul3A_598 = arith.mulf %get3A_594, %get3A_594 : vector<16xf32>
      %add3A_599 = arith.addf %add3A_590, %mul3A_598 : vector<16xf32>
      %get3A_600 = arith.constant 55 : i32
      %get3A_601 = arith.index_cast %get3A_600 : i32 to index
      %get3A_602 = arith.index_cast %mul3A_47 : i32 to index
      %get3A_603 = tpu.vector_load %arg7[%get3A_601, %get3A_602] {strides = array<i32>} : memref<64x1024xf32, #tpu.memory_space<vmem>>, vector<16xf32>,
      %add3A_604 = arith.constant 880 : i32
      %add3A_605 = vector.broadcast %add3A_604 : i32 to vector<16xi32>
      %add3A_606 = arith.addi %add3A_104, %add3A_605 : vector<16xi32>
      tpu.vector_store_idx %arg11[%add3A_606], %get3A_603 {add = true} : memref<5280xf32, #tpu.memory_space<vmem>>[vector<16xi32>], vector<16xf32>,
      %mul3A_607 = arith.mulf %get3A_603, %get3A_603 : vector<16xf32>
      %add3A_608 = arith.addf %add3A_599, %mul3A_607 : vector<16xf32>
      %get3A_609 = arith.constant 56 : i32
      %get3A_610 = arith.index_cast %get3A_609 : i32 to index
      %get3A_611 = arith.index_cast %mul3A_47 : i32 to index
      %get3A_612 = tpu.vector_load %arg7[%get3A_610, %get3A_611] {strides = array<i32>} : memref<64x1024xf32, #tpu.memory_space<vmem>>, vector<16xf32>,
      %add3A_613 = arith.constant 896 : i32
      %add3A_614 = vector.broadcast %add3A_613 : i32 to vector<16xi32>
      %add3A_615 = arith.addi %add3A_104, %add3A_614 : vector<16xi32>
      tpu.vector_store_idx %arg11[%add3A_615], %get3A_612 {add = true} : memref<5280xf32, #tpu.memory_space<vmem>>[vector<16xi32>], vector<16xf32>,
      %mul3A_616 = arith.mulf %get3A_612, %get3A_612 : vector<16xf32>
      %add3A_617 = arith.addf %add3A_608, %mul3A_616 : vector<16xf32>
      %get3A_618 = arith.constant 57 : i32
      %get3A_619 = arith.index_cast %get3A_618 : i32 to index
      %get3A_620 = arith.index_cast %mul3A_47 : i32 to index
      %get3A_621 = tpu.vector_load %arg7[%get3A_619, %get3A_620] {strides = array<i32>} : memref<64x1024xf32, #tpu.memory_space<vmem>>, vector<16xf32>,
      %add3A_622 = arith.constant 912 : i32
      %add3A_623 = vector.broadcast %add3A_622 : i32 to vector<16xi32>
      %add3A_624 = arith.addi %add3A_104, %add3A_623 : vector<16xi32>
      tpu.vector_store_idx %arg11[%add3A_624], %get3A_621 {add = true} : memref<5280xf32, #tpu.memory_space<vmem>>[vector<16xi32>], vector<16xf32>,
      %mul3A_625 = arith.mulf %get3A_621, %get3A_621 : vector<16xf32>
      %add3A_626 = arith.addf %add3A_617, %mul3A_625 : vector<16xf32>
      %get3A_627 = arith.constant 58 : i32
      %get3A_628 = arith.index_cast %get3A_627 : i32 to index
      %get3A_629 = arith.index_cast %mul3A_47 : i32 to index
      %get3A_630 = tpu.vector_load %arg7[%get3A_628, %get3A_629] {strides = array<i32>} : memref<64x1024xf32, #tpu.memory_space<vmem>>, vector<16xf32>,
      %add3A_631 = arith.constant 928 : i32
      %add3A_632 = vector.broadcast %add3A_631 : i32 to vector<16xi32>
      %add3A_633 = arith.addi %add3A_104, %add3A_632 : vector<16xi32>
      tpu.vector_store_idx %arg11[%add3A_633], %get3A_630 {add = true} : memref<5280xf32, #tpu.memory_space<vmem>>[vector<16xi32>], vector<16xf32>,
      %mul3A_634 = arith.mulf %get3A_630, %get3A_630 : vector<16xf32>
      %add3A_635 = arith.addf %add3A_626, %mul3A_634 : vector<16xf32>
      %get3A_636 = arith.constant 59 : i32
      %get3A_637 = arith.index_cast %get3A_636 : i32 to index
      %get3A_638 = arith.index_cast %mul3A_47 : i32 to index
      %get3A_639 = tpu.vector_load %arg7[%get3A_637, %get3A_638] {strides = array<i32>} : memref<64x1024xf32, #tpu.memory_space<vmem>>, vector<16xf32>,
      %add3A_640 = arith.constant 944 : i32
      %add3A_641 = vector.broadcast %add3A_640 : i32 to vector<16xi32>
      %add3A_642 = arith.addi %add3A_104, %add3A_641 : vector<16xi32>
      tpu.vector_store_idx %arg11[%add3A_642], %get3A_639 {add = true} : memref<5280xf32, #tpu.memory_space<vmem>>[vector<16xi32>], vector<16xf32>,
      %mul3A_643 = arith.mulf %get3A_639, %get3A_639 : vector<16xf32>
      %add3A_644 = arith.addf %add3A_635, %mul3A_643 : vector<16xf32>
      %get3A_645 = arith.constant 60 : i32
      %get3A_646 = arith.index_cast %get3A_645 : i32 to index
      %get3A_647 = arith.index_cast %mul3A_47 : i32 to index
      %get3A_648 = tpu.vector_load %arg7[%get3A_646, %get3A_647] {strides = array<i32>} : memref<64x1024xf32, #tpu.memory_space<vmem>>, vector<16xf32>,
      %add3A_649 = arith.constant 960 : i32
      %add3A_650 = vector.broadcast %add3A_649 : i32 to vector<16xi32>
      %add3A_651 = arith.addi %add3A_104, %add3A_650 : vector<16xi32>
      tpu.vector_store_idx %arg11[%add3A_651], %get3A_648 {add = true} : memref<5280xf32, #tpu.memory_space<vmem>>[vector<16xi32>], vector<16xf32>,
      %mul3A_652 = arith.mulf %get3A_648, %get3A_648 : vector<16xf32>
      %add3A_653 = arith.addf %add3A_644, %mul3A_652 : vector<16xf32>
      %get3A_654 = arith.constant 61 : i32
      %get3A_655 = arith.index_cast %get3A_654 : i32 to index
      %get3A_656 = arith.index_cast %mul3A_47 : i32 to index
      %get3A_657 = tpu.vector_load %arg7[%get3A_655, %get3A_656] {strides = array<i32>} : memref<64x1024xf32, #tpu.memory_space<vmem>>, vector<16xf32>,
      %add3A_658 = arith.constant 976 : i32
      %add3A_659 = vector.broadcast %add3A_658 : i32 to vector<16xi32>
      %add3A_660 = arith.addi %add3A_104, %add3A_659 : vector<16xi32>
      tpu.vector_store_idx %arg11[%add3A_660], %get3A_657 {add = true} : memref<5280xf32, #tpu.memory_space<vmem>>[vector<16xi32>], vector<16xf32>,
      %mul3A_661 = arith.mulf %get3A_657, %get3A_657 : vector<16xf32>
      %add3A_662 = arith.addf %add3A_653, %mul3A_661 : vector<16xf32>
      %get3A_663 = arith.constant 62 : i32
      %get3A_664 = arith.index_cast %get3A_663 : i32 to index
      %get3A_665 = arith.index_cast %mul3A_47 : i32 to index
      %get3A_666 = tpu.vector_load %arg7[%get3A_664, %get3A_665] {strides = array<i32>} : memref<64x1024xf32, #tpu.memory_space<vmem>>, vector<16xf32>,
      %add3A_667 = arith.constant 992 : i32
      %add3A_668 = vector.broadcast %add3A_667 : i32 to vector<16xi32>
      %add3A_669 = arith.addi %add3A_104, %add3A_668 : vector<16xi32>
      tpu.vector_store_idx %arg11[%add3A_669], %get3A_666 {add = true} : memref<5280xf32, #tpu.memory_space<vmem>>[vector<16xi32>], vector<16xf32>,
      %mul3A_670 = arith.mulf %get3A_666, %get3A_666 : vector<16xf32>
      %add3A_671 = arith.addf %add3A_662, %mul3A_670 : vector<16xf32>
      %get3A_672 = arith.constant 63 : i32
      %get3A_673 = arith.index_cast %get3A_672 : i32 to index
      %get3A_674 = arith.index_cast %mul3A_47 : i32 to index
      %get3A_675 = tpu.vector_load %arg7[%get3A_673, %get3A_674] {strides = array<i32>} : memref<64x1024xf32, #tpu.memory_space<vmem>>, vector<16xf32>,
      %add3A_676 = arith.constant 1008 : i32
      %add3A_677 = vector.broadcast %add3A_676 : i32 to vector<16xi32>
      %add3A_678 = arith.addi %add3A_104, %add3A_677 : vector<16xi32>
      tpu.vector_store_idx %arg11[%add3A_678], %get3A_675 {add = true} : memref<5280xf32, #tpu.memory_space<vmem>>[vector<16xi32>], vector<16xf32>,
      %mul3A_679 = arith.mulf %get3A_675, %get3A_675 : vector<16xf32>
      %add3A_680 = arith.addf %add3A_671, %mul3A_679 : vector<16xf32>
      %add3A_681 = arith.constant 1024 : i32
      %add3A_682 = vector.broadcast %add3A_681 : i32 to vector<16xi32>
      %add3A_683 = arith.addi %add3A_104, %add3A_682 : vector<16xi32>
      tpu.vector_store_idx %arg11[%add3A_683], %broadcast_in_dim3A_3 {add = true} : memref<5280xf32, #tpu.memory_space<vmem>>[vector<16xi32>], vector<16xf32>,
      %add3A_684 = arith.constant 1040 : i32
      %add3A_685 = vector.broadcast %add3A_684 : i32 to vector<16xi32>
      %add3A_686 = arith.addi %add3A_104, %add3A_685 : vector<16xi32>
      tpu.vector_store_idx %arg11[%add3A_686], %add3A_680 {add = true} : memref<5280xf32, #tpu.memory_space<vmem>>[vector<16xi32>], vector<16xf32>,
      %scan3A_687 = arith.constant 0 : i32
      scf.yield %scan3A_687 : i32
    }
    %scan3A_25 = arith.constant 64 : i32
    %get3A_26 = arith.constant 1 : i32
    %get3A_27 = arith.index_cast %get3A_26 : i32 to index
    %get3A_28 = arith.constant 0 : index
    %get3A_29 = tpu.vector_load %arg10[%get3A_27, %get3A_28] {strides = array<i32>} : memref<2x16xf32, #tpu.memory_space<vmem>>, vector<16xf32>,
    %mul3A_30 = arith.constant 1024 : i32
    %mul3A_31 = arith.muli %add3A, %mul3A_30 : i32
    %add3A_32 = arith.constant 0 : i32
    %add3A_33 = arith.addi %mul3A_31, %add3A_32 : i32
    %run_scoped3A_34 = arith.constant 1 : i32
    "tpu.region"() ({
      %run_scoped3A_44 = tpu.sem_alloc : memref<!tpu.dma_semaphore, #tpu.memory_space<semaphore_mem>>
      %dma_start3A = arith.constant 0 : i32
      %dma_start3A_45 = tpu.memref_slice %arg2[%run_scoped3A_34, %dma_start3A, %add3A_33] : memref<2x64x262144xf32, #tpu.memory_space<hbm>> -> memref<1x64x1024xf32, #tpu.memory_space<hbm>>
      %dma_start3A_46 = tpu.memref_squeeze %dma_start3A_45 : memref<1x64x1024xf32, #tpu.memory_space<hbm>> -> memref<64x1024xf32, #tpu.memory_space<hbm>>
      %dma_start3A_47 = arith.constant 0 : i32
      %dma_start3A_48 = tpu.memref_slice %arg2[%run_scoped3A_34, %dma_start3A_47, %add3A_33] : memref<2x64x262144xf32, #tpu.memory_space<hbm>> -> memref<1x64x1024xf32, #tpu.memory_space<hbm>>
      %dma_start3A_49 = tpu.memref_squeeze %dma_start3A_48 : memref<1x64x1024xf32, #tpu.memory_space<hbm>> -> memref<64x1024xf32, #tpu.memory_space<hbm>>
      tpu.enqueue_dma source(%dma_start3A_49 : memref<64x1024xf32, #tpu.memory_space<hbm>>) target(%arg7 : memref<64x1024xf32, #tpu.memory_space<vmem>>) target_semaphore(%run_scoped3A_44 : memref<!tpu.dma_semaphore, #tpu.memory_space<semaphore_mem>>)
      %dma_wait3A = arith.constant 0 : i32
      %dma_wait3A_50 = tpu.memref_slice %arg2[%run_scoped3A_34, %dma_wait3A, %add3A_33] : memref<2x64x262144xf32, #tpu.memory_space<hbm>> -> memref<1x64x1024xf32, #tpu.memory_space<hbm>>
      %dma_wait3A_51 = tpu.memref_squeeze %dma_wait3A_50 : memref<1x64x1024xf32, #tpu.memory_space<hbm>> -> memref<64x1024xf32, #tpu.memory_space<hbm>>
      %dma_wait3A_52 = arith.constant 0 : i32
      %dma_wait3A_53 = tpu.memref_slice %arg2[%run_scoped3A_34, %dma_wait3A_52, %add3A_33] : memref<2x64x262144xf32, #tpu.memory_space<hbm>> -> memref<1x64x1024xf32, #tpu.memory_space<hbm>>
      %dma_wait3A_54 = tpu.memref_squeeze %dma_wait3A_53 : memref<1x64x1024xf32, #tpu.memory_space<hbm>> -> memref<64x1024xf32, #tpu.memory_space<hbm>>
      tpu.wait_dma2 semaphore(%run_scoped3A_44 : memref<!tpu.dma_semaphore, #tpu.memory_space<semaphore_mem>>) src(%dma_wait3A_54 : memref<64x1024xf32, #tpu.memory_space<hbm>>) dst(%arg7 : memref<64x1024xf32, #tpu.memory_space<vmem>>)
      tpu.yield
    }) : () -> ()
    %run_scoped3A_35 = arith.constant 1 : i32
    "tpu.region"() ({
      %run_scoped3A_44 = tpu.sem_alloc : memref<!tpu.dma_semaphore, #tpu.memory_space<semaphore_mem>>
      %dma_start3A = arith.constant 0 : i32
      %dma_start3A_45 = tpu.memref_slice %arg3[%run_scoped3A_35, %dma_start3A, %add3A_33] : memref<2x5x262144xf32, #tpu.memory_space<hbm>> -> memref<1x5x1024xf32, #tpu.memory_space<hbm>>
      %dma_start3A_46 = tpu.memref_squeeze %dma_start3A_45 : memref<1x5x1024xf32, #tpu.memory_space<hbm>> -> memref<5x1024xf32, #tpu.memory_space<hbm>>
      %dma_start3A_47 = arith.constant 0 : i32
      %dma_start3A_48 = tpu.memref_slice %arg3[%run_scoped3A_35, %dma_start3A_47, %add3A_33] : memref<2x5x262144xf32, #tpu.memory_space<hbm>> -> memref<1x5x1024xf32, #tpu.memory_space<hbm>>
      %dma_start3A_49 = tpu.memref_squeeze %dma_start3A_48 : memref<1x5x1024xf32, #tpu.memory_space<hbm>> -> memref<5x1024xf32, #tpu.memory_space<hbm>>
      tpu.enqueue_dma source(%dma_start3A_49 : memref<5x1024xf32, #tpu.memory_space<hbm>>) target(%arg8 : memref<5x1024xf32, #tpu.memory_space<vmem>>) target_semaphore(%run_scoped3A_44 : memref<!tpu.dma_semaphore, #tpu.memory_space<semaphore_mem>>)
      %dma_wait3A = arith.constant 0 : i32
      %dma_wait3A_50 = tpu.memref_slice %arg3[%run_scoped3A_35, %dma_wait3A, %add3A_33] : memref<2x5x262144xf32, #tpu.memory_space<hbm>> -> memref<1x5x1024xf32, #tpu.memory_space<hbm>>
      %dma_wait3A_51 = tpu.memref_squeeze %dma_wait3A_50 : memref<1x5x1024xf32, #tpu.memory_space<hbm>> -> memref<5x1024xf32, #tpu.memory_space<hbm>>
      %dma_wait3A_52 = arith.constant 0 : i32
      %dma_wait3A_53 = tpu.memref_slice %arg3[%run_scoped3A_35, %dma_wait3A_52, %add3A_33] : memref<2x5x262144xf32, #tpu.memory_space<hbm>> -> memref<1x5x1024xf32, #tpu.memory_space<hbm>>
      %dma_wait3A_54 = tpu.memref_squeeze %dma_wait3A_53 : memref<1x5x1024xf32, #tpu.memory_space<hbm>> -> memref<5x1024xf32, #tpu.memory_space<hbm>>
      tpu.wait_dma2 semaphore(%run_scoped3A_44 : memref<!tpu.dma_semaphore, #tpu.memory_space<semaphore_mem>>) src(%dma_wait3A_54 : memref<5x1024xf32, #tpu.memory_space<hbm>>) dst(%arg8 : memref<5x1024xf32, #tpu.memory_space<vmem>>)
      tpu.yield
    }) : () -> ()
    %run_scoped3A_36 = arith.constant 1 : i32
    "tpu.region"() ({
      %run_scoped3A_44 = tpu.sem_alloc : memref<!tpu.dma_semaphore, #tpu.memory_space<semaphore_mem>>
      %dma_start3A = tpu.memref_slice %arg4[%run_scoped3A_36, %add3A_33] : memref<2x262144xi32, #tpu.memory_space<hbm>> -> memref<1x1024xi32, #tpu.memory_space<hbm>>
      %dma_start3A_45 = tpu.memref_squeeze %dma_start3A : memref<1x1024xi32, #tpu.memory_space<hbm>> -> memref<1024xi32, #tpu.memory_space<hbm>>
      %dma_start3A_46 = tpu.memref_slice %arg4[%run_scoped3A_36, %add3A_33] : memref<2x262144xi32, #tpu.memory_space<hbm>> -> memref<1x1024xi32, #tpu.memory_space<hbm>>
      %dma_start3A_47 = tpu.memref_squeeze %dma_start3A_46 : memref<1x1024xi32, #tpu.memory_space<hbm>> -> memref<1024xi32, #tpu.memory_space<hbm>>
      tpu.enqueue_dma source(%dma_start3A_47 : memref<1024xi32, #tpu.memory_space<hbm>>) target(%arg9 : memref<1024xi32, #tpu.memory_space<vmem>>) target_semaphore(%run_scoped3A_44 : memref<!tpu.dma_semaphore, #tpu.memory_space<semaphore_mem>>)
      %dma_wait3A = tpu.memref_slice %arg4[%run_scoped3A_36, %add3A_33] : memref<2x262144xi32, #tpu.memory_space<hbm>> -> memref<1x1024xi32, #tpu.memory_space<hbm>>
      %dma_wait3A_48 = tpu.memref_squeeze %dma_wait3A : memref<1x1024xi32, #tpu.memory_space<hbm>> -> memref<1024xi32, #tpu.memory_space<hbm>>
      %dma_wait3A_49 = tpu.memref_slice %arg4[%run_scoped3A_36, %add3A_33] : memref<2x262144xi32, #tpu.memory_space<hbm>> -> memref<1x1024xi32, #tpu.memory_space<hbm>>
      %dma_wait3A_50 = tpu.memref_squeeze %dma_wait3A_49 : memref<1x1024xi32, #tpu.memory_space<hbm>> -> memref<1024xi32, #tpu.memory_space<hbm>>
      tpu.wait_dma2 semaphore(%run_scoped3A_44 : memref<!tpu.dma_semaphore, #tpu.memory_space<semaphore_mem>>) src(%dma_wait3A_50 : memref<1024xi32, #tpu.memory_space<hbm>>) dst(%arg9 : memref<1024xi32, #tpu.memory_space<vmem>>)
      tpu.yield
    }) : () -> ()
    %scan3A_37 = arith.constant 0 : i32
    %scan3A_38 = arith.constant 0 : i32
    %scan3A_39 = arith.constant 64 : i32
    %scan3A_40 = arith.addi %scan3A_38, %scan3A_39 : i32
    %scan3A_41 = arith.constant 1 : i32
    %scan3A_42 = scf.for %scan3A_44 = %scan3A_38 to %scan3A_40 step %scan3A_41 iter_args(%scan3A_45 = %scan3A_37) -> (i32)  : i32 {
      %mul3A_46 = arith.constant 16 : i32
      %mul3A_47 = arith.muli %scan3A_44, %mul3A_46 : i32
      %get3A_48 = arith.constant 0 : i32
      %get3A_49 = arith.index_cast %get3A_48 : i32 to index
      %get3A_50 = arith.index_cast %mul3A_47 : i32 to index
      %get3A_51 = tpu.vector_load %arg8[%get3A_49, %get3A_50] {strides = array<i32>} : memref<5x1024xf32, #tpu.memory_space<vmem>>, vector<16xf32>,
      %broadcast_in_dim3A_52 = arith.constant 0 : i32
      %broadcast_in_dim3A_53 = vector.broadcast %broadcast_in_dim3A_52 : i32 to vector<16xi32>
      %get3A_54 = arith.constant 1 : i32
      %get3A_55 = arith.index_cast %get3A_54 : i32 to index
      %get3A_56 = arith.index_cast %mul3A_47 : i32 to index
      %get3A_57 = tpu.vector_load %arg8[%get3A_55, %get3A_56] {strides = array<i32>} : memref<5x1024xf32, #tpu.memory_space<vmem>>, vector<16xf32>,
      %gt3A = arith.cmpf ogt, %get3A_57, %get3A_51 : vector<16xf32>
      %select_n3A = arith.select %gt3A, %get3A_57, %get3A_51 : vector<16xi1>, vector<16xf32>
      %jit3A = arith.constant 1 : i32
      %broadcast_in_dim3A_58 = vector.broadcast %jit3A : i32 to vector<16xi32>
      %select_n3A_59 = arith.select %gt3A, %broadcast_in_dim3A_58, %broadcast_in_dim3A_53 : vector<16xi1>, vector<16xi32>
      %get3A_60 = arith.constant 2 : i32
      %get3A_61 = arith.index_cast %get3A_60 : i32 to index
      %get3A_62 = arith.index_cast %mul3A_47 : i32 to index
      %get3A_63 = tpu.vector_load %arg8[%get3A_61, %get3A_62] {strides = array<i32>} : memref<5x1024xf32, #tpu.memory_space<vmem>>, vector<16xf32>,
      %gt3A_64 = arith.cmpf ogt, %get3A_63, %select_n3A : vector<16xf32>
      %select_n3A_65 = arith.select %gt3A_64, %get3A_63, %select_n3A : vector<16xi1>, vector<16xf32>
      %jit3A_66 = arith.constant 2 : i32
      %broadcast_in_dim3A_67 = vector.broadcast %jit3A_66 : i32 to vector<16xi32>
      %select_n3A_68 = arith.select %gt3A_64, %broadcast_in_dim3A_67, %select_n3A_59 : vector<16xi1>, vector<16xi32>
      %get3A_69 = arith.constant 3 : i32
      %get3A_70 = arith.index_cast %get3A_69 : i32 to index
      %get3A_71 = arith.index_cast %mul3A_47 : i32 to index
      %get3A_72 = tpu.vector_load %arg8[%get3A_70, %get3A_71] {strides = array<i32>} : memref<5x1024xf32, #tpu.memory_space<vmem>>, vector<16xf32>,
      %gt3A_73 = arith.cmpf ogt, %get3A_72, %select_n3A_65 : vector<16xf32>
      %select_n3A_74 = arith.select %gt3A_73, %get3A_72, %select_n3A_65 : vector<16xi1>, vector<16xf32>
      %jit3A_75 = arith.constant 3 : i32
      %broadcast_in_dim3A_76 = vector.broadcast %jit3A_75 : i32 to vector<16xi32>
      %select_n3A_77 = arith.select %gt3A_73, %broadcast_in_dim3A_76, %select_n3A_68 : vector<16xi1>, vector<16xi32>
      %get3A_78 = arith.constant 4 : i32
      %get3A_79 = arith.index_cast %get3A_78 : i32 to index
      %get3A_80 = arith.index_cast %mul3A_47 : i32 to index
      %get3A_81 = tpu.vector_load %arg8[%get3A_79, %get3A_80] {strides = array<i32>} : memref<5x1024xf32, #tpu.memory_space<vmem>>, vector<16xf32>,
      %gt3A_82 = arith.cmpf ogt, %get3A_81, %select_n3A_74 : vector<16xf32>
      %select_n3A_83 = arith.select %gt3A_82, %get3A_81, %select_n3A_74 : vector<16xi1>, vector<16xf32>
      %jit3A_84 = arith.constant 4 : i32
      %broadcast_in_dim3A_85 = vector.broadcast %jit3A_84 : i32 to vector<16xi32>
      %select_n3A_86 = arith.select %gt3A_82, %broadcast_in_dim3A_85, %select_n3A_77 : vector<16xi1>, vector<16xi32>
      %get3A_87 = arith.index_cast %mul3A_47 : i32 to index
      %get3A_88 = tpu.vector_load %arg9[%get3A_87] {strides = array<i32>} : memref<1024xi32, #tpu.memory_space<vmem>>, vector<16xi32>,
      %gt3A_89 = arith.constant 8.000000e-01 : f32
      %gt3A_90 = vector.broadcast %gt3A_89 : f32 to vector<16xf32>
      %gt3A_91 = arith.cmpf ogt, %select_n3A_83, %gt3A_90 : vector<16xf32>
      %gt3A_92 = arith.constant 0 : i32
      %gt3A_93 = vector.broadcast %gt3A_92 : i32 to vector<16xi32>
      %gt3A_94 = arith.cmpi sgt, %select_n3A_86, %gt3A_93 : vector<16xi32>
      %and3A = arith.andi %gt3A_91, %gt3A_94 : vector<16xi1>
      %eq3A = arith.cmpi eq, %select_n3A_86, %get3A_88 : vector<16xi32>
      %lt3A = arith.constant 5.000000e-01 : f32
      %lt3A_95 = vector.broadcast %lt3A : f32 to vector<16xf32>
      %lt3A_96 = arith.cmpf olt, %get3A_29, %lt3A_95 : vector<16xf32>
      %or3A = arith.ori %eq3A, %lt3A_96 : vector<16xi1>
      %and3A_97 = arith.andi %and3A, %or3A : vector<16xi1>
      %jit3A_98 = arith.constant 0 : i32
      %broadcast_in_dim3A_99 = vector.broadcast %jit3A_98 : i32 to vector<16xi32>
      %select_n3A_100 = arith.select %and3A_97, %select_n3A_86, %broadcast_in_dim3A_99 : vector<16xi1>, vector<16xi32>
      %mul3A_101 = arith.constant 1056 : i32
      %mul3A_102 = vector.broadcast %mul3A_101 : i32 to vector<16xi32>
      %mul3A_103 = arith.muli %select_n3A_100, %mul3A_102 : vector<16xi32>
      %add3A_104 = arith.addi %mul3A_103, %iota3A : vector<16xi32>
      %get3A_105 = arith.constant 0 : i32
      %get3A_106 = arith.index_cast %get3A_105 : i32 to index
      %get3A_107 = arith.index_cast %mul3A_47 : i32 to index
      %get3A_108 = tpu.vector_load %arg7[%get3A_106, %get3A_107] {strides = array<i32>} : memref<64x1024xf32, #tpu.memory_space<vmem>>, vector<16xf32>,
      %add3A_109 = arith.constant 0 : i32
      %add3A_110 = vector.broadcast %add3A_109 : i32 to vector<16xi32>
      %add3A_111 = arith.addi %add3A_104, %add3A_110 : vector<16xi32>
      tpu.vector_store_idx %arg11[%add3A_111], %get3A_108 {add = true} : memref<5280xf32, #tpu.memory_space<vmem>>[vector<16xi32>], vector<16xf32>,
      %mul3A_112 = arith.mulf %get3A_108, %get3A_108 : vector<16xf32>
      %add3A_113 = arith.addf %broadcast_in_dim3A_1, %mul3A_112 : vector<16xf32>
      %get3A_114 = arith.constant 1 : i32
      %get3A_115 = arith.index_cast %get3A_114 : i32 to index
      %get3A_116 = arith.index_cast %mul3A_47 : i32 to index
      %get3A_117 = tpu.vector_load %arg7[%get3A_115, %get3A_116] {strides = array<i32>} : memref<64x1024xf32, #tpu.memory_space<vmem>>, vector<16xf32>,
      %add3A_118 = arith.constant 16 : i32
      %add3A_119 = vector.broadcast %add3A_118 : i32 to vector<16xi32>
      %add3A_120 = arith.addi %add3A_104, %add3A_119 : vector<16xi32>
      tpu.vector_store_idx %arg11[%add3A_120], %get3A_117 {add = true} : memref<5280xf32, #tpu.memory_space<vmem>>[vector<16xi32>], vector<16xf32>,
      %mul3A_121 = arith.mulf %get3A_117, %get3A_117 : vector<16xf32>
      %add3A_122 = arith.addf %add3A_113, %mul3A_121 : vector<16xf32>
      %get3A_123 = arith.constant 2 : i32
      %get3A_124 = arith.index_cast %get3A_123 : i32 to index
      %get3A_125 = arith.index_cast %mul3A_47 : i32 to index
      %get3A_126 = tpu.vector_load %arg7[%get3A_124, %get3A_125] {strides = array<i32>} : memref<64x1024xf32, #tpu.memory_space<vmem>>, vector<16xf32>,
      %add3A_127 = arith.constant 32 : i32
      %add3A_128 = vector.broadcast %add3A_127 : i32 to vector<16xi32>
      %add3A_129 = arith.addi %add3A_104, %add3A_128 : vector<16xi32>
      tpu.vector_store_idx %arg11[%add3A_129], %get3A_126 {add = true} : memref<5280xf32, #tpu.memory_space<vmem>>[vector<16xi32>], vector<16xf32>,
      %mul3A_130 = arith.mulf %get3A_126, %get3A_126 : vector<16xf32>
      %add3A_131 = arith.addf %add3A_122, %mul3A_130 : vector<16xf32>
      %get3A_132 = arith.constant 3 : i32
      %get3A_133 = arith.index_cast %get3A_132 : i32 to index
      %get3A_134 = arith.index_cast %mul3A_47 : i32 to index
      %get3A_135 = tpu.vector_load %arg7[%get3A_133, %get3A_134] {strides = array<i32>} : memref<64x1024xf32, #tpu.memory_space<vmem>>, vector<16xf32>,
      %add3A_136 = arith.constant 48 : i32
      %add3A_137 = vector.broadcast %add3A_136 : i32 to vector<16xi32>
      %add3A_138 = arith.addi %add3A_104, %add3A_137 : vector<16xi32>
      tpu.vector_store_idx %arg11[%add3A_138], %get3A_135 {add = true} : memref<5280xf32, #tpu.memory_space<vmem>>[vector<16xi32>], vector<16xf32>,
      %mul3A_139 = arith.mulf %get3A_135, %get3A_135 : vector<16xf32>
      %add3A_140 = arith.addf %add3A_131, %mul3A_139 : vector<16xf32>
      %get3A_141 = arith.constant 4 : i32
      %get3A_142 = arith.index_cast %get3A_141 : i32 to index
      %get3A_143 = arith.index_cast %mul3A_47 : i32 to index
      %get3A_144 = tpu.vector_load %arg7[%get3A_142, %get3A_143] {strides = array<i32>} : memref<64x1024xf32, #tpu.memory_space<vmem>>, vector<16xf32>,
      %add3A_145 = arith.constant 64 : i32
      %add3A_146 = vector.broadcast %add3A_145 : i32 to vector<16xi32>
      %add3A_147 = arith.addi %add3A_104, %add3A_146 : vector<16xi32>
      tpu.vector_store_idx %arg11[%add3A_147], %get3A_144 {add = true} : memref<5280xf32, #tpu.memory_space<vmem>>[vector<16xi32>], vector<16xf32>,
      %mul3A_148 = arith.mulf %get3A_144, %get3A_144 : vector<16xf32>
      %add3A_149 = arith.addf %add3A_140, %mul3A_148 : vector<16xf32>
      %get3A_150 = arith.constant 5 : i32
      %get3A_151 = arith.index_cast %get3A_150 : i32 to index
      %get3A_152 = arith.index_cast %mul3A_47 : i32 to index
      %get3A_153 = tpu.vector_load %arg7[%get3A_151, %get3A_152] {strides = array<i32>} : memref<64x1024xf32, #tpu.memory_space<vmem>>, vector<16xf32>,
      %add3A_154 = arith.constant 80 : i32
      %add3A_155 = vector.broadcast %add3A_154 : i32 to vector<16xi32>
      %add3A_156 = arith.addi %add3A_104, %add3A_155 : vector<16xi32>
      tpu.vector_store_idx %arg11[%add3A_156], %get3A_153 {add = true} : memref<5280xf32, #tpu.memory_space<vmem>>[vector<16xi32>], vector<16xf32>,
      %mul3A_157 = arith.mulf %get3A_153, %get3A_153 : vector<16xf32>
      %add3A_158 = arith.addf %add3A_149, %mul3A_157 : vector<16xf32>
      %get3A_159 = arith.constant 6 : i32
      %get3A_160 = arith.index_cast %get3A_159 : i32 to index
      %get3A_161 = arith.index_cast %mul3A_47 : i32 to index
      %get3A_162 = tpu.vector_load %arg7[%get3A_160, %get3A_161] {strides = array<i32>} : memref<64x1024xf32, #tpu.memory_space<vmem>>, vector<16xf32>,
      %add3A_163 = arith.constant 96 : i32
      %add3A_164 = vector.broadcast %add3A_163 : i32 to vector<16xi32>
      %add3A_165 = arith.addi %add3A_104, %add3A_164 : vector<16xi32>
      tpu.vector_store_idx %arg11[%add3A_165], %get3A_162 {add = true} : memref<5280xf32, #tpu.memory_space<vmem>>[vector<16xi32>], vector<16xf32>,
      %mul3A_166 = arith.mulf %get3A_162, %get3A_162 : vector<16xf32>
      %add3A_167 = arith.addf %add3A_158, %mul3A_166 : vector<16xf32>
      %get3A_168 = arith.constant 7 : i32
      %get3A_169 = arith.index_cast %get3A_168 : i32 to index
      %get3A_170 = arith.index_cast %mul3A_47 : i32 to index
      %get3A_171 = tpu.vector_load %arg7[%get3A_169, %get3A_170] {strides = array<i32>} : memref<64x1024xf32, #tpu.memory_space<vmem>>, vector<16xf32>,
      %add3A_172 = arith.constant 112 : i32
      %add3A_173 = vector.broadcast %add3A_172 : i32 to vector<16xi32>
      %add3A_174 = arith.addi %add3A_104, %add3A_173 : vector<16xi32>
      tpu.vector_store_idx %arg11[%add3A_174], %get3A_171 {add = true} : memref<5280xf32, #tpu.memory_space<vmem>>[vector<16xi32>], vector<16xf32>,
      %mul3A_175 = arith.mulf %get3A_171, %get3A_171 : vector<16xf32>
      %add3A_176 = arith.addf %add3A_167, %mul3A_175 : vector<16xf32>
      %get3A_177 = arith.constant 8 : i32
      %get3A_178 = arith.index_cast %get3A_177 : i32 to index
      %get3A_179 = arith.index_cast %mul3A_47 : i32 to index
      %get3A_180 = tpu.vector_load %arg7[%get3A_178, %get3A_179] {strides = array<i32>} : memref<64x1024xf32, #tpu.memory_space<vmem>>, vector<16xf32>,
      %add3A_181 = arith.constant 128 : i32
      %add3A_182 = vector.broadcast %add3A_181 : i32 to vector<16xi32>
      %add3A_183 = arith.addi %add3A_104, %add3A_182 : vector<16xi32>
      tpu.vector_store_idx %arg11[%add3A_183], %get3A_180 {add = true} : memref<5280xf32, #tpu.memory_space<vmem>>[vector<16xi32>], vector<16xf32>,
      %mul3A_184 = arith.mulf %get3A_180, %get3A_180 : vector<16xf32>
      %add3A_185 = arith.addf %add3A_176, %mul3A_184 : vector<16xf32>
      %get3A_186 = arith.constant 9 : i32
      %get3A_187 = arith.index_cast %get3A_186 : i32 to index
      %get3A_188 = arith.index_cast %mul3A_47 : i32 to index
      %get3A_189 = tpu.vector_load %arg7[%get3A_187, %get3A_188] {strides = array<i32>} : memref<64x1024xf32, #tpu.memory_space<vmem>>, vector<16xf32>,
      %add3A_190 = arith.constant 144 : i32
      %add3A_191 = vector.broadcast %add3A_190 : i32 to vector<16xi32>
      %add3A_192 = arith.addi %add3A_104, %add3A_191 : vector<16xi32>
      tpu.vector_store_idx %arg11[%add3A_192], %get3A_189 {add = true} : memref<5280xf32, #tpu.memory_space<vmem>>[vector<16xi32>], vector<16xf32>,
      %mul3A_193 = arith.mulf %get3A_189, %get3A_189 : vector<16xf32>
      %add3A_194 = arith.addf %add3A_185, %mul3A_193 : vector<16xf32>
      %get3A_195 = arith.constant 10 : i32
      %get3A_196 = arith.index_cast %get3A_195 : i32 to index
      %get3A_197 = arith.index_cast %mul3A_47 : i32 to index
      %get3A_198 = tpu.vector_load %arg7[%get3A_196, %get3A_197] {strides = array<i32>} : memref<64x1024xf32, #tpu.memory_space<vmem>>, vector<16xf32>,
      %add3A_199 = arith.constant 160 : i32
      %add3A_200 = vector.broadcast %add3A_199 : i32 to vector<16xi32>
      %add3A_201 = arith.addi %add3A_104, %add3A_200 : vector<16xi32>
      tpu.vector_store_idx %arg11[%add3A_201], %get3A_198 {add = true} : memref<5280xf32, #tpu.memory_space<vmem>>[vector<16xi32>], vector<16xf32>,
      %mul3A_202 = arith.mulf %get3A_198, %get3A_198 : vector<16xf32>
      %add3A_203 = arith.addf %add3A_194, %mul3A_202 : vector<16xf32>
      %get3A_204 = arith.constant 11 : i32
      %get3A_205 = arith.index_cast %get3A_204 : i32 to index
      %get3A_206 = arith.index_cast %mul3A_47 : i32 to index
      %get3A_207 = tpu.vector_load %arg7[%get3A_205, %get3A_206] {strides = array<i32>} : memref<64x1024xf32, #tpu.memory_space<vmem>>, vector<16xf32>,
      %add3A_208 = arith.constant 176 : i32
      %add3A_209 = vector.broadcast %add3A_208 : i32 to vector<16xi32>
      %add3A_210 = arith.addi %add3A_104, %add3A_209 : vector<16xi32>
      tpu.vector_store_idx %arg11[%add3A_210], %get3A_207 {add = true} : memref<5280xf32, #tpu.memory_space<vmem>>[vector<16xi32>], vector<16xf32>,
      %mul3A_211 = arith.mulf %get3A_207, %get3A_207 : vector<16xf32>
      %add3A_212 = arith.addf %add3A_203, %mul3A_211 : vector<16xf32>
      %get3A_213 = arith.constant 12 : i32
      %get3A_214 = arith.index_cast %get3A_213 : i32 to index
      %get3A_215 = arith.index_cast %mul3A_47 : i32 to index
      %get3A_216 = tpu.vector_load %arg7[%get3A_214, %get3A_215] {strides = array<i32>} : memref<64x1024xf32, #tpu.memory_space<vmem>>, vector<16xf32>,
      %add3A_217 = arith.constant 192 : i32
      %add3A_218 = vector.broadcast %add3A_217 : i32 to vector<16xi32>
      %add3A_219 = arith.addi %add3A_104, %add3A_218 : vector<16xi32>
      tpu.vector_store_idx %arg11[%add3A_219], %get3A_216 {add = true} : memref<5280xf32, #tpu.memory_space<vmem>>[vector<16xi32>], vector<16xf32>,
      %mul3A_220 = arith.mulf %get3A_216, %get3A_216 : vector<16xf32>
      %add3A_221 = arith.addf %add3A_212, %mul3A_220 : vector<16xf32>
      %get3A_222 = arith.constant 13 : i32
      %get3A_223 = arith.index_cast %get3A_222 : i32 to index
      %get3A_224 = arith.index_cast %mul3A_47 : i32 to index
      %get3A_225 = tpu.vector_load %arg7[%get3A_223, %get3A_224] {strides = array<i32>} : memref<64x1024xf32, #tpu.memory_space<vmem>>, vector<16xf32>,
      %add3A_226 = arith.constant 208 : i32
      %add3A_227 = vector.broadcast %add3A_226 : i32 to vector<16xi32>
      %add3A_228 = arith.addi %add3A_104, %add3A_227 : vector<16xi32>
      tpu.vector_store_idx %arg11[%add3A_228], %get3A_225 {add = true} : memref<5280xf32, #tpu.memory_space<vmem>>[vector<16xi32>], vector<16xf32>,
      %mul3A_229 = arith.mulf %get3A_225, %get3A_225 : vector<16xf32>
      %add3A_230 = arith.addf %add3A_221, %mul3A_229 : vector<16xf32>
      %get3A_231 = arith.constant 14 : i32
      %get3A_232 = arith.index_cast %get3A_231 : i32 to index
      %get3A_233 = arith.index_cast %mul3A_47 : i32 to index
      %get3A_234 = tpu.vector_load %arg7[%get3A_232, %get3A_233] {strides = array<i32>} : memref<64x1024xf32, #tpu.memory_space<vmem>>, vector<16xf32>,
      %add3A_235 = arith.constant 224 : i32
      %add3A_236 = vector.broadcast %add3A_235 : i32 to vector<16xi32>
      %add3A_237 = arith.addi %add3A_104, %add3A_236 : vector<16xi32>
      tpu.vector_store_idx %arg11[%add3A_237], %get3A_234 {add = true} : memref<5280xf32, #tpu.memory_space<vmem>>[vector<16xi32>], vector<16xf32>,
      %mul3A_238 = arith.mulf %get3A_234, %get3A_234 : vector<16xf32>
      %add3A_239 = arith.addf %add3A_230, %mul3A_238 : vector<16xf32>
      %get3A_240 = arith.constant 15 : i32
      %get3A_241 = arith.index_cast %get3A_240 : i32 to index
      %get3A_242 = arith.index_cast %mul3A_47 : i32 to index
      %get3A_243 = tpu.vector_load %arg7[%get3A_241, %get3A_242] {strides = array<i32>} : memref<64x1024xf32, #tpu.memory_space<vmem>>, vector<16xf32>,
      %add3A_244 = arith.constant 240 : i32
      %add3A_245 = vector.broadcast %add3A_244 : i32 to vector<16xi32>
      %add3A_246 = arith.addi %add3A_104, %add3A_245 : vector<16xi32>
      tpu.vector_store_idx %arg11[%add3A_246], %get3A_243 {add = true} : memref<5280xf32, #tpu.memory_space<vmem>>[vector<16xi32>], vector<16xf32>,
      %mul3A_247 = arith.mulf %get3A_243, %get3A_243 : vector<16xf32>
      %add3A_248 = arith.addf %add3A_239, %mul3A_247 : vector<16xf32>
      %get3A_249 = arith.constant 16 : i32
      %get3A_250 = arith.index_cast %get3A_249 : i32 to index
      %get3A_251 = arith.index_cast %mul3A_47 : i32 to index
      %get3A_252 = tpu.vector_load %arg7[%get3A_250, %get3A_251] {strides = array<i32>} : memref<64x1024xf32, #tpu.memory_space<vmem>>, vector<16xf32>,
      %add3A_253 = arith.constant 256 : i32
      %add3A_254 = vector.broadcast %add3A_253 : i32 to vector<16xi32>
      %add3A_255 = arith.addi %add3A_104, %add3A_254 : vector<16xi32>
      tpu.vector_store_idx %arg11[%add3A_255], %get3A_252 {add = true} : memref<5280xf32, #tpu.memory_space<vmem>>[vector<16xi32>], vector<16xf32>,
      %mul3A_256 = arith.mulf %get3A_252, %get3A_252 : vector<16xf32>
      %add3A_257 = arith.addf %add3A_248, %mul3A_256 : vector<16xf32>
      %get3A_258 = arith.constant 17 : i32
      %get3A_259 = arith.index_cast %get3A_258 : i32 to index
      %get3A_260 = arith.index_cast %mul3A_47 : i32 to index
      %get3A_261 = tpu.vector_load %arg7[%get3A_259, %get3A_260] {strides = array<i32>} : memref<64x1024xf32, #tpu.memory_space<vmem>>, vector<16xf32>,
      %add3A_262 = arith.constant 272 : i32
      %add3A_263 = vector.broadcast %add3A_262 : i32 to vector<16xi32>
      %add3A_264 = arith.addi %add3A_104, %add3A_263 : vector<16xi32>
      tpu.vector_store_idx %arg11[%add3A_264], %get3A_261 {add = true} : memref<5280xf32, #tpu.memory_space<vmem>>[vector<16xi32>], vector<16xf32>,
      %mul3A_265 = arith.mulf %get3A_261, %get3A_261 : vector<16xf32>
      %add3A_266 = arith.addf %add3A_257, %mul3A_265 : vector<16xf32>
      %get3A_267 = arith.constant 18 : i32
      %get3A_268 = arith.index_cast %get3A_267 : i32 to index
      %get3A_269 = arith.index_cast %mul3A_47 : i32 to index
      %get3A_270 = tpu.vector_load %arg7[%get3A_268, %get3A_269] {strides = array<i32>} : memref<64x1024xf32, #tpu.memory_space<vmem>>, vector<16xf32>,
      %add3A_271 = arith.constant 288 : i32
      %add3A_272 = vector.broadcast %add3A_271 : i32 to vector<16xi32>
      %add3A_273 = arith.addi %add3A_104, %add3A_272 : vector<16xi32>
      tpu.vector_store_idx %arg11[%add3A_273], %get3A_270 {add = true} : memref<5280xf32, #tpu.memory_space<vmem>>[vector<16xi32>], vector<16xf32>,
      %mul3A_274 = arith.mulf %get3A_270, %get3A_270 : vector<16xf32>
      %add3A_275 = arith.addf %add3A_266, %mul3A_274 : vector<16xf32>
      %get3A_276 = arith.constant 19 : i32
      %get3A_277 = arith.index_cast %get3A_276 : i32 to index
      %get3A_278 = arith.index_cast %mul3A_47 : i32 to index
      %get3A_279 = tpu.vector_load %arg7[%get3A_277, %get3A_278] {strides = array<i32>} : memref<64x1024xf32, #tpu.memory_space<vmem>>, vector<16xf32>,
      %add3A_280 = arith.constant 304 : i32
      %add3A_281 = vector.broadcast %add3A_280 : i32 to vector<16xi32>
      %add3A_282 = arith.addi %add3A_104, %add3A_281 : vector<16xi32>
      tpu.vector_store_idx %arg11[%add3A_282], %get3A_279 {add = true} : memref<5280xf32, #tpu.memory_space<vmem>>[vector<16xi32>], vector<16xf32>,
      %mul3A_283 = arith.mulf %get3A_279, %get3A_279 : vector<16xf32>
      %add3A_284 = arith.addf %add3A_275, %mul3A_283 : vector<16xf32>
      %get3A_285 = arith.constant 20 : i32
      %get3A_286 = arith.index_cast %get3A_285 : i32 to index
      %get3A_287 = arith.index_cast %mul3A_47 : i32 to index
      %get3A_288 = tpu.vector_load %arg7[%get3A_286, %get3A_287] {strides = array<i32>} : memref<64x1024xf32, #tpu.memory_space<vmem>>, vector<16xf32>,
      %add3A_289 = arith.constant 320 : i32
      %add3A_290 = vector.broadcast %add3A_289 : i32 to vector<16xi32>
      %add3A_291 = arith.addi %add3A_104, %add3A_290 : vector<16xi32>
      tpu.vector_store_idx %arg11[%add3A_291], %get3A_288 {add = true} : memref<5280xf32, #tpu.memory_space<vmem>>[vector<16xi32>], vector<16xf32>,
      %mul3A_292 = arith.mulf %get3A_288, %get3A_288 : vector<16xf32>
      %add3A_293 = arith.addf %add3A_284, %mul3A_292 : vector<16xf32>
      %get3A_294 = arith.constant 21 : i32
      %get3A_295 = arith.index_cast %get3A_294 : i32 to index
      %get3A_296 = arith.index_cast %mul3A_47 : i32 to index
      %get3A_297 = tpu.vector_load %arg7[%get3A_295, %get3A_296] {strides = array<i32>} : memref<64x1024xf32, #tpu.memory_space<vmem>>, vector<16xf32>,
      %add3A_298 = arith.constant 336 : i32
      %add3A_299 = vector.broadcast %add3A_298 : i32 to vector<16xi32>
      %add3A_300 = arith.addi %add3A_104, %add3A_299 : vector<16xi32>
      tpu.vector_store_idx %arg11[%add3A_300], %get3A_297 {add = true} : memref<5280xf32, #tpu.memory_space<vmem>>[vector<16xi32>], vector<16xf32>,
      %mul3A_301 = arith.mulf %get3A_297, %get3A_297 : vector<16xf32>
      %add3A_302 = arith.addf %add3A_293, %mul3A_301 : vector<16xf32>
      %get3A_303 = arith.constant 22 : i32
      %get3A_304 = arith.index_cast %get3A_303 : i32 to index
      %get3A_305 = arith.index_cast %mul3A_47 : i32 to index
      %get3A_306 = tpu.vector_load %arg7[%get3A_304, %get3A_305] {strides = array<i32>} : memref<64x1024xf32, #tpu.memory_space<vmem>>, vector<16xf32>,
      %add3A_307 = arith.constant 352 : i32
      %add3A_308 = vector.broadcast %add3A_307 : i32 to vector<16xi32>
      %add3A_309 = arith.addi %add3A_104, %add3A_308 : vector<16xi32>
      tpu.vector_store_idx %arg11[%add3A_309], %get3A_306 {add = true} : memref<5280xf32, #tpu.memory_space<vmem>>[vector<16xi32>], vector<16xf32>,
      %mul3A_310 = arith.mulf %get3A_306, %get3A_306 : vector<16xf32>
      %add3A_311 = arith.addf %add3A_302, %mul3A_310 : vector<16xf32>
      %get3A_312 = arith.constant 23 : i32
      %get3A_313 = arith.index_cast %get3A_312 : i32 to index
      %get3A_314 = arith.index_cast %mul3A_47 : i32 to index
      %get3A_315 = tpu.vector_load %arg7[%get3A_313, %get3A_314] {strides = array<i32>} : memref<64x1024xf32, #tpu.memory_space<vmem>>, vector<16xf32>,
      %add3A_316 = arith.constant 368 : i32
      %add3A_317 = vector.broadcast %add3A_316 : i32 to vector<16xi32>
      %add3A_318 = arith.addi %add3A_104, %add3A_317 : vector<16xi32>
      tpu.vector_store_idx %arg11[%add3A_318], %get3A_315 {add = true} : memref<5280xf32, #tpu.memory_space<vmem>>[vector<16xi32>], vector<16xf32>,
      %mul3A_319 = arith.mulf %get3A_315, %get3A_315 : vector<16xf32>
      %add3A_320 = arith.addf %add3A_311, %mul3A_319 : vector<16xf32>
      %get3A_321 = arith.constant 24 : i32
      %get3A_322 = arith.index_cast %get3A_321 : i32 to index
      %get3A_323 = arith.index_cast %mul3A_47 : i32 to index
      %get3A_324 = tpu.vector_load %arg7[%get3A_322, %get3A_323] {strides = array<i32>} : memref<64x1024xf32, #tpu.memory_space<vmem>>, vector<16xf32>,
      %add3A_325 = arith.constant 384 : i32
      %add3A_326 = vector.broadcast %add3A_325 : i32 to vector<16xi32>
      %add3A_327 = arith.addi %add3A_104, %add3A_326 : vector<16xi32>
      tpu.vector_store_idx %arg11[%add3A_327], %get3A_324 {add = true} : memref<5280xf32, #tpu.memory_space<vmem>>[vector<16xi32>], vector<16xf32>,
      %mul3A_328 = arith.mulf %get3A_324, %get3A_324 : vector<16xf32>
      %add3A_329 = arith.addf %add3A_320, %mul3A_328 : vector<16xf32>
      %get3A_330 = arith.constant 25 : i32
      %get3A_331 = arith.index_cast %get3A_330 : i32 to index
      %get3A_332 = arith.index_cast %mul3A_47 : i32 to index
      %get3A_333 = tpu.vector_load %arg7[%get3A_331, %get3A_332] {strides = array<i32>} : memref<64x1024xf32, #tpu.memory_space<vmem>>, vector<16xf32>,
      %add3A_334 = arith.constant 400 : i32
      %add3A_335 = vector.broadcast %add3A_334 : i32 to vector<16xi32>
      %add3A_336 = arith.addi %add3A_104, %add3A_335 : vector<16xi32>
      tpu.vector_store_idx %arg11[%add3A_336], %get3A_333 {add = true} : memref<5280xf32, #tpu.memory_space<vmem>>[vector<16xi32>], vector<16xf32>,
      %mul3A_337 = arith.mulf %get3A_333, %get3A_333 : vector<16xf32>
      %add3A_338 = arith.addf %add3A_329, %mul3A_337 : vector<16xf32>
      %get3A_339 = arith.constant 26 : i32
      %get3A_340 = arith.index_cast %get3A_339 : i32 to index
      %get3A_341 = arith.index_cast %mul3A_47 : i32 to index
      %get3A_342 = tpu.vector_load %arg7[%get3A_340, %get3A_341] {strides = array<i32>} : memref<64x1024xf32, #tpu.memory_space<vmem>>, vector<16xf32>,
      %add3A_343 = arith.constant 416 : i32
      %add3A_344 = vector.broadcast %add3A_343 : i32 to vector<16xi32>
      %add3A_345 = arith.addi %add3A_104, %add3A_344 : vector<16xi32>
      tpu.vector_store_idx %arg11[%add3A_345], %get3A_342 {add = true} : memref<5280xf32, #tpu.memory_space<vmem>>[vector<16xi32>], vector<16xf32>,
      %mul3A_346 = arith.mulf %get3A_342, %get3A_342 : vector<16xf32>
      %add3A_347 = arith.addf %add3A_338, %mul3A_346 : vector<16xf32>
      %get3A_348 = arith.constant 27 : i32
      %get3A_349 = arith.index_cast %get3A_348 : i32 to index
      %get3A_350 = arith.index_cast %mul3A_47 : i32 to index
      %get3A_351 = tpu.vector_load %arg7[%get3A_349, %get3A_350] {strides = array<i32>} : memref<64x1024xf32, #tpu.memory_space<vmem>>, vector<16xf32>,
      %add3A_352 = arith.constant 432 : i32
      %add3A_353 = vector.broadcast %add3A_352 : i32 to vector<16xi32>
      %add3A_354 = arith.addi %add3A_104, %add3A_353 : vector<16xi32>
      tpu.vector_store_idx %arg11[%add3A_354], %get3A_351 {add = true} : memref<5280xf32, #tpu.memory_space<vmem>>[vector<16xi32>], vector<16xf32>,
      %mul3A_355 = arith.mulf %get3A_351, %get3A_351 : vector<16xf32>
      %add3A_356 = arith.addf %add3A_347, %mul3A_355 : vector<16xf32>
      %get3A_357 = arith.constant 28 : i32
      %get3A_358 = arith.index_cast %get3A_357 : i32 to index
      %get3A_359 = arith.index_cast %mul3A_47 : i32 to index
      %get3A_360 = tpu.vector_load %arg7[%get3A_358, %get3A_359] {strides = array<i32>} : memref<64x1024xf32, #tpu.memory_space<vmem>>, vector<16xf32>,
      %add3A_361 = arith.constant 448 : i32
      %add3A_362 = vector.broadcast %add3A_361 : i32 to vector<16xi32>
      %add3A_363 = arith.addi %add3A_104, %add3A_362 : vector<16xi32>
      tpu.vector_store_idx %arg11[%add3A_363], %get3A_360 {add = true} : memref<5280xf32, #tpu.memory_space<vmem>>[vector<16xi32>], vector<16xf32>,
      %mul3A_364 = arith.mulf %get3A_360, %get3A_360 : vector<16xf32>
      %add3A_365 = arith.addf %add3A_356, %mul3A_364 : vector<16xf32>
      %get3A_366 = arith.constant 29 : i32
      %get3A_367 = arith.index_cast %get3A_366 : i32 to index
      %get3A_368 = arith.index_cast %mul3A_47 : i32 to index
      %get3A_369 = tpu.vector_load %arg7[%get3A_367, %get3A_368] {strides = array<i32>} : memref<64x1024xf32, #tpu.memory_space<vmem>>, vector<16xf32>,
      %add3A_370 = arith.constant 464 : i32
      %add3A_371 = vector.broadcast %add3A_370 : i32 to vector<16xi32>
      %add3A_372 = arith.addi %add3A_104, %add3A_371 : vector<16xi32>
      tpu.vector_store_idx %arg11[%add3A_372], %get3A_369 {add = true} : memref<5280xf32, #tpu.memory_space<vmem>>[vector<16xi32>], vector<16xf32>,
      %mul3A_373 = arith.mulf %get3A_369, %get3A_369 : vector<16xf32>
      %add3A_374 = arith.addf %add3A_365, %mul3A_373 : vector<16xf32>
      %get3A_375 = arith.constant 30 : i32
      %get3A_376 = arith.index_cast %get3A_375 : i32 to index
      %get3A_377 = arith.index_cast %mul3A_47 : i32 to index
      %get3A_378 = tpu.vector_load %arg7[%get3A_376, %get3A_377] {strides = array<i32>} : memref<64x1024xf32, #tpu.memory_space<vmem>>, vector<16xf32>,
      %add3A_379 = arith.constant 480 : i32
      %add3A_380 = vector.broadcast %add3A_379 : i32 to vector<16xi32>
      %add3A_381 = arith.addi %add3A_104, %add3A_380 : vector<16xi32>
      tpu.vector_store_idx %arg11[%add3A_381], %get3A_378 {add = true} : memref<5280xf32, #tpu.memory_space<vmem>>[vector<16xi32>], vector<16xf32>,
      %mul3A_382 = arith.mulf %get3A_378, %get3A_378 : vector<16xf32>
      %add3A_383 = arith.addf %add3A_374, %mul3A_382 : vector<16xf32>
      %get3A_384 = arith.constant 31 : i32
      %get3A_385 = arith.index_cast %get3A_384 : i32 to index
      %get3A_386 = arith.index_cast %mul3A_47 : i32 to index
      %get3A_387 = tpu.vector_load %arg7[%get3A_385, %get3A_386] {strides = array<i32>} : memref<64x1024xf32, #tpu.memory_space<vmem>>, vector<16xf32>,
      %add3A_388 = arith.constant 496 : i32
      %add3A_389 = vector.broadcast %add3A_388 : i32 to vector<16xi32>
      %add3A_390 = arith.addi %add3A_104, %add3A_389 : vector<16xi32>
      tpu.vector_store_idx %arg11[%add3A_390], %get3A_387 {add = true} : memref<5280xf32, #tpu.memory_space<vmem>>[vector<16xi32>], vector<16xf32>,
      %mul3A_391 = arith.mulf %get3A_387, %get3A_387 : vector<16xf32>
      %add3A_392 = arith.addf %add3A_383, %mul3A_391 : vector<16xf32>
      %get3A_393 = arith.constant 32 : i32
      %get3A_394 = arith.index_cast %get3A_393 : i32 to index
      %get3A_395 = arith.index_cast %mul3A_47 : i32 to index
      %get3A_396 = tpu.vector_load %arg7[%get3A_394, %get3A_395] {strides = array<i32>} : memref<64x1024xf32, #tpu.memory_space<vmem>>, vector<16xf32>,
      %add3A_397 = arith.constant 512 : i32
      %add3A_398 = vector.broadcast %add3A_397 : i32 to vector<16xi32>
      %add3A_399 = arith.addi %add3A_104, %add3A_398 : vector<16xi32>
      tpu.vector_store_idx %arg11[%add3A_399], %get3A_396 {add = true} : memref<5280xf32, #tpu.memory_space<vmem>>[vector<16xi32>], vector<16xf32>,
      %mul3A_400 = arith.mulf %get3A_396, %get3A_396 : vector<16xf32>
      %add3A_401 = arith.addf %add3A_392, %mul3A_400 : vector<16xf32>
      %get3A_402 = arith.constant 33 : i32
      %get3A_403 = arith.index_cast %get3A_402 : i32 to index
      %get3A_404 = arith.index_cast %mul3A_47 : i32 to index
      %get3A_405 = tpu.vector_load %arg7[%get3A_403, %get3A_404] {strides = array<i32>} : memref<64x1024xf32, #tpu.memory_space<vmem>>, vector<16xf32>,
      %add3A_406 = arith.constant 528 : i32
      %add3A_407 = vector.broadcast %add3A_406 : i32 to vector<16xi32>
      %add3A_408 = arith.addi %add3A_104, %add3A_407 : vector<16xi32>
      tpu.vector_store_idx %arg11[%add3A_408], %get3A_405 {add = true} : memref<5280xf32, #tpu.memory_space<vmem>>[vector<16xi32>], vector<16xf32>,
      %mul3A_409 = arith.mulf %get3A_405, %get3A_405 : vector<16xf32>
      %add3A_410 = arith.addf %add3A_401, %mul3A_409 : vector<16xf32>
      %get3A_411 = arith.constant 34 : i32
      %get3A_412 = arith.index_cast %get3A_411 : i32 to index
      %get3A_413 = arith.index_cast %mul3A_47 : i32 to index
      %get3A_414 = tpu.vector_load %arg7[%get3A_412, %get3A_413] {strides = array<i32>} : memref<64x1024xf32, #tpu.memory_space<vmem>>, vector<16xf32>,
      %add3A_415 = arith.constant 544 : i32
      %add3A_416 = vector.broadcast %add3A_415 : i32 to vector<16xi32>
      %add3A_417 = arith.addi %add3A_104, %add3A_416 : vector<16xi32>
      tpu.vector_store_idx %arg11[%add3A_417], %get3A_414 {add = true} : memref<5280xf32, #tpu.memory_space<vmem>>[vector<16xi32>], vector<16xf32>,
      %mul3A_418 = arith.mulf %get3A_414, %get3A_414 : vector<16xf32>
      %add3A_419 = arith.addf %add3A_410, %mul3A_418 : vector<16xf32>
      %get3A_420 = arith.constant 35 : i32
      %get3A_421 = arith.index_cast %get3A_420 : i32 to index
      %get3A_422 = arith.index_cast %mul3A_47 : i32 to index
      %get3A_423 = tpu.vector_load %arg7[%get3A_421, %get3A_422] {strides = array<i32>} : memref<64x1024xf32, #tpu.memory_space<vmem>>, vector<16xf32>,
      %add3A_424 = arith.constant 560 : i32
      %add3A_425 = vector.broadcast %add3A_424 : i32 to vector<16xi32>
      %add3A_426 = arith.addi %add3A_104, %add3A_425 : vector<16xi32>
      tpu.vector_store_idx %arg11[%add3A_426], %get3A_423 {add = true} : memref<5280xf32, #tpu.memory_space<vmem>>[vector<16xi32>], vector<16xf32>,
      %mul3A_427 = arith.mulf %get3A_423, %get3A_423 : vector<16xf32>
      %add3A_428 = arith.addf %add3A_419, %mul3A_427 : vector<16xf32>
      %get3A_429 = arith.constant 36 : i32
      %get3A_430 = arith.index_cast %get3A_429 : i32 to index
      %get3A_431 = arith.index_cast %mul3A_47 : i32 to index
      %get3A_432 = tpu.vector_load %arg7[%get3A_430, %get3A_431] {strides = array<i32>} : memref<64x1024xf32, #tpu.memory_space<vmem>>, vector<16xf32>,
      %add3A_433 = arith.constant 576 : i32
      %add3A_434 = vector.broadcast %add3A_433 : i32 to vector<16xi32>
      %add3A_435 = arith.addi %add3A_104, %add3A_434 : vector<16xi32>
      tpu.vector_store_idx %arg11[%add3A_435], %get3A_432 {add = true} : memref<5280xf32, #tpu.memory_space<vmem>>[vector<16xi32>], vector<16xf32>,
      %mul3A_436 = arith.mulf %get3A_432, %get3A_432 : vector<16xf32>
      %add3A_437 = arith.addf %add3A_428, %mul3A_436 : vector<16xf32>
      %get3A_438 = arith.constant 37 : i32
      %get3A_439 = arith.index_cast %get3A_438 : i32 to index
      %get3A_440 = arith.index_cast %mul3A_47 : i32 to index
      %get3A_441 = tpu.vector_load %arg7[%get3A_439, %get3A_440] {strides = array<i32>} : memref<64x1024xf32, #tpu.memory_space<vmem>>, vector<16xf32>,
      %add3A_442 = arith.constant 592 : i32
      %add3A_443 = vector.broadcast %add3A_442 : i32 to vector<16xi32>
      %add3A_444 = arith.addi %add3A_104, %add3A_443 : vector<16xi32>
      tpu.vector_store_idx %arg11[%add3A_444], %get3A_441 {add = true} : memref<5280xf32, #tpu.memory_space<vmem>>[vector<16xi32>], vector<16xf32>,
      %mul3A_445 = arith.mulf %get3A_441, %get3A_441 : vector<16xf32>
      %add3A_446 = arith.addf %add3A_437, %mul3A_445 : vector<16xf32>
      %get3A_447 = arith.constant 38 : i32
      %get3A_448 = arith.index_cast %get3A_447 : i32 to index
      %get3A_449 = arith.index_cast %mul3A_47 : i32 to index
      %get3A_450 = tpu.vector_load %arg7[%get3A_448, %get3A_449] {strides = array<i32>} : memref<64x1024xf32, #tpu.memory_space<vmem>>, vector<16xf32>,
      %add3A_451 = arith.constant 608 : i32
      %add3A_452 = vector.broadcast %add3A_451 : i32 to vector<16xi32>
      %add3A_453 = arith.addi %add3A_104, %add3A_452 : vector<16xi32>
      tpu.vector_store_idx %arg11[%add3A_453], %get3A_450 {add = true} : memref<5280xf32, #tpu.memory_space<vmem>>[vector<16xi32>], vector<16xf32>,
      %mul3A_454 = arith.mulf %get3A_450, %get3A_450 : vector<16xf32>
      %add3A_455 = arith.addf %add3A_446, %mul3A_454 : vector<16xf32>
      %get3A_456 = arith.constant 39 : i32
      %get3A_457 = arith.index_cast %get3A_456 : i32 to index
      %get3A_458 = arith.index_cast %mul3A_47 : i32 to index
      %get3A_459 = tpu.vector_load %arg7[%get3A_457, %get3A_458] {strides = array<i32>} : memref<64x1024xf32, #tpu.memory_space<vmem>>, vector<16xf32>,
      %add3A_460 = arith.constant 624 : i32
      %add3A_461 = vector.broadcast %add3A_460 : i32 to vector<16xi32>
      %add3A_462 = arith.addi %add3A_104, %add3A_461 : vector<16xi32>
      tpu.vector_store_idx %arg11[%add3A_462], %get3A_459 {add = true} : memref<5280xf32, #tpu.memory_space<vmem>>[vector<16xi32>], vector<16xf32>,
      %mul3A_463 = arith.mulf %get3A_459, %get3A_459 : vector<16xf32>
      %add3A_464 = arith.addf %add3A_455, %mul3A_463 : vector<16xf32>
      %get3A_465 = arith.constant 40 : i32
      %get3A_466 = arith.index_cast %get3A_465 : i32 to index
      %get3A_467 = arith.index_cast %mul3A_47 : i32 to index
      %get3A_468 = tpu.vector_load %arg7[%get3A_466, %get3A_467] {strides = array<i32>} : memref<64x1024xf32, #tpu.memory_space<vmem>>, vector<16xf32>,
      %add3A_469 = arith.constant 640 : i32
      %add3A_470 = vector.broadcast %add3A_469 : i32 to vector<16xi32>
      %add3A_471 = arith.addi %add3A_104, %add3A_470 : vector<16xi32>
      tpu.vector_store_idx %arg11[%add3A_471], %get3A_468 {add = true} : memref<5280xf32, #tpu.memory_space<vmem>>[vector<16xi32>], vector<16xf32>,
      %mul3A_472 = arith.mulf %get3A_468, %get3A_468 : vector<16xf32>
      %add3A_473 = arith.addf %add3A_464, %mul3A_472 : vector<16xf32>
      %get3A_474 = arith.constant 41 : i32
      %get3A_475 = arith.index_cast %get3A_474 : i32 to index
      %get3A_476 = arith.index_cast %mul3A_47 : i32 to index
      %get3A_477 = tpu.vector_load %arg7[%get3A_475, %get3A_476] {strides = array<i32>} : memref<64x1024xf32, #tpu.memory_space<vmem>>, vector<16xf32>,
      %add3A_478 = arith.constant 656 : i32
      %add3A_479 = vector.broadcast %add3A_478 : i32 to vector<16xi32>
      %add3A_480 = arith.addi %add3A_104, %add3A_479 : vector<16xi32>
      tpu.vector_store_idx %arg11[%add3A_480], %get3A_477 {add = true} : memref<5280xf32, #tpu.memory_space<vmem>>[vector<16xi32>], vector<16xf32>,
      %mul3A_481 = arith.mulf %get3A_477, %get3A_477 : vector<16xf32>
      %add3A_482 = arith.addf %add3A_473, %mul3A_481 : vector<16xf32>
      %get3A_483 = arith.constant 42 : i32
      %get3A_484 = arith.index_cast %get3A_483 : i32 to index
      %get3A_485 = arith.index_cast %mul3A_47 : i32 to index
      %get3A_486 = tpu.vector_load %arg7[%get3A_484, %get3A_485] {strides = array<i32>} : memref<64x1024xf32, #tpu.memory_space<vmem>>, vector<16xf32>,
      %add3A_487 = arith.constant 672 : i32
      %add3A_488 = vector.broadcast %add3A_487 : i32 to vector<16xi32>
      %add3A_489 = arith.addi %add3A_104, %add3A_488 : vector<16xi32>
      tpu.vector_store_idx %arg11[%add3A_489], %get3A_486 {add = true} : memref<5280xf32, #tpu.memory_space<vmem>>[vector<16xi32>], vector<16xf32>,
      %mul3A_490 = arith.mulf %get3A_486, %get3A_486 : vector<16xf32>
      %add3A_491 = arith.addf %add3A_482, %mul3A_490 : vector<16xf32>
      %get3A_492 = arith.constant 43 : i32
      %get3A_493 = arith.index_cast %get3A_492 : i32 to index
      %get3A_494 = arith.index_cast %mul3A_47 : i32 to index
      %get3A_495 = tpu.vector_load %arg7[%get3A_493, %get3A_494] {strides = array<i32>} : memref<64x1024xf32, #tpu.memory_space<vmem>>, vector<16xf32>,
      %add3A_496 = arith.constant 688 : i32
      %add3A_497 = vector.broadcast %add3A_496 : i32 to vector<16xi32>
      %add3A_498 = arith.addi %add3A_104, %add3A_497 : vector<16xi32>
      tpu.vector_store_idx %arg11[%add3A_498], %get3A_495 {add = true} : memref<5280xf32, #tpu.memory_space<vmem>>[vector<16xi32>], vector<16xf32>,
      %mul3A_499 = arith.mulf %get3A_495, %get3A_495 : vector<16xf32>
      %add3A_500 = arith.addf %add3A_491, %mul3A_499 : vector<16xf32>
      %get3A_501 = arith.constant 44 : i32
      %get3A_502 = arith.index_cast %get3A_501 : i32 to index
      %get3A_503 = arith.index_cast %mul3A_47 : i32 to index
      %get3A_504 = tpu.vector_load %arg7[%get3A_502, %get3A_503] {strides = array<i32>} : memref<64x1024xf32, #tpu.memory_space<vmem>>, vector<16xf32>,
      %add3A_505 = arith.constant 704 : i32
      %add3A_506 = vector.broadcast %add3A_505 : i32 to vector<16xi32>
      %add3A_507 = arith.addi %add3A_104, %add3A_506 : vector<16xi32>
      tpu.vector_store_idx %arg11[%add3A_507], %get3A_504 {add = true} : memref<5280xf32, #tpu.memory_space<vmem>>[vector<16xi32>], vector<16xf32>,
      %mul3A_508 = arith.mulf %get3A_504, %get3A_504 : vector<16xf32>
      %add3A_509 = arith.addf %add3A_500, %mul3A_508 : vector<16xf32>
      %get3A_510 = arith.constant 45 : i32
      %get3A_511 = arith.index_cast %get3A_510 : i32 to index
      %get3A_512 = arith.index_cast %mul3A_47 : i32 to index
      %get3A_513 = tpu.vector_load %arg7[%get3A_511, %get3A_512] {strides = array<i32>} : memref<64x1024xf32, #tpu.memory_space<vmem>>, vector<16xf32>,
      %add3A_514 = arith.constant 720 : i32
      %add3A_515 = vector.broadcast %add3A_514 : i32 to vector<16xi32>
      %add3A_516 = arith.addi %add3A_104, %add3A_515 : vector<16xi32>
      tpu.vector_store_idx %arg11[%add3A_516], %get3A_513 {add = true} : memref<5280xf32, #tpu.memory_space<vmem>>[vector<16xi32>], vector<16xf32>,
      %mul3A_517 = arith.mulf %get3A_513, %get3A_513 : vector<16xf32>
      %add3A_518 = arith.addf %add3A_509, %mul3A_517 : vector<16xf32>
      %get3A_519 = arith.constant 46 : i32
      %get3A_520 = arith.index_cast %get3A_519 : i32 to index
      %get3A_521 = arith.index_cast %mul3A_47 : i32 to index
      %get3A_522 = tpu.vector_load %arg7[%get3A_520, %get3A_521] {strides = array<i32>} : memref<64x1024xf32, #tpu.memory_space<vmem>>, vector<16xf32>,
      %add3A_523 = arith.constant 736 : i32
      %add3A_524 = vector.broadcast %add3A_523 : i32 to vector<16xi32>
      %add3A_525 = arith.addi %add3A_104, %add3A_524 : vector<16xi32>
      tpu.vector_store_idx %arg11[%add3A_525], %get3A_522 {add = true} : memref<5280xf32, #tpu.memory_space<vmem>>[vector<16xi32>], vector<16xf32>,
      %mul3A_526 = arith.mulf %get3A_522, %get3A_522 : vector<16xf32>
      %add3A_527 = arith.addf %add3A_518, %mul3A_526 : vector<16xf32>
      %get3A_528 = arith.constant 47 : i32
      %get3A_529 = arith.index_cast %get3A_528 : i32 to index
      %get3A_530 = arith.index_cast %mul3A_47 : i32 to index
      %get3A_531 = tpu.vector_load %arg7[%get3A_529, %get3A_530] {strides = array<i32>} : memref<64x1024xf32, #tpu.memory_space<vmem>>, vector<16xf32>,
      %add3A_532 = arith.constant 752 : i32
      %add3A_533 = vector.broadcast %add3A_532 : i32 to vector<16xi32>
      %add3A_534 = arith.addi %add3A_104, %add3A_533 : vector<16xi32>
      tpu.vector_store_idx %arg11[%add3A_534], %get3A_531 {add = true} : memref<5280xf32, #tpu.memory_space<vmem>>[vector<16xi32>], vector<16xf32>,
      %mul3A_535 = arith.mulf %get3A_531, %get3A_531 : vector<16xf32>
      %add3A_536 = arith.addf %add3A_527, %mul3A_535 : vector<16xf32>
      %get3A_537 = arith.constant 48 : i32
      %get3A_538 = arith.index_cast %get3A_537 : i32 to index
      %get3A_539 = arith.index_cast %mul3A_47 : i32 to index
      %get3A_540 = tpu.vector_load %arg7[%get3A_538, %get3A_539] {strides = array<i32>} : memref<64x1024xf32, #tpu.memory_space<vmem>>, vector<16xf32>,
      %add3A_541 = arith.constant 768 : i32
      %add3A_542 = vector.broadcast %add3A_541 : i32 to vector<16xi32>
      %add3A_543 = arith.addi %add3A_104, %add3A_542 : vector<16xi32>
      tpu.vector_store_idx %arg11[%add3A_543], %get3A_540 {add = true} : memref<5280xf32, #tpu.memory_space<vmem>>[vector<16xi32>], vector<16xf32>,
      %mul3A_544 = arith.mulf %get3A_540, %get3A_540 : vector<16xf32>
      %add3A_545 = arith.addf %add3A_536, %mul3A_544 : vector<16xf32>
      %get3A_546 = arith.constant 49 : i32
      %get3A_547 = arith.index_cast %get3A_546 : i32 to index
      %get3A_548 = arith.index_cast %mul3A_47 : i32 to index
      %get3A_549 = tpu.vector_load %arg7[%get3A_547, %get3A_548] {strides = array<i32>} : memref<64x1024xf32, #tpu.memory_space<vmem>>, vector<16xf32>,
      %add3A_550 = arith.constant 784 : i32
      %add3A_551 = vector.broadcast %add3A_550 : i32 to vector<16xi32>
      %add3A_552 = arith.addi %add3A_104, %add3A_551 : vector<16xi32>
      tpu.vector_store_idx %arg11[%add3A_552], %get3A_549 {add = true} : memref<5280xf32, #tpu.memory_space<vmem>>[vector<16xi32>], vector<16xf32>,
      %mul3A_553 = arith.mulf %get3A_549, %get3A_549 : vector<16xf32>
      %add3A_554 = arith.addf %add3A_545, %mul3A_553 : vector<16xf32>
      %get3A_555 = arith.constant 50 : i32
      %get3A_556 = arith.index_cast %get3A_555 : i32 to index
      %get3A_557 = arith.index_cast %mul3A_47 : i32 to index
      %get3A_558 = tpu.vector_load %arg7[%get3A_556, %get3A_557] {strides = array<i32>} : memref<64x1024xf32, #tpu.memory_space<vmem>>, vector<16xf32>,
      %add3A_559 = arith.constant 800 : i32
      %add3A_560 = vector.broadcast %add3A_559 : i32 to vector<16xi32>
      %add3A_561 = arith.addi %add3A_104, %add3A_560 : vector<16xi32>
      tpu.vector_store_idx %arg11[%add3A_561], %get3A_558 {add = true} : memref<5280xf32, #tpu.memory_space<vmem>>[vector<16xi32>], vector<16xf32>,
      %mul3A_562 = arith.mulf %get3A_558, %get3A_558 : vector<16xf32>
      %add3A_563 = arith.addf %add3A_554, %mul3A_562 : vector<16xf32>
      %get3A_564 = arith.constant 51 : i32
      %get3A_565 = arith.index_cast %get3A_564 : i32 to index
      %get3A_566 = arith.index_cast %mul3A_47 : i32 to index
      %get3A_567 = tpu.vector_load %arg7[%get3A_565, %get3A_566] {strides = array<i32>} : memref<64x1024xf32, #tpu.memory_space<vmem>>, vector<16xf32>,
      %add3A_568 = arith.constant 816 : i32
      %add3A_569 = vector.broadcast %add3A_568 : i32 to vector<16xi32>
      %add3A_570 = arith.addi %add3A_104, %add3A_569 : vector<16xi32>
      tpu.vector_store_idx %arg11[%add3A_570], %get3A_567 {add = true} : memref<5280xf32, #tpu.memory_space<vmem>>[vector<16xi32>], vector<16xf32>,
      %mul3A_571 = arith.mulf %get3A_567, %get3A_567 : vector<16xf32>
      %add3A_572 = arith.addf %add3A_563, %mul3A_571 : vector<16xf32>
      %get3A_573 = arith.constant 52 : i32
      %get3A_574 = arith.index_cast %get3A_573 : i32 to index
      %get3A_575 = arith.index_cast %mul3A_47 : i32 to index
      %get3A_576 = tpu.vector_load %arg7[%get3A_574, %get3A_575] {strides = array<i32>} : memref<64x1024xf32, #tpu.memory_space<vmem>>, vector<16xf32>,
      %add3A_577 = arith.constant 832 : i32
      %add3A_578 = vector.broadcast %add3A_577 : i32 to vector<16xi32>
      %add3A_579 = arith.addi %add3A_104, %add3A_578 : vector<16xi32>
      tpu.vector_store_idx %arg11[%add3A_579], %get3A_576 {add = true} : memref<5280xf32, #tpu.memory_space<vmem>>[vector<16xi32>], vector<16xf32>,
      %mul3A_580 = arith.mulf %get3A_576, %get3A_576 : vector<16xf32>
      %add3A_581 = arith.addf %add3A_572, %mul3A_580 : vector<16xf32>
      %get3A_582 = arith.constant 53 : i32
      %get3A_583 = arith.index_cast %get3A_582 : i32 to index
      %get3A_584 = arith.index_cast %mul3A_47 : i32 to index
      %get3A_585 = tpu.vector_load %arg7[%get3A_583, %get3A_584] {strides = array<i32>} : memref<64x1024xf32, #tpu.memory_space<vmem>>, vector<16xf32>,
      %add3A_586 = arith.constant 848 : i32
      %add3A_587 = vector.broadcast %add3A_586 : i32 to vector<16xi32>
      %add3A_588 = arith.addi %add3A_104, %add3A_587 : vector<16xi32>
      tpu.vector_store_idx %arg11[%add3A_588], %get3A_585 {add = true} : memref<5280xf32, #tpu.memory_space<vmem>>[vector<16xi32>], vector<16xf32>,
      %mul3A_589 = arith.mulf %get3A_585, %get3A_585 : vector<16xf32>
      %add3A_590 = arith.addf %add3A_581, %mul3A_589 : vector<16xf32>
      %get3A_591 = arith.constant 54 : i32
      %get3A_592 = arith.index_cast %get3A_591 : i32 to index
      %get3A_593 = arith.index_cast %mul3A_47 : i32 to index
      %get3A_594 = tpu.vector_load %arg7[%get3A_592, %get3A_593] {strides = array<i32>} : memref<64x1024xf32, #tpu.memory_space<vmem>>, vector<16xf32>,
      %add3A_595 = arith.constant 864 : i32
      %add3A_596 = vector.broadcast %add3A_595 : i32 to vector<16xi32>
      %add3A_597 = arith.addi %add3A_104, %add3A_596 : vector<16xi32>
      tpu.vector_store_idx %arg11[%add3A_597], %get3A_594 {add = true} : memref<5280xf32, #tpu.memory_space<vmem>>[vector<16xi32>], vector<16xf32>,
      %mul3A_598 = arith.mulf %get3A_594, %get3A_594 : vector<16xf32>
      %add3A_599 = arith.addf %add3A_590, %mul3A_598 : vector<16xf32>
      %get3A_600 = arith.constant 55 : i32
      %get3A_601 = arith.index_cast %get3A_600 : i32 to index
      %get3A_602 = arith.index_cast %mul3A_47 : i32 to index
      %get3A_603 = tpu.vector_load %arg7[%get3A_601, %get3A_602] {strides = array<i32>} : memref<64x1024xf32, #tpu.memory_space<vmem>>, vector<16xf32>,
      %add3A_604 = arith.constant 880 : i32
      %add3A_605 = vector.broadcast %add3A_604 : i32 to vector<16xi32>
      %add3A_606 = arith.addi %add3A_104, %add3A_605 : vector<16xi32>
      tpu.vector_store_idx %arg11[%add3A_606], %get3A_603 {add = true} : memref<5280xf32, #tpu.memory_space<vmem>>[vector<16xi32>], vector<16xf32>,
      %mul3A_607 = arith.mulf %get3A_603, %get3A_603 : vector<16xf32>
      %add3A_608 = arith.addf %add3A_599, %mul3A_607 : vector<16xf32>
      %get3A_609 = arith.constant 56 : i32
      %get3A_610 = arith.index_cast %get3A_609 : i32 to index
      %get3A_611 = arith.index_cast %mul3A_47 : i32 to index
      %get3A_612 = tpu.vector_load %arg7[%get3A_610, %get3A_611] {strides = array<i32>} : memref<64x1024xf32, #tpu.memory_space<vmem>>, vector<16xf32>,
      %add3A_613 = arith.constant 896 : i32
      %add3A_614 = vector.broadcast %add3A_613 : i32 to vector<16xi32>
      %add3A_615 = arith.addi %add3A_104, %add3A_614 : vector<16xi32>
      tpu.vector_store_idx %arg11[%add3A_615], %get3A_612 {add = true} : memref<5280xf32, #tpu.memory_space<vmem>>[vector<16xi32>], vector<16xf32>,
      %mul3A_616 = arith.mulf %get3A_612, %get3A_612 : vector<16xf32>
      %add3A_617 = arith.addf %add3A_608, %mul3A_616 : vector<16xf32>
      %get3A_618 = arith.constant 57 : i32
      %get3A_619 = arith.index_cast %get3A_618 : i32 to index
      %get3A_620 = arith.index_cast %mul3A_47 : i32 to index
      %get3A_621 = tpu.vector_load %arg7[%get3A_619, %get3A_620] {strides = array<i32>} : memref<64x1024xf32, #tpu.memory_space<vmem>>, vector<16xf32>,
      %add3A_622 = arith.constant 912 : i32
      %add3A_623 = vector.broadcast %add3A_622 : i32 to vector<16xi32>
      %add3A_624 = arith.addi %add3A_104, %add3A_623 : vector<16xi32>
      tpu.vector_store_idx %arg11[%add3A_624], %get3A_621 {add = true} : memref<5280xf32, #tpu.memory_space<vmem>>[vector<16xi32>], vector<16xf32>,
      %mul3A_625 = arith.mulf %get3A_621, %get3A_621 : vector<16xf32>
      %add3A_626 = arith.addf %add3A_617, %mul3A_625 : vector<16xf32>
      %get3A_627 = arith.constant 58 : i32
      %get3A_628 = arith.index_cast %get3A_627 : i32 to index
      %get3A_629 = arith.index_cast %mul3A_47 : i32 to index
      %get3A_630 = tpu.vector_load %arg7[%get3A_628, %get3A_629] {strides = array<i32>} : memref<64x1024xf32, #tpu.memory_space<vmem>>, vector<16xf32>,
      %add3A_631 = arith.constant 928 : i32
      %add3A_632 = vector.broadcast %add3A_631 : i32 to vector<16xi32>
      %add3A_633 = arith.addi %add3A_104, %add3A_632 : vector<16xi32>
      tpu.vector_store_idx %arg11[%add3A_633], %get3A_630 {add = true} : memref<5280xf32, #tpu.memory_space<vmem>>[vector<16xi32>], vector<16xf32>,
      %mul3A_634 = arith.mulf %get3A_630, %get3A_630 : vector<16xf32>
      %add3A_635 = arith.addf %add3A_626, %mul3A_634 : vector<16xf32>
      %get3A_636 = arith.constant 59 : i32
      %get3A_637 = arith.index_cast %get3A_636 : i32 to index
      %get3A_638 = arith.index_cast %mul3A_47 : i32 to index
      %get3A_639 = tpu.vector_load %arg7[%get3A_637, %get3A_638] {strides = array<i32>} : memref<64x1024xf32, #tpu.memory_space<vmem>>, vector<16xf32>,
      %add3A_640 = arith.constant 944 : i32
      %add3A_641 = vector.broadcast %add3A_640 : i32 to vector<16xi32>
      %add3A_642 = arith.addi %add3A_104, %add3A_641 : vector<16xi32>
      tpu.vector_store_idx %arg11[%add3A_642], %get3A_639 {add = true} : memref<5280xf32, #tpu.memory_space<vmem>>[vector<16xi32>], vector<16xf32>,
      %mul3A_643 = arith.mulf %get3A_639, %get3A_639 : vector<16xf32>
      %add3A_644 = arith.addf %add3A_635, %mul3A_643 : vector<16xf32>
      %get3A_645 = arith.constant 60 : i32
      %get3A_646 = arith.index_cast %get3A_645 : i32 to index
      %get3A_647 = arith.index_cast %mul3A_47 : i32 to index
      %get3A_648 = tpu.vector_load %arg7[%get3A_646, %get3A_647] {strides = array<i32>} : memref<64x1024xf32, #tpu.memory_space<vmem>>, vector<16xf32>,
      %add3A_649 = arith.constant 960 : i32
      %add3A_650 = vector.broadcast %add3A_649 : i32 to vector<16xi32>
      %add3A_651 = arith.addi %add3A_104, %add3A_650 : vector<16xi32>
      tpu.vector_store_idx %arg11[%add3A_651], %get3A_648 {add = true} : memref<5280xf32, #tpu.memory_space<vmem>>[vector<16xi32>], vector<16xf32>,
      %mul3A_652 = arith.mulf %get3A_648, %get3A_648 : vector<16xf32>
      %add3A_653 = arith.addf %add3A_644, %mul3A_652 : vector<16xf32>
      %get3A_654 = arith.constant 61 : i32
      %get3A_655 = arith.index_cast %get3A_654 : i32 to index
      %get3A_656 = arith.index_cast %mul3A_47 : i32 to index
      %get3A_657 = tpu.vector_load %arg7[%get3A_655, %get3A_656] {strides = array<i32>} : memref<64x1024xf32, #tpu.memory_space<vmem>>, vector<16xf32>,
      %add3A_658 = arith.constant 976 : i32
      %add3A_659 = vector.broadcast %add3A_658 : i32 to vector<16xi32>
      %add3A_660 = arith.addi %add3A_104, %add3A_659 : vector<16xi32>
      tpu.vector_store_idx %arg11[%add3A_660], %get3A_657 {add = true} : memref<5280xf32, #tpu.memory_space<vmem>>[vector<16xi32>], vector<16xf32>,
      %mul3A_661 = arith.mulf %get3A_657, %get3A_657 : vector<16xf32>
      %add3A_662 = arith.addf %add3A_653, %mul3A_661 : vector<16xf32>
      %get3A_663 = arith.constant 62 : i32
      %get3A_664 = arith.index_cast %get3A_663 : i32 to index
      %get3A_665 = arith.index_cast %mul3A_47 : i32 to index
      %get3A_666 = tpu.vector_load %arg7[%get3A_664, %get3A_665] {strides = array<i32>} : memref<64x1024xf32, #tpu.memory_space<vmem>>, vector<16xf32>,
      %add3A_667 = arith.constant 992 : i32
      %add3A_668 = vector.broadcast %add3A_667 : i32 to vector<16xi32>
      %add3A_669 = arith.addi %add3A_104, %add3A_668 : vector<16xi32>
      tpu.vector_store_idx %arg11[%add3A_669], %get3A_666 {add = true} : memref<5280xf32, #tpu.memory_space<vmem>>[vector<16xi32>], vector<16xf32>,
      %mul3A_670 = arith.mulf %get3A_666, %get3A_666 : vector<16xf32>
      %add3A_671 = arith.addf %add3A_662, %mul3A_670 : vector<16xf32>
      %get3A_672 = arith.constant 63 : i32
      %get3A_673 = arith.index_cast %get3A_672 : i32 to index
      %get3A_674 = arith.index_cast %mul3A_47 : i32 to index
      %get3A_675 = tpu.vector_load %arg7[%get3A_673, %get3A_674] {strides = array<i32>} : memref<64x1024xf32, #tpu.memory_space<vmem>>, vector<16xf32>,
      %add3A_676 = arith.constant 1008 : i32
      %add3A_677 = vector.broadcast %add3A_676 : i32 to vector<16xi32>
      %add3A_678 = arith.addi %add3A_104, %add3A_677 : vector<16xi32>
      tpu.vector_store_idx %arg11[%add3A_678], %get3A_675 {add = true} : memref<5280xf32, #tpu.memory_space<vmem>>[vector<16xi32>], vector<16xf32>,
      %mul3A_679 = arith.mulf %get3A_675, %get3A_675 : vector<16xf32>
      %add3A_680 = arith.addf %add3A_671, %mul3A_679 : vector<16xf32>
      %add3A_681 = arith.constant 1024 : i32
      %add3A_682 = vector.broadcast %add3A_681 : i32 to vector<16xi32>
      %add3A_683 = arith.addi %add3A_104, %add3A_682 : vector<16xi32>
      tpu.vector_store_idx %arg11[%add3A_683], %broadcast_in_dim3A_3 {add = true} : memref<5280xf32, #tpu.memory_space<vmem>>[vector<16xi32>], vector<16xf32>,
      %add3A_684 = arith.constant 1040 : i32
      %add3A_685 = vector.broadcast %add3A_684 : i32 to vector<16xi32>
      %add3A_686 = arith.addi %add3A_104, %add3A_685 : vector<16xi32>
      tpu.vector_store_idx %arg11[%add3A_686], %add3A_680 {add = true} : memref<5280xf32, #tpu.memory_space<vmem>>[vector<16xi32>], vector<16xf32>,
      %scan3A_687 = arith.constant 0 : i32
      scf.yield %scan3A_687 : i32
    }
    %scan3A_43 = arith.constant 64 : i32
    "tpu.region"() ({
      %run_scoped3A_44 = tpu.sem_alloc : memref<!tpu.dma_semaphore, #tpu.memory_space<semaphore_mem>>
      %dma_start3A = arith.constant 0 : i32
      %dma_start3A_45 = tpu.memref_slice %arg6[%add3A, %dma_start3A] : memref<32x5280xf32, #tpu.memory_space<hbm>> -> memref<1x5280xf32, #tpu.memory_space<hbm>>
      %dma_start3A_46 = tpu.memref_squeeze %dma_start3A_45 : memref<1x5280xf32, #tpu.memory_space<hbm>> -> memref<5280xf32, #tpu.memory_space<hbm>>
      %dma_start3A_47 = arith.constant 0 : i32
      %dma_start3A_48 = tpu.memref_slice %arg6[%add3A, %dma_start3A_47] : memref<32x5280xf32, #tpu.memory_space<hbm>> -> memref<1x5280xf32, #tpu.memory_space<hbm>>
      %dma_start3A_49 = tpu.memref_squeeze %dma_start3A_48 : memref<1x5280xf32, #tpu.memory_space<hbm>> -> memref<5280xf32, #tpu.memory_space<hbm>>
      tpu.enqueue_dma source(%arg11 : memref<5280xf32, #tpu.memory_space<vmem>>) target(%dma_start3A_49 : memref<5280xf32, #tpu.memory_space<hbm>>) target_semaphore(%run_scoped3A_44 : memref<!tpu.dma_semaphore, #tpu.memory_space<semaphore_mem>>)
      %dma_wait3A = arith.constant 0 : i32
      %dma_wait3A_50 = tpu.memref_slice %arg6[%add3A, %dma_wait3A] : memref<32x5280xf32, #tpu.memory_space<hbm>> -> memref<1x5280xf32, #tpu.memory_space<hbm>>
      %dma_wait3A_51 = tpu.memref_squeeze %dma_wait3A_50 : memref<1x5280xf32, #tpu.memory_space<hbm>> -> memref<5280xf32, #tpu.memory_space<hbm>>
      %dma_wait3A_52 = arith.constant 0 : i32
      %dma_wait3A_53 = tpu.memref_slice %arg6[%add3A, %dma_wait3A_52] : memref<32x5280xf32, #tpu.memory_space<hbm>> -> memref<1x5280xf32, #tpu.memory_space<hbm>>
      %dma_wait3A_54 = tpu.memref_squeeze %dma_wait3A_53 : memref<1x5280xf32, #tpu.memory_space<hbm>> -> memref<5280xf32, #tpu.memory_space<hbm>>
      tpu.wait_dma2 semaphore(%run_scoped3A_44 : memref<!tpu.dma_semaphore, #tpu.memory_space<semaphore_mem>>) src(%arg11 : memref<5280xf32, #tpu.memory_space<vmem>>) dst(%dma_wait3A_54 : memref<5280xf32, #tpu.memory_space<hbm>>)
      tpu.yield
    }) : () -> ()
    return
  }
}

module attributes {stable_mosaic.version = 14 : i64} {
  func.func @_tcs_body(%arg0: i32, %arg1: i32, %arg2: memref<1x5x32768xf32, #tpu.memory_space<vmem>>, %arg3: memref<1x1x32768xi32, #tpu.memory_space<vmem>>, %arg4: memref<1x1x1xf32, #tpu.memory_space<vmem>>, %arg5: memref<1x64x32768xf32, #tpu.memory_space<vmem>>, %arg6: memref<4x64xf32, #tpu.memory_space<vmem>>, %arg7: memref<4x1xf32, #tpu.memory_space<vmem>>, %arg8: memref<4x1xf32, #tpu.memory_space<vmem>>) attributes {dimension_semantics = [#tpu.dimension_semantics<arbitrary>, #tpu.dimension_semantics<arbitrary>], iteration_bounds = array<i64: 2, 7>, scalar_prefetch = 0 : i64, scratch_operands = 0 : i64, tpu.core_type = #tpu.core_type<tc>, window_params = [{transform_indices = @transform_0, window_bounds = array<i64: 1, 5, 32768>}, {transform_indices = @transform_1, window_bounds = array<i64: 1, 1, 32768>}, {transform_indices = @transform_2, window_bounds = array<i64: 1, 1, 1>}, {transform_indices = @transform_3, window_bounds = array<i64: 1, 64, 32768>}, {pipeline_mode = #tpu.pipeline_mode<synchronous>, transform_indices = @transform_4, window_bounds = array<i64: 4, 64>}, {pipeline_mode = #tpu.pipeline_mode<synchronous>, transform_indices = @transform_5, window_bounds = array<i64: 4, 1>}, {pipeline_mode = #tpu.pipeline_mode<synchronous>, transform_indices = @transform_6, window_bounds = array<i64: 4, 1>}]} {
    %eq3A = arith.constant 0 : i32
    %eq3A_0 = arith.cmpi eq, %arg0, %eq3A : i32
    %eq3A_1 = arith.constant 0 : i32
    %eq3A_2 = arith.cmpi eq, %arg1, %eq3A_1 : i32
    %and3A = arith.andi %eq3A_0, %eq3A_2 : i1
    %get3A = arith.constant 0 : index
    %get3A_3 = arith.constant 0 : index
    %get3A_4 = arith.constant 0 : index
    %get3A_5 = vector.load %arg2[%get3A, %get3A_3, %get3A_4] : memref<1x5x32768xf32, #tpu.memory_space<vmem>>, vector<1x5x32768xf32>
    %get3A_6 = vector.shape_cast %get3A_5 : vector<1x5x32768xf32> to vector<5x32768xf32>
    %get3A_7 = arith.constant 0 : index
    %get3A_8 = arith.constant 0 : index
    %get3A_9 = arith.constant 0 : index
    %get3A_10 = vector.load %arg3[%get3A_7, %get3A_8, %get3A_9] : memref<1x1x32768xi32, #tpu.memory_space<vmem>>, vector<1x1x32768xi32>
    %get3A_11 = vector.shape_cast %get3A_10 : vector<1x1x32768xi32> to vector<1x32768xi32>
    %get3A_12 = arith.constant 0 : index
    %get3A_13 = arith.constant 0 : index
    %get3A_14 = arith.constant 0 : index
    %get3A_15 = vector.load %arg4[%get3A_12, %get3A_13, %get3A_14] : memref<1x1x1xf32, #tpu.memory_space<vmem>>, vector<1x1x1xf32>
    %get3A_16 = vector.extract %get3A_15[0, 0, 0] : f32 from vector<1x1x1xf32>
    %slice3A = vector.extract_strided_slice %get3A_6 {offsets = [0, 0], sizes = [1, 32768], strides = [1, 1]} : vector<5x32768xf32> to vector<1x32768xf32>
    %broadcast_in_dim3A = arith.constant 0 : i32
    %broadcast_in_dim3A_17 = vector.broadcast %broadcast_in_dim3A : i32 to vector<1x32768xi32>
    %slice3A_18 = vector.extract_strided_slice %get3A_6 {offsets = [1, 0], sizes = [1, 32768], strides = [1, 1]} : vector<5x32768xf32> to vector<1x32768xf32>
    %gt3A = arith.cmpf ogt, %slice3A_18, %slice3A : vector<1x32768xf32>
    %select_n3A = arith.select %gt3A, %slice3A_18, %slice3A : vector<1x32768xi1>, vector<1x32768xf32>
    %jit3A = arith.constant 1 : i32
    %broadcast_in_dim3A_19 = vector.broadcast %jit3A : i32 to vector<1x32768xi32>
    %select_n3A_20 = arith.select %gt3A, %broadcast_in_dim3A_19, %broadcast_in_dim3A_17 : vector<1x32768xi1>, vector<1x32768xi32>
    %slice3A_21 = vector.extract_strided_slice %get3A_6 {offsets = [2, 0], sizes = [1, 32768], strides = [1, 1]} : vector<5x32768xf32> to vector<1x32768xf32>
    %gt3A_22 = arith.cmpf ogt, %slice3A_21, %select_n3A : vector<1x32768xf32>
    %select_n3A_23 = arith.select %gt3A_22, %slice3A_21, %select_n3A : vector<1x32768xi1>, vector<1x32768xf32>
    %jit3A_24 = arith.constant 2 : i32
    %broadcast_in_dim3A_25 = vector.broadcast %jit3A_24 : i32 to vector<1x32768xi32>
    %select_n3A_26 = arith.select %gt3A_22, %broadcast_in_dim3A_25, %select_n3A_20 : vector<1x32768xi1>, vector<1x32768xi32>
    %slice3A_27 = vector.extract_strided_slice %get3A_6 {offsets = [3, 0], sizes = [1, 32768], strides = [1, 1]} : vector<5x32768xf32> to vector<1x32768xf32>
    %gt3A_28 = arith.cmpf ogt, %slice3A_27, %select_n3A_23 : vector<1x32768xf32>
    %select_n3A_29 = arith.select %gt3A_28, %slice3A_27, %select_n3A_23 : vector<1x32768xi1>, vector<1x32768xf32>
    %jit3A_30 = arith.constant 3 : i32
    %broadcast_in_dim3A_31 = vector.broadcast %jit3A_30 : i32 to vector<1x32768xi32>
    %select_n3A_32 = arith.select %gt3A_28, %broadcast_in_dim3A_31, %select_n3A_26 : vector<1x32768xi1>, vector<1x32768xi32>
    %slice3A_33 = vector.extract_strided_slice %get3A_6 {offsets = [4, 0], sizes = [1, 32768], strides = [1, 1]} : vector<5x32768xf32> to vector<1x32768xf32>
    %gt3A_34 = arith.cmpf ogt, %slice3A_33, %select_n3A_29 : vector<1x32768xf32>
    %select_n3A_35 = arith.select %gt3A_34, %slice3A_33, %select_n3A_29 : vector<1x32768xi1>, vector<1x32768xf32>
    %jit3A_36 = arith.constant 4 : i32
    %broadcast_in_dim3A_37 = vector.broadcast %jit3A_36 : i32 to vector<1x32768xi32>
    %select_n3A_38 = arith.select %gt3A_34, %broadcast_in_dim3A_37, %select_n3A_32 : vector<1x32768xi1>, vector<1x32768xi32>
    %gt3A_39 = arith.constant 8.000000e-01 : f32
    %gt3A_40 = vector.broadcast %gt3A_39 : f32 to vector<1x32768xf32>
    %gt3A_41 = arith.cmpf ogt, %select_n3A_35, %gt3A_40 : vector<1x32768xf32>
    %gt3A_42 = arith.constant 0 : i32
    %gt3A_43 = vector.broadcast %gt3A_42 : i32 to vector<1x32768xi32>
    %gt3A_44 = arith.cmpi sgt, %select_n3A_38, %gt3A_43 : vector<1x32768xi32>
    %and3A_45 = arith.andi %gt3A_41, %gt3A_44 : vector<1x32768xi1>
    %eq3A_46 = arith.cmpi eq, %select_n3A_38, %get3A_11 : vector<1x32768xi32>
    %lt3A = arith.constant 5.000000e-01 : f32
    %lt3A_47 = arith.cmpf olt, %get3A_16, %lt3A : f32
    %or3A = vector.broadcast %lt3A_47 : i1 to vector<1x32768xi1>
    %or3A_48 = arith.ori %eq3A_46, %or3A : vector<1x32768xi1>
    %and3A_49 = arith.andi %and3A_45, %or3A_48 : vector<1x32768xi1>
    %convert_element_type3A = arith.extui %and3A_49 : vector<1x32768xi1> to vector<1x32768xi32>
    %convert_element_type3A_50 = arith.sitofp %convert_element_type3A : vector<1x32768xi32> to vector<1x32768xf32>
    %iota3A = tpu.iota {dimensions = array<i32: 0>} : vector<4x1xi32>
    %add3A = arith.constant 1 : i32
    %add3A_51 = vector.broadcast %add3A : i32 to vector<4x1xi32>
    %add3A_52 = arith.addi %iota3A, %add3A_51 : vector<4x1xi32>
    %eq3A_53 = vector.broadcast %select_n3A_38 : vector<1x32768xi32> to vector<4x32768xi32>
    %eq3A_54 = vector.broadcast %add3A_52 : vector<4x1xi32> to vector<4x32768xi32>
    %eq3A_55 = arith.cmpi eq, %eq3A_53, %eq3A_54 : vector<4x32768xi32>
    %jit3A_56 = arith.constant 0.000000e+00 : f32
    %broadcast_in_dim3A_57 = vector.shape_cast %convert_element_type3A_50 : vector<1x32768xf32> to vector<1x32768xf32>
    %broadcast_in_dim3A_58 = vector.broadcast %broadcast_in_dim3A_57 : vector<1x32768xf32> to vector<4x32768xf32>
    %broadcast_in_dim3A_59 = vector.broadcast %jit3A_56 : f32 to vector<4x32768xf32>
    %select_n3A_60 = arith.select %eq3A_55, %broadcast_in_dim3A_58, %broadcast_in_dim3A_59 : vector<4x32768xi1>, vector<4x32768xf32>
    %get3A_61 = arith.constant 0 : index
    %get3A_62 = arith.constant 0 : index
    %get3A_63 = arith.constant 0 : index
    %get3A_64 = vector.load %arg5[%get3A_61, %get3A_62, %get3A_63] : memref<1x64x32768xf32, #tpu.memory_space<vmem>>, vector<1x64x32768xf32>
    %get3A_65 = vector.shape_cast %get3A_64 : vector<1x64x32768xf32> to vector<64x32768xf32>
    %dot_general3A = arith.constant dense<0.000000e+00> : vector<4x64xf32>
    %dot_general3A_66 = tpu.matmul %select_n3A_60, %get3A_65, %dot_general3A {dimension_numbers = #tpu.dot_dimension_numbers<[1], [1], [0], [0], [0, 0, 1, 0], [], []>, transpose_lhs_hint = false} : vector<4x32768xf32>, vector<64x32768xf32>, vector<4x64xf32> -> vector<4x64xf32>
    %mul3A = arith.mulf %get3A_65, %get3A_65 : vector<64x32768xf32>
    %reduce_sum3A = arith.constant dense<0.000000e+00> : vector<32768xf32>
    %reduce_sum3A_67 = vector.multi_reduction <add>, %mul3A, %reduce_sum3A [0] : vector<64x32768xf32> to vector<32768xf32>
    %broadcast_in_dim3A_68 = vector.shape_cast %reduce_sum3A_67 : vector<32768xf32> to vector<1x32768xf32>
    %reduce_sum3A_69 = arith.constant dense<0.000000e+00> : vector<4xf32>
    %reduce_sum3A_70 = vector.multi_reduction <add>, %select_n3A_60, %reduce_sum3A_69 [1] : vector<4x32768xf32> to vector<4xf32>
    %broadcast_in_dim3A_71 = vector.shape_cast %reduce_sum3A_70 : vector<4xf32> to vector<4x1xf32>
    %dot_general3A_72 = arith.constant dense<0.000000e+00> : vector<4x1xf32>
    %dot_general3A_73 = tpu.matmul %select_n3A_60, %broadcast_in_dim3A_68, %dot_general3A_72 {dimension_numbers = #tpu.dot_dimension_numbers<[1], [1], [0], [0], [0, 0, 1, 0], [], []>, transpose_lhs_hint = false} : vector<4x32768xf32>, vector<1x32768xf32>, vector<4x1xf32> -> vector<4x1xf32>
    %convert_element_type3A_74 = arith.extui %and3A : i1 to i32
    %cond3A = arith.constant 0 : i32
    %cond3A_75 = arith.cmpi ne, %convert_element_type3A_74, %cond3A : i32
    scf.if %cond3A_75 {
      %swap3A = arith.constant 0 : index
      %swap3A_80 = arith.constant 0 : index
      %swap3A_81 = vector.load %arg6[%swap3A, %swap3A_80] : memref<4x64xf32, #tpu.memory_space<vmem>>, vector<4x64xf32>
      tpu.vector_store %arg6[%swap3A, %swap3A_80], %dot_general3A_66 {strides = array<i32>} : memref<4x64xf32, #tpu.memory_space<vmem>>, vector<4x64xf32>,
      %swap3A_82 = arith.constant 0 : index
      %swap3A_83 = arith.constant 0 : index
      %swap3A_84 = vector.load %arg7[%swap3A_82, %swap3A_83] : memref<4x1xf32, #tpu.memory_space<vmem>>, vector<4x1xf32>
      tpu.vector_store %arg7[%swap3A_82, %swap3A_83], %broadcast_in_dim3A_71 {strides = array<i32>} : memref<4x1xf32, #tpu.memory_space<vmem>>, vector<4x1xf32>,
      %swap3A_85 = arith.constant 0 : index
      %swap3A_86 = arith.constant 0 : index
      %swap3A_87 = vector.load %arg8[%swap3A_85, %swap3A_86] : memref<4x1xf32, #tpu.memory_space<vmem>>, vector<4x1xf32>
      tpu.vector_store %arg8[%swap3A_85, %swap3A_86], %dot_general3A_73 {strides = array<i32>} : memref<4x1xf32, #tpu.memory_space<vmem>>, vector<4x1xf32>,
    } else {
    }
    %not3A = arith.constant true
    %not3A_76 = arith.xori %and3A, %not3A : i1
    %convert_element_type3A_77 = arith.extui %not3A_76 : i1 to i32
    %cond3A_78 = arith.constant 0 : i32
    %cond3A_79 = arith.cmpi ne, %convert_element_type3A_77, %cond3A_78 : i32
    scf.if %cond3A_79 {
      %get3A_80 = arith.constant 0 : index
      %get3A_81 = arith.constant 0 : index
      %get3A_82 = vector.load %arg6[%get3A_80, %get3A_81] : memref<4x64xf32, #tpu.memory_space<vmem>>, vector<4x64xf32>
      %add3A_83 = arith.addf %get3A_82, %dot_general3A_66 : vector<4x64xf32>
      %swap3A = arith.constant 0 : index
      %swap3A_84 = arith.constant 0 : index
      %swap3A_85 = vector.load %arg6[%swap3A, %swap3A_84] : memref<4x64xf32, #tpu.memory_space<vmem>>, vector<4x64xf32>
      tpu.vector_store %arg6[%swap3A, %swap3A_84], %add3A_83 {strides = array<i32>} : memref<4x64xf32, #tpu.memory_space<vmem>>, vector<4x64xf32>,
      %get3A_86 = arith.constant 0 : index
      %get3A_87 = arith.constant 0 : index
      %get3A_88 = vector.load %arg7[%get3A_86, %get3A_87] : memref<4x1xf32, #tpu.memory_space<vmem>>, vector<4x1xf32>
      %add3A_89 = arith.addf %get3A_88, %broadcast_in_dim3A_71 : vector<4x1xf32>
      %swap3A_90 = arith.constant 0 : index
      %swap3A_91 = arith.constant 0 : index
      %swap3A_92 = vector.load %arg7[%swap3A_90, %swap3A_91] : memref<4x1xf32, #tpu.memory_space<vmem>>, vector<4x1xf32>
      tpu.vector_store %arg7[%swap3A_90, %swap3A_91], %add3A_89 {strides = array<i32>} : memref<4x1xf32, #tpu.memory_space<vmem>>, vector<4x1xf32>,
      %get3A_93 = arith.constant 0 : index
      %get3A_94 = arith.constant 0 : index
      %get3A_95 = vector.load %arg8[%get3A_93, %get3A_94] : memref<4x1xf32, #tpu.memory_space<vmem>>, vector<4x1xf32>
      %add3A_96 = arith.addf %get3A_95, %dot_general3A_73 : vector<4x1xf32>
      %swap3A_97 = arith.constant 0 : index
      %swap3A_98 = arith.constant 0 : index
      %swap3A_99 = vector.load %arg8[%swap3A_97, %swap3A_98] : memref<4x1xf32, #tpu.memory_space<vmem>>, vector<4x1xf32>
      tpu.vector_store %arg8[%swap3A_97, %swap3A_98], %add3A_96 {strides = array<i32>} : memref<4x1xf32, #tpu.memory_space<vmem>>, vector<4x1xf32>,
    } else {
    }
    return
  }
  func.func @transform_0(%arg0: i32, %arg1: i32) -> (i32, i32, i32) {
    %add3A = arith.constant 1 : i32
    %add3A_0 = arith.addi %arg1, %add3A : i32
    %c0_i32 = arith.constant 0 : i32
    %c0_i32_1 = arith.constant 0 : i32
    return %arg0, %c0_i32, %add3A_0 : i32, i32, i32
  }
  func.func @transform_1(%arg0: i32, %arg1: i32) -> (i32, i32, i32) {
    %add3A = arith.constant 1 : i32
    %add3A_0 = arith.addi %arg1, %add3A : i32
    %c0_i32 = arith.constant 0 : i32
    %c0_i32_1 = arith.constant 0 : i32
    return %arg0, %c0_i32, %add3A_0 : i32, i32, i32
  }
  func.func @transform_2(%arg0: i32, %arg1: i32) -> (i32, i32, i32) {
    %c0_i32 = arith.constant 0 : i32
    %c0_i32_0 = arith.constant 0 : i32
    %c0_i32_1 = arith.constant 0 : i32
    return %arg0, %c0_i32, %c0_i32_0 : i32, i32, i32
  }
  func.func @transform_3(%arg0: i32, %arg1: i32) -> (i32, i32, i32) {
    %add3A = arith.constant 1 : i32
    %add3A_0 = arith.addi %arg1, %add3A : i32
    %c0_i32 = arith.constant 0 : i32
    %c0_i32_1 = arith.constant 0 : i32
    return %arg0, %c0_i32, %add3A_0 : i32, i32, i32
  }
  func.func @transform_4(%arg0: i32, %arg1: i32) -> (i32, i32) {
    %c0_i32 = arith.constant 0 : i32
    %c0_i32_0 = arith.constant 0 : i32
    %c0_i32_1 = arith.constant 0 : i32
    return %c0_i32, %c0_i32_0 : i32, i32
  }
  func.func @transform_5(%arg0: i32, %arg1: i32) -> (i32, i32) {
    %c0_i32 = arith.constant 0 : i32
    %c0_i32_0 = arith.constant 0 : i32
    %c0_i32_1 = arith.constant 0 : i32
    return %c0_i32, %c0_i32_0 : i32, i32
  }
  func.func @transform_6(%arg0: i32, %arg1: i32) -> (i32, i32) {
    %c0_i32 = arith.constant 0 : i32
    %c0_i32_0 = arith.constant 0 : i32
    %c0_i32_1 = arith.constant 0 : i32
    return %c0_i32, %c0_i32_0 : i32, i32
  }
}

module attributes {stable_mosaic.version = 14 : i64} {
  func.func @_epi_body(%arg0: memref<32x330x16xf32, #tpu.memory_space<vmem>>, %arg1: memref<4x64xf32, #tpu.memory_space<vmem>>, %arg2: memref<4x1xf32, #tpu.memory_space<vmem>>, %arg3: memref<4x1xf32, #tpu.memory_space<vmem>>, %arg4: memref<4x64xf32, #tpu.memory_space<vmem>>, %arg5: memref<4x1xf32, #tpu.memory_space<vmem>>, %arg6: memref<1x1xf32, #tpu.memory_space<vmem>>) attributes {dimension_semantics = [], scalar_prefetch = 0 : i64, scratch_operands = 0 : i64, tpu.core_type = #tpu.core_type<tc>} {
    %get3A = arith.constant 0 : index
    %get3A_0 = arith.constant 0 : index
    %get3A_1 = arith.constant 0 : index
    %get3A_2 = vector.load %arg0[%get3A, %get3A_0, %get3A_1] : memref<32x330x16xf32, #tpu.memory_space<vmem>>, vector<32x330x16xf32>
    %slice3A = vector.extract_strided_slice %get3A_2 {offsets = [0, 0, 0], sizes = [1, 330, 16], strides = [1, 1, 1]} : vector<32x330x16xf32> to vector<1x330x16xf32>
    %squeeze3A = vector.shape_cast %slice3A : vector<1x330x16xf32> to vector<330x16xf32>
    %slice3A_3 = vector.extract_strided_slice %get3A_2 {offsets = [1, 0, 0], sizes = [1, 330, 16], strides = [1, 1, 1]} : vector<32x330x16xf32> to vector<1x330x16xf32>
    %squeeze3A_4 = vector.shape_cast %slice3A_3 : vector<1x330x16xf32> to vector<330x16xf32>
    %add3A = arith.addf %squeeze3A, %squeeze3A_4 : vector<330x16xf32>
    %slice3A_5 = vector.extract_strided_slice %get3A_2 {offsets = [2, 0, 0], sizes = [1, 330, 16], strides = [1, 1, 1]} : vector<32x330x16xf32> to vector<1x330x16xf32>
    %squeeze3A_6 = vector.shape_cast %slice3A_5 : vector<1x330x16xf32> to vector<330x16xf32>
    %add3A_7 = arith.addf %add3A, %squeeze3A_6 : vector<330x16xf32>
    %slice3A_8 = vector.extract_strided_slice %get3A_2 {offsets = [3, 0, 0], sizes = [1, 330, 16], strides = [1, 1, 1]} : vector<32x330x16xf32> to vector<1x330x16xf32>
    %squeeze3A_9 = vector.shape_cast %slice3A_8 : vector<1x330x16xf32> to vector<330x16xf32>
    %add3A_10 = arith.addf %add3A_7, %squeeze3A_9 : vector<330x16xf32>
    %slice3A_11 = vector.extract_strided_slice %get3A_2 {offsets = [4, 0, 0], sizes = [1, 330, 16], strides = [1, 1, 1]} : vector<32x330x16xf32> to vector<1x330x16xf32>
    %squeeze3A_12 = vector.shape_cast %slice3A_11 : vector<1x330x16xf32> to vector<330x16xf32>
    %add3A_13 = arith.addf %add3A_10, %squeeze3A_12 : vector<330x16xf32>
    %slice3A_14 = vector.extract_strided_slice %get3A_2 {offsets = [5, 0, 0], sizes = [1, 330, 16], strides = [1, 1, 1]} : vector<32x330x16xf32> to vector<1x330x16xf32>
    %squeeze3A_15 = vector.shape_cast %slice3A_14 : vector<1x330x16xf32> to vector<330x16xf32>
    %add3A_16 = arith.addf %add3A_13, %squeeze3A_15 : vector<330x16xf32>
    %slice3A_17 = vector.extract_strided_slice %get3A_2 {offsets = [6, 0, 0], sizes = [1, 330, 16], strides = [1, 1, 1]} : vector<32x330x16xf32> to vector<1x330x16xf32>
    %squeeze3A_18 = vector.shape_cast %slice3A_17 : vector<1x330x16xf32> to vector<330x16xf32>
    %add3A_19 = arith.addf %add3A_16, %squeeze3A_18 : vector<330x16xf32>
    %slice3A_20 = vector.extract_strided_slice %get3A_2 {offsets = [7, 0, 0], sizes = [1, 330, 16], strides = [1, 1, 1]} : vector<32x330x16xf32> to vector<1x330x16xf32>
    %squeeze3A_21 = vector.shape_cast %slice3A_20 : vector<1x330x16xf32> to vector<330x16xf32>
    %add3A_22 = arith.addf %add3A_19, %squeeze3A_21 : vector<330x16xf32>
    %slice3A_23 = vector.extract_strided_slice %get3A_2 {offsets = [8, 0, 0], sizes = [1, 330, 16], strides = [1, 1, 1]} : vector<32x330x16xf32> to vector<1x330x16xf32>
    %squeeze3A_24 = vector.shape_cast %slice3A_23 : vector<1x330x16xf32> to vector<330x16xf32>
    %add3A_25 = arith.addf %add3A_22, %squeeze3A_24 : vector<330x16xf32>
    %slice3A_26 = vector.extract_strided_slice %get3A_2 {offsets = [9, 0, 0], sizes = [1, 330, 16], strides = [1, 1, 1]} : vector<32x330x16xf32> to vector<1x330x16xf32>
    %squeeze3A_27 = vector.shape_cast %slice3A_26 : vector<1x330x16xf32> to vector<330x16xf32>
    %add3A_28 = arith.addf %add3A_25, %squeeze3A_27 : vector<330x16xf32>
    %slice3A_29 = vector.extract_strided_slice %get3A_2 {offsets = [10, 0, 0], sizes = [1, 330, 16], strides = [1, 1, 1]} : vector<32x330x16xf32> to vector<1x330x16xf32>
    %squeeze3A_30 = vector.shape_cast %slice3A_29 : vector<1x330x16xf32> to vector<330x16xf32>
    %add3A_31 = arith.addf %add3A_28, %squeeze3A_30 : vector<330x16xf32>
    %slice3A_32 = vector.extract_strided_slice %get3A_2 {offsets = [11, 0, 0], sizes = [1, 330, 16], strides = [1, 1, 1]} : vector<32x330x16xf32> to vector<1x330x16xf32>
    %squeeze3A_33 = vector.shape_cast %slice3A_32 : vector<1x330x16xf32> to vector<330x16xf32>
    %add3A_34 = arith.addf %add3A_31, %squeeze3A_33 : vector<330x16xf32>
    %slice3A_35 = vector.extract_strided_slice %get3A_2 {offsets = [12, 0, 0], sizes = [1, 330, 16], strides = [1, 1, 1]} : vector<32x330x16xf32> to vector<1x330x16xf32>
    %squeeze3A_36 = vector.shape_cast %slice3A_35 : vector<1x330x16xf32> to vector<330x16xf32>
    %add3A_37 = arith.addf %add3A_34, %squeeze3A_36 : vector<330x16xf32>
    %slice3A_38 = vector.extract_strided_slice %get3A_2 {offsets = [13, 0, 0], sizes = [1, 330, 16], strides = [1, 1, 1]} : vector<32x330x16xf32> to vector<1x330x16xf32>
    %squeeze3A_39 = vector.shape_cast %slice3A_38 : vector<1x330x16xf32> to vector<330x16xf32>
    %add3A_40 = arith.addf %add3A_37, %squeeze3A_39 : vector<330x16xf32>
    %slice3A_41 = vector.extract_strided_slice %get3A_2 {offsets = [14, 0, 0], sizes = [1, 330, 16], strides = [1, 1, 1]} : vector<32x330x16xf32> to vector<1x330x16xf32>
    %squeeze3A_42 = vector.shape_cast %slice3A_41 : vector<1x330x16xf32> to vector<330x16xf32>
    %add3A_43 = arith.addf %add3A_40, %squeeze3A_42 : vector<330x16xf32>
    %slice3A_44 = vector.extract_strided_slice %get3A_2 {offsets = [15, 0, 0], sizes = [1, 330, 16], strides = [1, 1, 1]} : vector<32x330x16xf32> to vector<1x330x16xf32>
    %squeeze3A_45 = vector.shape_cast %slice3A_44 : vector<1x330x16xf32> to vector<330x16xf32>
    %add3A_46 = arith.addf %add3A_43, %squeeze3A_45 : vector<330x16xf32>
    %slice3A_47 = vector.extract_strided_slice %get3A_2 {offsets = [16, 0, 0], sizes = [1, 330, 16], strides = [1, 1, 1]} : vector<32x330x16xf32> to vector<1x330x16xf32>
    %squeeze3A_48 = vector.shape_cast %slice3A_47 : vector<1x330x16xf32> to vector<330x16xf32>
    %add3A_49 = arith.addf %add3A_46, %squeeze3A_48 : vector<330x16xf32>
    %slice3A_50 = vector.extract_strided_slice %get3A_2 {offsets = [17, 0, 0], sizes = [1, 330, 16], strides = [1, 1, 1]} : vector<32x330x16xf32> to vector<1x330x16xf32>
    %squeeze3A_51 = vector.shape_cast %slice3A_50 : vector<1x330x16xf32> to vector<330x16xf32>
    %add3A_52 = arith.addf %add3A_49, %squeeze3A_51 : vector<330x16xf32>
    %slice3A_53 = vector.extract_strided_slice %get3A_2 {offsets = [18, 0, 0], sizes = [1, 330, 16], strides = [1, 1, 1]} : vector<32x330x16xf32> to vector<1x330x16xf32>
    %squeeze3A_54 = vector.shape_cast %slice3A_53 : vector<1x330x16xf32> to vector<330x16xf32>
    %add3A_55 = arith.addf %add3A_52, %squeeze3A_54 : vector<330x16xf32>
    %slice3A_56 = vector.extract_strided_slice %get3A_2 {offsets = [19, 0, 0], sizes = [1, 330, 16], strides = [1, 1, 1]} : vector<32x330x16xf32> to vector<1x330x16xf32>
    %squeeze3A_57 = vector.shape_cast %slice3A_56 : vector<1x330x16xf32> to vector<330x16xf32>
    %add3A_58 = arith.addf %add3A_55, %squeeze3A_57 : vector<330x16xf32>
    %slice3A_59 = vector.extract_strided_slice %get3A_2 {offsets = [20, 0, 0], sizes = [1, 330, 16], strides = [1, 1, 1]} : vector<32x330x16xf32> to vector<1x330x16xf32>
    %squeeze3A_60 = vector.shape_cast %slice3A_59 : vector<1x330x16xf32> to vector<330x16xf32>
    %add3A_61 = arith.addf %add3A_58, %squeeze3A_60 : vector<330x16xf32>
    %slice3A_62 = vector.extract_strided_slice %get3A_2 {offsets = [21, 0, 0], sizes = [1, 330, 16], strides = [1, 1, 1]} : vector<32x330x16xf32> to vector<1x330x16xf32>
    %squeeze3A_63 = vector.shape_cast %slice3A_62 : vector<1x330x16xf32> to vector<330x16xf32>
    %add3A_64 = arith.addf %add3A_61, %squeeze3A_63 : vector<330x16xf32>
    %slice3A_65 = vector.extract_strided_slice %get3A_2 {offsets = [22, 0, 0], sizes = [1, 330, 16], strides = [1, 1, 1]} : vector<32x330x16xf32> to vector<1x330x16xf32>
    %squeeze3A_66 = vector.shape_cast %slice3A_65 : vector<1x330x16xf32> to vector<330x16xf32>
    %add3A_67 = arith.addf %add3A_64, %squeeze3A_66 : vector<330x16xf32>
    %slice3A_68 = vector.extract_strided_slice %get3A_2 {offsets = [23, 0, 0], sizes = [1, 330, 16], strides = [1, 1, 1]} : vector<32x330x16xf32> to vector<1x330x16xf32>
    %squeeze3A_69 = vector.shape_cast %slice3A_68 : vector<1x330x16xf32> to vector<330x16xf32>
    %add3A_70 = arith.addf %add3A_67, %squeeze3A_69 : vector<330x16xf32>
    %slice3A_71 = vector.extract_strided_slice %get3A_2 {offsets = [24, 0, 0], sizes = [1, 330, 16], strides = [1, 1, 1]} : vector<32x330x16xf32> to vector<1x330x16xf32>
    %squeeze3A_72 = vector.shape_cast %slice3A_71 : vector<1x330x16xf32> to vector<330x16xf32>
    %add3A_73 = arith.addf %add3A_70, %squeeze3A_72 : vector<330x16xf32>
    %slice3A_74 = vector.extract_strided_slice %get3A_2 {offsets = [25, 0, 0], sizes = [1, 330, 16], strides = [1, 1, 1]} : vector<32x330x16xf32> to vector<1x330x16xf32>
    %squeeze3A_75 = vector.shape_cast %slice3A_74 : vector<1x330x16xf32> to vector<330x16xf32>
    %add3A_76 = arith.addf %add3A_73, %squeeze3A_75 : vector<330x16xf32>
    %slice3A_77 = vector.extract_strided_slice %get3A_2 {offsets = [26, 0, 0], sizes = [1, 330, 16], strides = [1, 1, 1]} : vector<32x330x16xf32> to vector<1x330x16xf32>
    %squeeze3A_78 = vector.shape_cast %slice3A_77 : vector<1x330x16xf32> to vector<330x16xf32>
    %add3A_79 = arith.addf %add3A_76, %squeeze3A_78 : vector<330x16xf32>
    %slice3A_80 = vector.extract_strided_slice %get3A_2 {offsets = [27, 0, 0], sizes = [1, 330, 16], strides = [1, 1, 1]} : vector<32x330x16xf32> to vector<1x330x16xf32>
    %squeeze3A_81 = vector.shape_cast %slice3A_80 : vector<1x330x16xf32> to vector<330x16xf32>
    %add3A_82 = arith.addf %add3A_79, %squeeze3A_81 : vector<330x16xf32>
    %slice3A_83 = vector.extract_strided_slice %get3A_2 {offsets = [28, 0, 0], sizes = [1, 330, 16], strides = [1, 1, 1]} : vector<32x330x16xf32> to vector<1x330x16xf32>
    %squeeze3A_84 = vector.shape_cast %slice3A_83 : vector<1x330x16xf32> to vector<330x16xf32>
    %add3A_85 = arith.addf %add3A_82, %squeeze3A_84 : vector<330x16xf32>
    %slice3A_86 = vector.extract_strided_slice %get3A_2 {offsets = [29, 0, 0], sizes = [1, 330, 16], strides = [1, 1, 1]} : vector<32x330x16xf32> to vector<1x330x16xf32>
    %squeeze3A_87 = vector.shape_cast %slice3A_86 : vector<1x330x16xf32> to vector<330x16xf32>
    %add3A_88 = arith.addf %add3A_85, %squeeze3A_87 : vector<330x16xf32>
    %slice3A_89 = vector.extract_strided_slice %get3A_2 {offsets = [30, 0, 0], sizes = [1, 330, 16], strides = [1, 1, 1]} : vector<32x330x16xf32> to vector<1x330x16xf32>
    %squeeze3A_90 = vector.shape_cast %slice3A_89 : vector<1x330x16xf32> to vector<330x16xf32>
    %add3A_91 = arith.addf %add3A_88, %squeeze3A_90 : vector<330x16xf32>
    %slice3A_92 = vector.extract_strided_slice %get3A_2 {offsets = [31, 0, 0], sizes = [1, 330, 16], strides = [1, 1, 1]} : vector<32x330x16xf32> to vector<1x330x16xf32>
    %squeeze3A_93 = vector.shape_cast %slice3A_92 : vector<1x330x16xf32> to vector<330x16xf32>
    %add3A_94 = arith.addf %add3A_91, %squeeze3A_93 : vector<330x16xf32>
    %reduce_sum3A = arith.constant dense<0.000000e+00> : vector<330xf32>
    %reduce_sum3A_95 = vector.multi_reduction <add>, %add3A_94, %reduce_sum3A [1] : vector<330x16xf32> to vector<330xf32>
    %broadcast_in_dim3A = vector.shape_cast %reduce_sum3A_95 : vector<330xf32> to vector<330x1xf32>
    %iota3A = tpu.iota {dimensions = array<i32: 0>} : vector<330x64xi32>
    %iota3A_96 = tpu.iota {dimensions = array<i32: 1>} : vector<330x64xi32>
    %jit3A = arith.constant 66 : i32
    %eq3A = arith.constant 0 : i32
    %eq3A_97 = arith.cmpi eq, %jit3A, %eq3A : i32
    %jit3A_98 = arith.constant 1 : i32
    %select_n3A = arith.select %eq3A_97, %jit3A_98, %jit3A : i32
    %rem3A = vector.broadcast %select_n3A : i32 to vector<330x64xi32>
    %rem3A_99 = arith.remsi %iota3A, %rem3A : vector<330x64xi32>
    %ne3A = arith.constant 0 : i32
    %ne3A_100 = vector.broadcast %ne3A : i32 to vector<330x64xi32>
    %ne3A_101 = arith.cmpi ne, %rem3A_99, %ne3A_100 : vector<330x64xi32>
    %lt3A = arith.constant 0 : i32
    %lt3A_102 = vector.broadcast %lt3A : i32 to vector<330x64xi32>
    %lt3A_103 = arith.cmpi slt, %rem3A_99, %lt3A_102 : vector<330x64xi32>
    %lt3A_104 = arith.constant 0 : i32
    %lt3A_105 = arith.cmpi slt, %select_n3A, %lt3A_104 : i32
    %ne3A_106 = vector.broadcast %lt3A_105 : i1 to vector<330x64xi1>
    %ne3A_107 = vector.broadcast %ne3A_106 : vector<330x64xi1> to vector<330x64xi1>
    %ne3A_108 = arith.xori %lt3A_103, %ne3A_107 : vector<330x64xi1>
    %and3A = arith.andi %ne3A_108, %ne3A_101 : vector<330x64xi1>
    %add3A_109 = vector.broadcast %select_n3A : i32 to vector<330x64xi32>
    %add3A_110 = arith.addi %rem3A_99, %add3A_109 : vector<330x64xi32>
    %select_n3A_111 = arith.select %and3A, %add3A_110, %rem3A_99 : vector<330x64xi1>, vector<330x64xi32>
    %eq3A_112 = arith.cmpi eq, %select_n3A_111, %iota3A_96 : vector<330x64xi32>
    %convert_element_type3A = arith.extui %eq3A_112 : vector<330x64xi1> to vector<330x64xi32>
    %convert_element_type3A_113 = arith.sitofp %convert_element_type3A : vector<330x64xi32> to vector<330x64xf32>
    %iota3A_114 = tpu.iota {dimensions = array<i32: 0>} : vector<4x330xi32>
    %iota3A_115 = tpu.iota {dimensions = array<i32: 1>} : vector<4x330xi32>
    %jit3A_116 = arith.constant 66 : i32
    %div3A = vector.broadcast %jit3A_116 : i32 to vector<4x330xi32>
    %div3A_117 = arith.divsi %iota3A_115, %div3A : vector<4x330xi32>
    %sign3A = arith.constant 0 : i32
    %sign3A_118 = vector.broadcast %sign3A : i32 to vector<4x330xi32>
    %sign3A_119 = arith.cmpi sgt, %iota3A_115, %sign3A_118 : vector<4x330xi32>
    %sign3A_120 = arith.extui %sign3A_119 : vector<4x330xi1> to vector<4x330xi32>
    %sign3A_121 = arith.constant 0 : i32
    %sign3A_122 = vector.broadcast %sign3A_121 : i32 to vector<4x330xi32>
    %sign3A_123 = arith.cmpi slt, %iota3A_115, %sign3A_122 : vector<4x330xi32>
    %sign3A_124 = arith.extui %sign3A_123 : vector<4x330xi1> to vector<4x330xi32>
    %sign3A_125 = arith.subi %sign3A_120, %sign3A_124 : vector<4x330xi32>
    %sign3A_126 = arith.constant 0 : i32
    %sign3A_127 = arith.cmpi sgt, %jit3A_116, %sign3A_126 : i32
    %sign3A_128 = arith.extui %sign3A_127 : i1 to i32
    %sign3A_129 = arith.constant 0 : i32
    %sign3A_130 = arith.cmpi slt, %jit3A_116, %sign3A_129 : i32
    %sign3A_131 = arith.extui %sign3A_130 : i1 to i32
    %sign3A_132 = arith.subi %sign3A_128, %sign3A_131 : i32
    %ne3A_133 = vector.broadcast %sign3A_132 : i32 to vector<4x330xi32>
    %ne3A_134 = arith.cmpi ne, %sign3A_125, %ne3A_133 : vector<4x330xi32>
    %rem3A_135 = vector.broadcast %jit3A_116 : i32 to vector<4x330xi32>
    %rem3A_136 = arith.remsi %iota3A_115, %rem3A_135 : vector<4x330xi32>
    %ne3A_137 = arith.constant 0 : i32
    %ne3A_138 = vector.broadcast %ne3A_137 : i32 to vector<4x330xi32>
    %ne3A_139 = arith.cmpi ne, %rem3A_136, %ne3A_138 : vector<4x330xi32>
    %and3A_140 = arith.andi %ne3A_134, %ne3A_139 : vector<4x330xi1>
    %sub3A = arith.constant 1 : i32
    %sub3A_141 = vector.broadcast %sub3A : i32 to vector<4x330xi32>
    %sub3A_142 = arith.subi %div3A_117, %sub3A_141 : vector<4x330xi32>
    %select_n3A_143 = arith.select %and3A_140, %sub3A_142, %div3A_117 : vector<4x330xi1>, vector<4x330xi32>
    %add3A_144 = arith.constant 1 : i32
    %add3A_145 = vector.broadcast %add3A_144 : i32 to vector<4x330xi32>
    %add3A_146 = arith.addi %iota3A_114, %add3A_145 : vector<4x330xi32>
    %eq3A_147 = arith.cmpi eq, %select_n3A_143, %add3A_146 : vector<4x330xi32>
    %convert_element_type3A_148 = arith.extui %eq3A_147 : vector<4x330xi1> to vector<4x330xi32>
    %convert_element_type3A_149 = arith.sitofp %convert_element_type3A_148 : vector<4x330xi32> to vector<4x330xf32>
    %iota3A_150 = tpu.iota {dimensions = array<i32: 0>} : vector<330x1xi32>
    %mul3A = vector.broadcast %broadcast_in_dim3A : vector<330x1xf32> to vector<330x64xf32>
    %mul3A_151 = arith.mulf %mul3A, %convert_element_type3A_113 : vector<330x64xf32>
    %dot_general3A = arith.constant dense<0.000000e+00> : vector<4x64xf32>
    %dot_general3A_152 = tpu.matmul %convert_element_type3A_149, %mul3A_151, %dot_general3A {dimension_numbers = #tpu.dot_dimension_numbers<[1], [0], [0], [1], [0, 0, 1, 1], [], []>, precision = #tpu.contract_precision<fp32>, transpose_lhs_hint = false} : vector<4x330xf32>, vector<330x64xf32>, vector<4x64xf32> -> vector<4x64xf32>
    %get3A_153 = arith.constant 0 : index
    %get3A_154 = arith.constant 0 : index
    %get3A_155 = vector.load %arg1[%get3A_153, %get3A_154] : memref<4x64xf32, #tpu.memory_space<vmem>>, vector<4x64xf32>
    %add3A_156 = arith.addf %dot_general3A_152, %get3A_155 : vector<4x64xf32>
    %jit3A_157 = arith.constant 66 : i32
    %eq3A_158 = arith.constant 0 : i32
    %eq3A_159 = arith.cmpi eq, %jit3A_157, %eq3A_158 : i32
    %jit3A_160 = arith.constant 1 : i32
    %select_n3A_161 = arith.select %eq3A_159, %jit3A_160, %jit3A_157 : i32
    %rem3A_162 = vector.broadcast %select_n3A_161 : i32 to vector<330x1xi32>
    %rem3A_163 = arith.remsi %iota3A_150, %rem3A_162 : vector<330x1xi32>
    %ne3A_164 = arith.constant 0 : i32
    %ne3A_165 = vector.broadcast %ne3A_164 : i32 to vector<330x1xi32>
    %ne3A_166 = arith.cmpi ne, %rem3A_163, %ne3A_165 : vector<330x1xi32>
    %lt3A_167 = arith.constant 0 : i32
    %lt3A_168 = vector.broadcast %lt3A_167 : i32 to vector<330x1xi32>
    %lt3A_169 = arith.cmpi slt, %rem3A_163, %lt3A_168 : vector<330x1xi32>
    %lt3A_170 = arith.constant 0 : i32
    %lt3A_171 = arith.cmpi slt, %select_n3A_161, %lt3A_170 : i32
    %ne3A_172 = vector.broadcast %lt3A_171 : i1 to vector<330x1xi1>
    %ne3A_173 = vector.broadcast %ne3A_172 : vector<330x1xi1> to vector<330x1xi1>
    %ne3A_174 = arith.xori %lt3A_169, %ne3A_173 : vector<330x1xi1>
    %and3A_175 = arith.andi %ne3A_174, %ne3A_166 : vector<330x1xi1>
    %add3A_176 = vector.broadcast %select_n3A_161 : i32 to vector<330x1xi32>
    %add3A_177 = arith.addi %rem3A_163, %add3A_176 : vector<330x1xi32>
    %select_n3A_178 = arith.select %and3A_175, %add3A_177, %rem3A_163 : vector<330x1xi1>, vector<330x1xi32>
    %eq3A_179 = arith.constant 64 : i32
    %eq3A_180 = vector.broadcast %eq3A_179 : i32 to vector<330x1xi32>
    %eq3A_181 = arith.cmpi eq, %select_n3A_178, %eq3A_180 : vector<330x1xi32>
    %convert_element_type3A_182 = arith.extui %eq3A_181 : vector<330x1xi1> to vector<330x1xi32>
    %convert_element_type3A_183 = arith.sitofp %convert_element_type3A_182 : vector<330x1xi32> to vector<330x1xf32>
    %mul3A_184 = arith.mulf %broadcast_in_dim3A, %convert_element_type3A_183 : vector<330x1xf32>
    %dot_general3A_185 = arith.constant dense<0.000000e+00> : vector<4x1xf32>
    %dot_general3A_186 = tpu.matmul %convert_element_type3A_149, %mul3A_184, %dot_general3A_185 {dimension_numbers = #tpu.dot_dimension_numbers<[1], [0], [0], [1], [0, 0, 1, 1], [], []>, precision = #tpu.contract_precision<fp32>, transpose_lhs_hint = false} : vector<4x330xf32>, vector<330x1xf32>, vector<4x1xf32> -> vector<4x1xf32>
    %get3A_187 = arith.constant 0 : index
    %get3A_188 = arith.constant 0 : index
    %get3A_189 = vector.load %arg2[%get3A_187, %get3A_188] : memref<4x1xf32, #tpu.memory_space<vmem>>, vector<4x1xf32>
    %add3A_190 = arith.addf %dot_general3A_186, %get3A_189 : vector<4x1xf32>
    %jit3A_191 = arith.constant 66 : i32
    %eq3A_192 = arith.constant 0 : i32
    %eq3A_193 = arith.cmpi eq, %jit3A_191, %eq3A_192 : i32
    %jit3A_194 = arith.constant 1 : i32
    %select_n3A_195 = arith.select %eq3A_193, %jit3A_194, %jit3A_191 : i32
    %rem3A_196 = vector.broadcast %select_n3A_195 : i32 to vector<330x1xi32>
    %rem3A_197 = arith.remsi %iota3A_150, %rem3A_196 : vector<330x1xi32>
    %ne3A_198 = arith.constant 0 : i32
    %ne3A_199 = vector.broadcast %ne3A_198 : i32 to vector<330x1xi32>
    %ne3A_200 = arith.cmpi ne, %rem3A_197, %ne3A_199 : vector<330x1xi32>
    %lt3A_201 = arith.constant 0 : i32
    %lt3A_202 = vector.broadcast %lt3A_201 : i32 to vector<330x1xi32>
    %lt3A_203 = arith.cmpi slt, %rem3A_197, %lt3A_202 : vector<330x1xi32>
    %lt3A_204 = arith.constant 0 : i32
    %lt3A_205 = arith.cmpi slt, %select_n3A_195, %lt3A_204 : i32
    %ne3A_206 = vector.broadcast %lt3A_205 : i1 to vector<330x1xi1>
    %ne3A_207 = vector.broadcast %ne3A_206 : vector<330x1xi1> to vector<330x1xi1>
    %ne3A_208 = arith.xori %lt3A_203, %ne3A_207 : vector<330x1xi1>
    %and3A_209 = arith.andi %ne3A_208, %ne3A_200 : vector<330x1xi1>
    %add3A_210 = vector.broadcast %select_n3A_195 : i32 to vector<330x1xi32>
    %add3A_211 = arith.addi %rem3A_197, %add3A_210 : vector<330x1xi32>
    %select_n3A_212 = arith.select %and3A_209, %add3A_211, %rem3A_197 : vector<330x1xi1>, vector<330x1xi32>
    %eq3A_213 = arith.constant 65 : i32
    %eq3A_214 = vector.broadcast %eq3A_213 : i32 to vector<330x1xi32>
    %eq3A_215 = arith.cmpi eq, %select_n3A_212, %eq3A_214 : vector<330x1xi32>
    %convert_element_type3A_216 = arith.extui %eq3A_215 : vector<330x1xi1> to vector<330x1xi32>
    %convert_element_type3A_217 = arith.sitofp %convert_element_type3A_216 : vector<330x1xi32> to vector<330x1xf32>
    %mul3A_218 = arith.mulf %broadcast_in_dim3A, %convert_element_type3A_217 : vector<330x1xf32>
    %dot_general3A_219 = arith.constant dense<0.000000e+00> : vector<4x1xf32>
    %dot_general3A_220 = tpu.matmul %convert_element_type3A_149, %mul3A_218, %dot_general3A_219 {dimension_numbers = #tpu.dot_dimension_numbers<[1], [0], [0], [1], [0, 0, 1, 1], [], []>, precision = #tpu.contract_precision<fp32>, transpose_lhs_hint = false} : vector<4x330xf32>, vector<330x1xf32>, vector<4x1xf32> -> vector<4x1xf32>
    %get3A_221 = arith.constant 0 : index
    %get3A_222 = arith.constant 0 : index
    %get3A_223 = vector.load %arg3[%get3A_221, %get3A_222] : memref<4x1xf32, #tpu.memory_space<vmem>>, vector<4x1xf32>
    %add3A_224 = arith.addf %dot_general3A_220, %get3A_223 : vector<4x1xf32>
    %get3A_225 = arith.constant 0 : index
    %get3A_226 = arith.constant 0 : index
    %get3A_227 = vector.load %arg4[%get3A_225, %get3A_226] : memref<4x64xf32, #tpu.memory_space<vmem>>, vector<4x64xf32>
    %get3A_228 = arith.constant 0 : index
    %get3A_229 = arith.constant 0 : index
    %get3A_230 = vector.load %arg5[%get3A_228, %get3A_229] : memref<4x1xf32, #tpu.memory_space<vmem>>, vector<4x1xf32>
    %gt3A = arith.constant 5.000000e-01 : f32
    %gt3A_231 = vector.broadcast %gt3A : f32 to vector<4x1xf32>
    %gt3A_232 = arith.cmpf ogt, %get3A_230, %gt3A_231 : vector<4x1xf32>
    %gt3A_233 = arith.constant 0.000000e+00 : f32
    %gt3A_234 = vector.broadcast %gt3A_233 : f32 to vector<4x1xf32>
    %gt3A_235 = arith.cmpf ogt, %add3A_190, %gt3A_234 : vector<4x1xf32>
    %max3A = arith.constant 1.000000e+00 : f32
    %max3A_236 = vector.broadcast %max3A : f32 to vector<4x1xf32>
    %max3A_237 = arith.maximumf %add3A_190, %max3A_236 : vector<4x1xf32>
    %div3A_238 = vector.broadcast %max3A_237 : vector<4x1xf32> to vector<4x64xf32>
    %div3A_239 = arith.divf %add3A_156, %div3A_238 : vector<4x64xf32>
    %mul3A_240 = arith.constant 0.899999976 : f32
    %mul3A_241 = vector.broadcast %mul3A_240 : f32 to vector<4x64xf32>
    %mul3A_242 = arith.mulf %mul3A_241, %get3A_227 : vector<4x64xf32>
    %mul3A_243 = arith.constant 1.000000e-01 : f32
    %mul3A_244 = vector.broadcast %mul3A_243 : f32 to vector<4x64xf32>
    %mul3A_245 = arith.mulf %mul3A_244, %div3A_239 : vector<4x64xf32>
    %add3A_246 = arith.addf %mul3A_242, %mul3A_245 : vector<4x64xf32>
    %broadcast_in_dim3A_247 = vector.shape_cast %gt3A_232 : vector<4x1xi1> to vector<4x1xi1>
    %broadcast_in_dim3A_248 = vector.broadcast %broadcast_in_dim3A_247 : vector<4x1xi1> to vector<4x64xi1>
    %select_n3A_249 = arith.select %broadcast_in_dim3A_248, %add3A_246, %div3A_239 : vector<4x64xi1>, vector<4x64xf32>
    %broadcast_in_dim3A_250 = vector.shape_cast %gt3A_235 : vector<4x1xi1> to vector<4x1xi1>
    %broadcast_in_dim3A_251 = vector.broadcast %broadcast_in_dim3A_250 : vector<4x1xi1> to vector<4x64xi1>
    %select_n3A_252 = arith.select %broadcast_in_dim3A_251, %select_n3A_249, %get3A_227 : vector<4x64xi1>, vector<4x64xf32>
    %or3A = arith.ori %gt3A_232, %gt3A_235 : vector<4x1xi1>
    %mul3A_253 = arith.mulf %select_n3A_252, %select_n3A_252 : vector<4x64xf32>
    %reduce_sum3A_254 = arith.constant dense<0.000000e+00> : vector<4xf32>
    %reduce_sum3A_255 = vector.multi_reduction <add>, %mul3A_253, %reduce_sum3A_254 [1] : vector<4x64xf32> to vector<4xf32>
    %broadcast_in_dim3A_256 = vector.shape_cast %reduce_sum3A_255 : vector<4xf32> to vector<4x1xf32>
    %reduce_sum3A_257 = vector.shape_cast %add3A_224 : vector<4x1xf32> to vector<1x4x1xf32>
    %reduce_sum3A_258 = arith.constant dense<0.000000e+00> : vector<1xf32>
    %reduce_sum3A_259 = vector.multi_reduction <add>, %reduce_sum3A_257, %reduce_sum3A_258 [1, 2] : vector<1x4x1xf32> to vector<1xf32>
    %reduce_sum3A_260 = vector.shape_cast %reduce_sum3A_259 : vector<1xf32> to vector<1x1x1xf32>
    %reduce_sum3A_261 = vector.extract %reduce_sum3A_260[0, 0, 0] : f32 from vector<1x1x1xf32>
    %mul3A_262 = arith.mulf %add3A_156, %select_n3A_252 : vector<4x64xf32>
    %reduce_sum3A_263 = vector.shape_cast %mul3A_262 : vector<4x64xf32> to vector<1x4x64xf32>
    %reduce_sum3A_264 = arith.constant dense<0.000000e+00> : vector<1xf32>
    %reduce_sum3A_265 = vector.multi_reduction <add>, %reduce_sum3A_263, %reduce_sum3A_264 [1, 2] : vector<1x4x64xf32> to vector<1xf32>
    %reduce_sum3A_266 = vector.shape_cast %reduce_sum3A_265 : vector<1xf32> to vector<1x1x1xf32>
    %reduce_sum3A_267 = vector.extract %reduce_sum3A_266[0, 0, 0] : f32 from vector<1x1x1xf32>
    %mul3A_268 = arith.constant 2.000000e+00 : f32
    %mul3A_269 = arith.mulf %mul3A_268, %reduce_sum3A_267 : f32
    %sub3A_270 = arith.subf %reduce_sum3A_261, %mul3A_269 : f32
    %mul3A_271 = arith.mulf %add3A_190, %broadcast_in_dim3A_256 : vector<4x1xf32>
    %reduce_sum3A_272 = vector.shape_cast %mul3A_271 : vector<4x1xf32> to vector<1x4x1xf32>
    %reduce_sum3A_273 = arith.constant dense<0.000000e+00> : vector<1xf32>
    %reduce_sum3A_274 = vector.multi_reduction <add>, %reduce_sum3A_272, %reduce_sum3A_273 [1, 2] : vector<1x4x1xf32> to vector<1xf32>
    %reduce_sum3A_275 = vector.shape_cast %reduce_sum3A_274 : vector<1xf32> to vector<1x1x1xf32>
    %reduce_sum3A_276 = vector.extract %reduce_sum3A_275[0, 0, 0] : f32 from vector<1x1x1xf32>
    %add3A_277 = arith.addf %sub3A_270, %reduce_sum3A_276 : f32
    %reduce_sum3A_278 = vector.shape_cast %add3A_190 : vector<4x1xf32> to vector<1x4x1xf32>
    %reduce_sum3A_279 = arith.constant dense<0.000000e+00> : vector<1xf32>
    %reduce_sum3A_280 = vector.multi_reduction <add>, %reduce_sum3A_278, %reduce_sum3A_279 [1, 2] : vector<1x4x1xf32> to vector<1xf32>
    %reduce_sum3A_281 = vector.shape_cast %reduce_sum3A_280 : vector<1xf32> to vector<1x1x1xf32>
    %reduce_sum3A_282 = vector.extract %reduce_sum3A_281[0, 0, 0] : f32 from vector<1x1x1xf32>
    %gt3A_283 = arith.constant 0.000000e+00 : f32
    %gt3A_284 = arith.cmpf ogt, %reduce_sum3A_282, %gt3A_283 : f32
    %max3A_285 = arith.constant 1.000000e+00 : f32
    %max3A_286 = arith.maximumf %reduce_sum3A_282, %max3A_285 : f32
    %div3A_287 = arith.divf %add3A_277, %max3A_286 : f32
    %jit3A_288 = arith.constant 0.000000e+00 : f32
    %select_n3A_289 = arith.select %gt3A_284, %div3A_287, %jit3A_288 : f32
    %dot_general3A_290 = arith.constant dense<0.000000e+00> : vector<4x4xf32>
    %dot_general3A_291 = tpu.matmul %select_n3A_252, %select_n3A_252, %dot_general3A_290 {dimension_numbers = #tpu.dot_dimension_numbers<[1], [1], [0], [0], [0, 0, 1, 0], [], []>, precision = #tpu.contract_precision<fp32>, transpose_lhs_hint = false} : vector<4x64xf32>, vector<4x64xf32>, vector<4x4xf32> -> vector<4x4xf32>
    %reshape3A = vector.shape_cast %broadcast_in_dim3A_256 : vector<4x1xf32> to vector<1x4xf32>
    %add3A_292 = vector.broadcast %broadcast_in_dim3A_256 : vector<4x1xf32> to vector<4x4xf32>
    %add3A_293 = vector.broadcast %reshape3A : vector<1x4xf32> to vector<4x4xf32>
    %add3A_294 = arith.addf %add3A_292, %add3A_293 : vector<4x4xf32>
    %mul3A_295 = arith.constant 2.000000e+00 : f32
    %mul3A_296 = vector.broadcast %mul3A_295 : f32 to vector<4x4xf32>
    %mul3A_297 = arith.mulf %mul3A_296, %dot_general3A_291 : vector<4x4xf32>
    %sub3A_298 = arith.subf %add3A_294, %mul3A_297 : vector<4x4xf32>
    %max3A_299 = arith.constant 0.000000e+00 : f32
    %max3A_300 = vector.broadcast %max3A_299 : f32 to vector<4x4xf32>
    %max3A_301 = arith.maximumf %sub3A_298, %max3A_300 : vector<4x4xf32>
    %add3A_302 = arith.constant 9.99999996E-13 : f32
    %add3A_303 = vector.broadcast %add3A_302 : f32 to vector<4x4xf32>
    %add3A_304 = arith.addf %max3A_301, %add3A_303 : vector<4x4xf32>
    %sqrt3A = math.sqrt %add3A_304 : vector<4x4xf32>
    %iota3A_305 = tpu.iota {dimensions = array<i32: 0>} : vector<4x4xi32>
    %iota3A_306 = tpu.iota {dimensions = array<i32: 1>} : vector<4x4xi32>
    %reshape3A_307 = vector.shape_cast %or3A : vector<4x1xi1> to vector<1x4xi1>
    %and3A_308 = vector.broadcast %or3A : vector<4x1xi1> to vector<4x4xi1>
    %and3A_309 = vector.broadcast %reshape3A_307 : vector<1x4xi1> to vector<4x4xi1>
    %and3A_310 = arith.andi %and3A_308, %and3A_309 : vector<4x4xi1>
    %gt3A_311 = arith.cmpi sgt, %iota3A_306, %iota3A_305 : vector<4x4xi32>
    %and3A_312 = arith.andi %and3A_310, %gt3A_311 : vector<4x4xi1>
    %sub3A_313 = arith.constant 1.000000e+00 : f32
    %sub3A_314 = vector.broadcast %sub3A_313 : f32 to vector<4x4xf32>
    %sub3A_315 = arith.subf %sub3A_314, %sqrt3A : vector<4x4xf32>
    %max3A_316 = arith.constant 0.000000e+00 : f32
    %max3A_317 = vector.broadcast %max3A_316 : f32 to vector<4x4xf32>
    %max3A_318 = arith.maximumf %sub3A_315, %max3A_317 : vector<4x4xf32>
    %integer_pow3A = arith.mulf %max3A_318, %max3A_318 : vector<4x4xf32>
    %convert_element_type3A_319 = arith.extui %and3A_312 : vector<4x4xi1> to vector<4x4xi32>
    %convert_element_type3A_320 = arith.sitofp %convert_element_type3A_319 : vector<4x4xi32> to vector<4x4xf32>
    %reduce_sum3A_321 = vector.shape_cast %convert_element_type3A_320 : vector<4x4xf32> to vector<1x4x4xf32>
    %reduce_sum3A_322 = arith.constant dense<0.000000e+00> : vector<1xf32>
    %reduce_sum3A_323 = vector.multi_reduction <add>, %reduce_sum3A_321, %reduce_sum3A_322 [1, 2] : vector<1x4x4xf32> to vector<1xf32>
    %reduce_sum3A_324 = vector.shape_cast %reduce_sum3A_323 : vector<1xf32> to vector<1x1x1xf32>
    %reduce_sum3A_325 = vector.extract %reduce_sum3A_324[0, 0, 0] : f32 from vector<1x1x1xf32>
    %gt3A_326 = arith.constant 0.000000e+00 : f32
    %gt3A_327 = arith.cmpf ogt, %reduce_sum3A_325, %gt3A_326 : f32
    %mul3A_328 = arith.mulf %integer_pow3A, %convert_element_type3A_320 : vector<4x4xf32>
    %reduce_sum3A_329 = vector.shape_cast %mul3A_328 : vector<4x4xf32> to vector<1x4x4xf32>
    %reduce_sum3A_330 = arith.constant dense<0.000000e+00> : vector<1xf32>
    %reduce_sum3A_331 = vector.multi_reduction <add>, %reduce_sum3A_329, %reduce_sum3A_330 [1, 2] : vector<1x4x4xf32> to vector<1xf32>
    %reduce_sum3A_332 = vector.shape_cast %reduce_sum3A_331 : vector<1xf32> to vector<1x1x1xf32>
    %reduce_sum3A_333 = vector.extract %reduce_sum3A_332[0, 0, 0] : f32 from vector<1x1x1xf32>
    %max3A_334 = arith.constant 1.000000e+00 : f32
    %max3A_335 = arith.maximumf %reduce_sum3A_325, %max3A_334 : f32
    %div3A_336 = arith.divf %reduce_sum3A_333, %max3A_335 : f32
    %jit3A_337 = arith.constant 0.000000e+00 : f32
    %select_n3A_338 = arith.select %gt3A_327, %div3A_336, %jit3A_337 : f32
    %mul3A_339 = arith.constant 1.000000e+00 : f32
    %mul3A_340 = arith.mulf %mul3A_339, %select_n3A_289 : f32
    %mul3A_341 = arith.constant 1.000000e-01 : f32
    %mul3A_342 = arith.mulf %mul3A_341, %select_n3A_338 : f32
    %add3A_343 = arith.addf %mul3A_340, %mul3A_342 : f32
    %reshape3A_344 = vector.broadcast %add3A_343 : f32 to vector<1x1xf32>
    %swap3A = arith.constant 0 : index
    %swap3A_345 = arith.constant 0 : index
    %swap3A_346 = vector.load %arg6[%swap3A, %swap3A_345] : memref<1x1xf32, #tpu.memory_space<vmem>>, vector<1x1xf32>
    tpu.vector_store %arg6[%swap3A, %swap3A_345], %reshape3A_344 {strides = array<i32>} : memref<1x1xf32, #tpu.memory_space<vmem>>, vector<1x1xf32>,
    return
  }
}

</mosaic_0001>

<sc_bundles>
// kernel: kernel.5.cloned.1.call-start
scs
__scs_entry_jumppad:
0x0: {  	(pc) =	sbr.rel $0x88, $3  }
0x1: {  	(tag) =	ssettag $0x0;
	lr =	simm.s32 $0x1  }
0x2: {  	[smem:$0x3F9B] =	sst lr;
	_ =	strace $0xD0000000  }
0x3: {  	_ = 	snop  }
0x4: {  	_ = 	snop  }
0x5: {  	_ = 	snop  }
0x6: {  	_ = 	snop  }
0x7: {  	_ = 	snop  }
__scs_overlays_trampoline_lowered:
0x8: {  	[smem:$0x3FAA] =	sst s0  }
0x9: {  	[smem:$0x3FAB] =	sst s1  }
0xa: {  	[smem:$0x3FAC] =	sst s2  }
0xb: {  	[smem:$0x3FAD] =	sst s3  }
0xc: {  	[smem:$0x3FAE] =	sst s4  }
0xd: {  	[smem:$0x3FAF] =	sst s5  }
0xe: {  	[smem:$0x3FB0] =	sst s6  }
0xf: {  	[smem:$0x3FB1] =	sst s7  }
0x10: {  	[smem:$0x3FB2] =	sst s8  }
0x11: {  	[smem:$0x3FB3] =	sst s9;
	s0 =	simm.s32 @!p0 $0x0  }
0x12: {  	s1 =	sld [smem:$0x3F99];
	s0 =	simm.s32 @p0 $0x1  }
0x13: {  	[smem:$0x3FB4] =	sst s0;
	s0 =	simm.s32 @!p1 $0x0  }
0x14: {  	s2 =	sld [smem:$0x3F98];
	s0 =	simm.s32 @p1 $0x1  }
0x15: {  	[smem:$0x3FB5] =	sst s0;
	s0 =	simm.s32 @!p2 $0x0  }
0x16: {  	s3 =	sld [smem:$0x3FDB];
	s0 =	simm.s32 @p2 $0x1  }
0x17: {  	s4 =	simm.s32 $0x1BF5;
	[smem:$0x3FB7] =	sst s0  }
0x18: {  	s0 =	sld [smem:$0x3F9A];
	_ =	swait.ge [sflag:s4], $0x0  }
0x19: {  	s7 =	sld [smem:$0x3F9B]  }
0x1a: {  	s8 =	sadd.s32 $0xFFFFE003, lr  }
0x1b: {  	s9 =	sadd.s32 $0xFFFFFEF7, lr;
	s5 =	simm.s32 $0xFFFFFFFF;
	p2 =	slt.u32 s8, $0xFFFFF086  }
0x1c: {  	p1 =	slt.u32 s9, $0xF7A;
	s5 =	simm.s32 @!p2 $0x0  }
0x1d: {  	s5 =	simm.s32 @p1 $0x1;
	p0 =	seq.s32 s7, s2  }
0x1e: {  	s7 =	smul.u32 @!p0 $0xF7A, s2;
	p2 =	seq.s32 @!p0 s5, $0x0  }
0x1f: {  	s9 =	smul.u32 $0xF7A, s1;
	s8 =	simm.s32 @!p0 $0x1BF5;
	p2 =	por !p2, p0  }
0x20: {  	[sflag:s8] =	ssyncset.s32 @!p0 $0xFFFFF086;
	s6 =	sadd.s32 @!p0 s3, s7;
	s7 =	simm.s32 @!p0 $0x108  }
0x21: {  	s3 =	sadd.s32 s3, s9;
	s6 =	sadd.s32 @!p0 $0x88, s6;
	s7 =	simm.s32 @p2 $0x1082  }
0x22: {  	[simem:s7], [sflag:s8] =	dma.local @!p0 [hbm:s6], $0xF7A  }
0x23: {  	s9 =	sor.u32 $0xD0000000, s2;
	s6 =	simm.s32 $0x108;
	_ =	swait.ge @!p0 [sflag:s8], $0x0  }
0x24: {  	s3 =	sadd.s32 $0x88, s3;
	s6 =	simm.s32 @!p1 $0x1082;
	[sflag:s4] =	ssyncset.s32 $0xFFFFF086  }
0x25: {  	[simem:s6], [sflag:s4] =	dma.local [hbm:s3], $0xF7A  }
0x26: {  	[smem:$0x3F9B] =	sst s1;
	(tag) =	ssettag s2;
	_ =	strace s9  }
0x27: {  	s1 =	sld [smem:$0x3FAB]  }
0x28: {  	s2 =	sld [smem:$0x3FAC]  }
0x29: {  	s4 =	sld [smem:$0x3FAE]  }
0x2a: {  	p0 =	seq.s32 s5, $0x0;
	s5 =	sld [smem:$0x3FAF]  }
0x2b: {  	s6 =	sld [smem:$0x3FB0]  }
0x2c: {  	s7 =	sld [smem:$0x3FB1]  }
0x2d: {  	s3 =	simm.s32 $0x108;
	s8 =	sld [smem:$0x3FB2]  }
0x2e: {  	s3 =	simm.s32 @!p0 $0x1082;
	s9 =	sld [smem:$0x3FB3]  }
0x2f: {  	lr =	sadd.s32 s0, s3;
	s0 =	sld [smem:$0x3FAA]  }
0x30: {  	s3 =	sld [smem:$0x3FAD]  }
0x31: {  	[smem:$0x3FB6] =	sst s10  }
0x32: {  	s10 =	sld [smem:$0x3FB4];
	_ =	sdelay $0x3  }
0x33: {  	p0 =	seq.s32 s10, $0x1;
	s10 =	sld [smem:$0x3FB6];
	_ =	sdelay $0x3  }
0x34: {  	[smem:$0x3FB6] =	sst s10  }
0x35: {  	s10 =	sld [smem:$0x3FB5];
	_ =	sdelay $0x3  }
0x36: {  	p1 =	seq.s32 s10, $0x1;
	s10 =	sld [smem:$0x3FB6];
	_ =	sdelay $0x3  }
0x37: {  	[smem:$0x3FB6] =	sst s10  }
0x38: {  	s10 =	sld [smem:$0x3FB7]  }
0x39: {  	_ = 	snop;
	(pc) =	sbr.ind lr, $3  }
0x3a: {  	_ = 	snop  }
0x3b: {  	_ = 	snop  }
0x3c: {  	p2 =	seq.s32 s10, $0x1;
	s10 =	sld [smem:$0x3FB6]  }
0x3d: {  	_ =	shalt  }
0x3e: {  	_ =	shalt  }
0x3f: {  	_ =	shalt  }
0x40: {  	_ =	shalt  }
0x41: {  	_ =	shalt  }
0x42: {  	_ =	shalt  }
0x43: {  	_ =	shalt  }
0x44: {  	_ =	shalt  }
0x45: {  	_ =	shalt  }
0x46: {  	_ =	shalt  }
0x47: {  	_ =	shalt  }
0x48: {  	_ =	shalt  }
0x49: {  	_ =	shalt  }
0x4a: {  	_ =	shalt  }
0x4b: {  	_ =	shalt  }
0x4c: {  	_ =	shalt  }
0x4d: {  	_ =	shalt  }
0x4e: {  	_ =	shalt  }
0x4f: {  	_ =	shalt  }
0x50: {  	_ =	shalt  }
0x51: {  	_ =	shalt  }
0x52: {  	_ =	shalt  }
0x53: {  	_ =	shalt  }
0x54: {  	_ =	shalt  }
0x55: {  	_ =	shalt  }
0x56: {  	_ =	shalt  }
0x57: {  	_ =	shalt  }
0x58: {  	_ =	shalt  }
0x59: {  	_ =	shalt  }
0x5a: {  	_ =	shalt  }
0x5b: {  	_ =	shalt  }
0x5c: {  	_ =	shalt  }
0x5d: {  	_ =	shalt  }
0x5e: {  	_ =	shalt  }
0x5f: {  	_ =	shalt  }
0x60: {  	_ =	shalt  }
0x61: {  	_ =	shalt  }
0x62: {  	_ =	shalt  }
0x63: {  	_ =	shalt  }
0x64: {  	_ =	shalt  }
0x65: {  	_ =	shalt  }
0x66: {  	_ =	shalt  }
0x67: {  	_ =	shalt  }
0x68: {  	_ =	shalt  }
0x69: {  	_ =	shalt  }
0x6a: {  	_ =	shalt  }
0x6b: {  	_ =	shalt  }
0x6c: {  	_ =	shalt  }
0x6d: {  	_ =	shalt  }
0x6e: {  	_ =	shalt  }
0x6f: {  	_ =	shalt  }
0x70: {  	_ =	shalt  }
0x71: {  	_ =	shalt  }
0x72: {  	_ =	shalt  }
0x73: {  	_ =	shalt  }
0x74: {  	_ =	shalt  }
0x75: {  	_ =	shalt  }
0x76: {  	_ =	shalt  }
0x77: {  	_ =	shalt  }
0x78: {  	_ =	shalt  }
0x79: {  	_ =	shalt  }
0x7a: {  	_ =	shalt  }
0x7b: {  	_ =	shalt  }
0x7c: {  	_ =	shalt  }
0x7d: {  	_ =	shalt  }
0x7e: {  	_ =	shalt  }
0x7f: {  	_ =	shalt  }
0x80: {  	_ =	shalt  }
0x81: {  	_ =	shalt  }
0x82: {  	_ =	shalt  }
0x83: {  	_ =	shalt  }
0x84: {  	_ =	shalt  }
0x85: {  	_ =	shalt  }
0x86: {  	_ =	shalt  }
0x87: {  	_ =	shalt  }
.Lfunc_end0:
.L_simem_size_0:
called_computation_lowered:
.L_overlay_start_0:
0x88: {  	s2 =	sld [smem:$0x3FD9]  }
0x89: {  	s3 =	sld [smem:$0x3FFE];
	_ =	sdelay $0x1  }
0x8a: {  	s1 =	srdreg.scid  }
0x8b: {  	s0 =	sand.u32 $0x1, s1  }
0x8c: {  	s16 =	sshll.u32 s0, $0xA;
	s2 =	sadd.s32 s3, s2  }
0x8d: {  	s2 =	sadd.s32 s2, s16  }
0x8e: {  	[smem:$0x3FC2] =	sst s2  }
0x8f: {  	_ = 	snop  }
0x90: {  	(tm) =	ssettm $0x1  }
0x91: {  	s17 =	sld [smem:$0x3FFB];
	_ =	sdelay $0x3  }
0x92: {  	_ =	strace s17  }
0x93: {  	s2 =	sld [smem:$0x3FFC];
	_ =	sdelay $0x3  }
0x94: {  	_ =	strace s2  }
0x95: {  	s2 =	sld [smem:$0x3FFD];
	_ =	sdelay $0x3  }
0x96: {  	_ =	strace s2  }
0x97: {  	_ =	strace $0x8FFFFFFF  }
0x98: {  	s18 =	sld [smem:$0x3FDB];
	_ =	sdelay $0x1  }
0x99: {  	s19 =	simm.s32 $_scs_section_size  }
0x9a: {  	s4 =	simm.s32 $_size__tile_overlayer_lowered;
	s5 =	simm.s32 $_tile_overlayer_lowered  }
0x9b: {  	s22 =	simm.s32 $0x1BFF;
	s21 =	sshll.u32 s5, $0x1;
	s2 =	sadd.s32 s19, s18  }
0x9c: {  	s6 =	simm.s32 $0x0;
	s20 =	sshll.u32 s4, $0x1;
	s4 =	sadd.s32 s21, s2  }
0x9d: {  	[timem:s6], [sflag:s22] =	dma.local [hbm:s4], s20  }
0x9e: {  	_ =	swait.ge [sflag:s22], s20  }
0x9f: {  	s3 =	ssub.s32 $0x0, s20;
	[sflag:s22] =	ssyncset.done $0x0  }
0xa0: {  	[sflag:s22] =	ssyncadd.s32 s3;
	_ =	sdelay $0x1  }
0xa1: {  	s23 =	simm.s32 $0x1B8B  }
0xa2: {  	_ =	swait.ge [sflag:s23], $0x1  }
0xa3: {  	[sflag:s23] =	ssyncset.done $0x0  }
0xa4: {  	s25 =	simm.s32 $0x1B8E;
	s24 =	sld [smem:$0x3FFE];
	[sflag:s23] =	ssyncadd.s32 $0xFFFFFFFF  }
0xa5: {  	s26 =	simm.s32 $execute0_lowered;
	[smem:$0x3FD2] =	sst s25  }
0xa6: {  	s4 =	sshll.u32 s26, $0x1;
	_ =	strace $0x80000046;
	[dreg:$0x1] =	wrdreg $0xFFFFFFFF  }
0xa7: {  	s28 =	simm.s32 $_size_execute0_lowered;
	s2 =	sadd.s32 s2, s4;
	[dreg:$0x0] =	wrdreg $0x0  }
0xa8: {  	s4 =	sshll.u32 s28, $0x1;
	[dreg:$0x2] =	wrdreg s2  }
0xa9: {  	[dreg:$0x3] =	wrdreg s4  }
0xaa: {  	[dreg:$0x4] =	wrdreg $0xC0  }
0xab: {  	_ =	task [dreg:s6], $0x5FFFF  }
0xac: {  	[dreg:$0x1] =	wrdreg $0xFFFFFFFF  }
0xad: {  	[dreg:$0x0] =	wrdreg $0x60  }
0xae: {  	[dreg:$0x2] =	wrdreg s24  }
0xaf: {  	[dreg:$0x3] =	wrdreg $0x9  }
0xb0: {  	_ =	task.clear_ibuf [dreg:s6], $0x4FFFF;
	_ =	strace $0x90000046  }
0xb1: {  	s29 =	simm.s32 $0x9;
	_ =	strace $0x80000048  }
0xb2: {  	_ =	swait.ge [sflag:s29], $0x1  }
0xb3: {  	[sflag:s29] =	ssyncadd.s32 $0xFFFFFFFF  }
0xb4: {  	_ =	strace $0x90000048  }
0xb5: {  	_ =	sfence  }
0xb6: {  	s30 =	sld [smem:$0x0];
	_ =	sdelay $0x2  }
0xb7: {  	s31 =	sshll.u32 s1, $0xD;
	s1 =	sshrl.u32 s1, $0x2  }
0xb8: {  	s3 =	sand.u32 $0x4000, s31;
	s1 =	sadd.s32 s1, s30  }
0xb9: {  	s0 =	sor.u32 s3, s0;
	s1 =	sshll.u32 s1, $0x11  }
0xba: {  	s0 =	sor.u32 s1, s0  }
0xbb: {  	s0 =	sadd.s32 $0x8F2B, s0  }
0xbc: {  	[sflag:s0] =	ssyncadd.remote.s32 $0x1  }
0xbd: {  	_ =	sfence.sel $0xFFFF  }
0xbe: {  	[dreg:$0x0] =	wrdreg $0xFFFFFFFF;
	(pc) =	sbr.abs _section_cstart, $3  }
0xbf: {  	[dreg:$0x1] =	wrdreg $0xFFFFFFFF  }
0xc0: {  	_ =	task.clear_ibuf [dreg:s6], $0x2FFFF;
	_ =	strace $0x9FFFFFFF  }
0xc1: {  	(tm) =	ssettm $0x7FFFFFFF  }
tec
execute0_lowered:
.L_overlay_start_1:
0x0: {  	(tag) =	ssettag $0x1  }
0x1: {  	s4 =	rddreg [dreg:$0x0]  }
0x2: {  	s2 =	srdreg.scid;
	s1 =	stileid.u32  }
0x3: {  	s0 =	rddreg [dreg:$0x1];
	s12 =	simm.s32 $0x12400;
	s13 =	simm.s32 $0x1  }
0x4: {  	s14 =	simm.s32 $0x2000;
	s15 =	simm.s32 $0x200000;
	s16 =	simm.s32 $0x10000  }
0x5: {  	s17 =	simm.s32 $0x80;
	s18 =	simm.s32 $0x100;
	s19 =	simm.s32 $0x12500  }
0x6: {  	s20 =	simm.s32 $0x400;
	s3 =	sand.u32 $0x1, s2;
	s5 =	sshll.u32 s1, $0x1  }
0x7: {  	s2 =	simm.s32 $0x0;
	s6 =	sshrl.u32 s1, $0x2;
	s5 =	sor.u32 s3, s5  }
0x8: {  	[smem:$0x7FF] =	sst s2;
	s6 =	smul.u32 $0xA800, s6;
	s30 =	ssub.s32 $0x2, s3  }
0x9: {  	s3 =	sadd.s32 $0x492200, s4;
	s7 =	sshll.u32 s5, $0x7;
	_ =	strace $0x80000047  }
0xa: {  	s8 =	sshll.u32 s5, $0xA;
	s5 =	sshll.u32 s5, $0x8;
	s31 =	sshrl.u32 s30, $0x1  }
0xb: {  	s7 =	sand.u32 $0x380, s7;
	s8 =	sadd.s32 s8, s4;
	s9 =	sadd.s32 s5, s4  }
0xc: {  	s11 =	ssub.s32 s30, s31;
	s6 =	sor.u32 s6, s7;
	s5 =	sadd.s32 $0x482200, s9  }
0xd: {  	s7 =	sadd.s32 $0x202200, s8;
	s9 =	sadd.s32 $0x482210, s9;
	s29 =	sshrl.u32 s6, $0x3  }
0xe: {  	v0 =	vimm.f32 $0.0e+00;
	s11 =	smax.u32 s11, $0x1;
	s10 =	sadd.s32 s29, s4;
	s4 =	sadd.s32 $0x402200, s8  }
0xf: {  	v1 =	vimm.s32 $0x0;
	v2 =	vlaneseq.u32;
	v3 =	vimm.f32 $1.000000000e+00;
	s6 =	sadd.s32 $0x2200, s8;
	s8 =	sadd.s32 $0x442200, s8;
	s10 =	sadd.s32 $0x492400, s10  }
.LBB2_1:
0x10: {  	s21 =	simm.s32 $0x40;
	s22 =	simm.s32 $0x0  }
.LBB2_2:
0x11: {  	p0 =	sne.s32 s21, $0x5240;
	[tilespmem:s22+$0x12500] =	vst v0;
	s22 =	smov.u32 s21;
	s21 =	sadd.s32 $0x40, s21  }
.Ltmp0:
0x12: {  	(pc) =	sbr.rel @p0 .LBB2_2-.Ltmp0, $2  }
0x13: {  	_ =	sdelay $0x2  }
0x14: {  	s22 =	sshra.s32 s22, $0x2  }
0x15: {  	[tilespmem:s22+$0x12500] =	vst v0;
	s21 =	simm.s32 $0x0  }
0x16: {  	[tilespmem:s12], [sflag:$0x1] =	stream.linear.gather [hbm4b:s3+s21], $0x100, $0x38;
	[tilespmem:$0x13A00] =	vst v63  }
0x17: {  	_ =	swait.ge [sflag:s13], $0x100  }
0x18: {  	[sflag:s13] =	ssyncset.done $0x0  }
0x19: {  	[sflag:s13] =	ssyncadd.s32 $0xFFFFFF00  }
0x1a: {  	v4 =	vld [tilespmem:$0x12400];
	[tilespmem:s21], [sflag:$0x1] =	stream.strided.gather [hbm4b:s6+s14], $0x10000, s15, s14, $0x38  }
0x1b: {  	_ =	swait.ge [sflag:s13], $0x10000  }
0x1c: {  	[sflag:s13] =	ssyncset.done $0x0  }
0x1d: {  	[sflag:s13] =	ssyncadd.s32 $0xFFFF0000  }
0x1e: {  	[tilespmem:s16], [sflag:$0x1] =	stream.linear.gather [hbm4b:s4+s21], $0x2000, $0x38;
	[tilespmem:$0x13A00] =	vst v63  }
0x1f: {  	_ =	swait.ge [sflag:s13], $0x2000  }
0x20: {  	[sflag:s13] =	ssyncset.done $0x0  }
0x21: {  	s22 =	simm.s32 $0x12000;
	[sflag:s13] =	ssyncadd.s32 $0xFFFFE000  }
0x22: {  	[tilespmem:s22], [sflag:$0x1] =	stream.strided.gather [hbm4b:s5+s17], $0x400, s18, s17, $0x38;
	[tilespmem:$0x13A00] =	vst v63  }
0x23: {  	_ =	swait.ge [sflag:s13], $0x400  }
0x24: {  	[sflag:s13] =	ssyncset.done $0x0  }
0x25: {  	s23 =	simm.s32 $0x0;
	vm0 =	vlt.f32 v4, $5.000000000e-01;
	[sflag:s13] =	ssyncadd.s32 $0xFFFFFC00  }
.LBB2_4:
0x26: {  	s24 =	sand.u32 $0x70, s23;
	s25 =	sand.u32 $0x1C00, s21  }
0x27: {  	s24 =	sor.u32 s24, s25  }
0x28: {  	v4 =	vld [tilespmem:s24+$0x10000]  }
0x29: {  	v5 =	vld [tilespmem:s24+$0x10080];
	_ =	sdelay $0x1  }
0x2a: {  	v6 =	vld [tilespmem:s24+$0x10100];
	_ =	sdelay $0x1  }
0x2b: {  	v7 =	vld [tilespmem:s24+$0x10180]  }
0x2c: {  	vm1 =	vgt.f32 v5, v4  }
0x2d: {  	v4 =	vsel vm1, v5, v4;
	v5 =	vld [tilespmem:s24+$0x10200]  }
0x2e: {  	vm2 =	vgt.f32 v6, v4  }
0x2f: {  	v4 =	vsel vm2, v6, v4  }
0x30: {  	v59 =	vld [tilespmem:s22+$0x0];
	vm3 =	vgt.f32 v7, v4  }
0x31: {  	v8 =	vsel vm1, $0x1, v1;
	v4 =	vsel vm3, v7, v4  }
0x32: {  	v60 =	vsel vm2, $0x2, v8;
	vm1 =	vgt.f32 v5, v4  }
0x33: {  	v7 =	vsel vm3, $0x3, v60;
	v4 =	vsel vm1, v5, v4  }
0x34: {  	v5 =	vsel vm1, $0x4, v7;
	vm1 =	vgt.f32 v4, $8.000000110e-01  }
0x35: {  	vm2 =	vne.s32 v5, $0x0;
	vm3 =	veq.s32 v5, v59;
	v4 =	vmul.u32 $0x420, v5  }
0x36: {  	vm1 =	vmand vm1, vm2;
	vm2 =	vmor vm0, vm3  }
0x37: {  	vm1 =	vmand vm1, vm2;
	v4 =	vor.u32 v2, v4  }
0x38: {  	v61 =	vld [tilespmem:s24+$0x0];
	v4 =	vsel vm1, v4, v2;
	_ =	sdelay $0x4  }
0x39: {  	[tilespmem:v4+s19+$0x0] =	vst.idx.add.f32.msk $0xffff, v61  }
0x3a: {  	v5 =	vor.u32 $0x10, v4;
	v62 =	vld [tilespmem:s24+$0x80];
	_ =	sdelay $0x4  }
0x3b: {  	[tilespmem:v5+s19+$0x0] =	vst.idx.add.f32.msk $0xffff, v62  }
0x3c: {  	v5 =	vadd.s32 $0x20, v4;
	v9 =	vld [tilespmem:s24+$0x100];
	_ =	sdelay $0x4  }
0x3d: {  	[tilespmem:v5+s19+$0x0] =	vst.idx.add.f32.msk $0xffff, v9  }
0x3e: {  	v5 =	vadd.s32 $0x30, v4;
	v11 =	vld [tilespmem:s24+$0x180];
	_ =	sdelay $0x4  }
0x3f: {  	[tilespmem:v5+s19+$0x0] =	vst.idx.add.f32.msk $0xffff, v11  }
0x40: {  	v5 =	vadd.s32 $0x40, v4;
	v63 =	vld [tilespmem:s24+$0x200];
	_ =	sdelay $0x4  }
0x41: {  	[tilespmem:v5+s19+$0x0] =	vst.idx.add.f32.msk $0xffff, v63  }
0x42: {  	v5 =	vadd.s32 $0x50, v4;
	v10 =	vld [tilespmem:s24+$0x280];
	_ =	sdelay $0x4  }
0x43: {  	[tilespmem:v5+s19+$0x0] =	vst.idx.add.f32.msk $0xffff, v10  }
0x44: {  	v5 =	vadd.s32 $0x60, v4;
	v12 =	vld [tilespmem:s24+$0x300];
	_ =	sdelay $0x3  }
0x45: {  	s31 =	sor.u32 s21, s23  }
0x46: {  	s25 =	sor.u32 $0x380, s31;
	[tilespmem:v5+s19+$0x0] =	vst.idx.add.f32.msk $0xffff, v12  }
0x47: {  	v5 =	vadd.s32 $0x70, v4;
	v13 =	vld [tilespmem:s25+$0x0];
	_ =	sdelay $0x4  }
0x48: {  	[tilespmem:v5+s19+$0x0] =	vst.idx.add.f32.msk $0xffff, v13;
	v5 =	vand.u32 $0x7FFFFFEF, v4  }
0x49: {  	v26 =	vld [tilespmem:s24+$0x2000];
	v14 =	vadd.s32 $0x80, v5;
	_ =	sdelay $0x4  }
0x4a: {  	[tilespmem:v14+s19+$0x0] =	vst.idx.add.f32.msk $0xffff, v26  }
0x4b: {  	v37 =	vadd.s32 $0x90, v4;
	v27 =	vld [tilespmem:s24+$0x2080];
	_ =	sdelay $0x4  }
0x4c: {  	[tilespmem:v37+s19+$0x0] =	vst.idx.add.f32.msk $0xffff, v27  }
0x4d: {  	v15 =	vadd.s32 $0xA0, v4;
	v14 =	vld [tilespmem:s24+$0x2100];
	_ =	sdelay $0x4  }
0x4e: {  	[tilespmem:v15+s19+$0x0] =	vst.idx.add.f32.msk $0xffff, v14  }
0x4f: {  	v38 =	vadd.s32 $0xB0, v4;
	v28 =	vld [tilespmem:s24+$0x2180];
	_ =	sdelay $0x4  }
0x50: {  	[tilespmem:v38+s19+$0x0] =	vst.idx.add.f32.msk $0xffff, v28  }
0x51: {  	v39 =	vadd.s32 $0xC0, v4;
	v29 =	vld [tilespmem:s24+$0x2200];
	_ =	sdelay $0x4  }
0x52: {  	[tilespmem:v39+s19+$0x0] =	vst.idx.add.f32.msk $0xffff, v29  }
0x53: {  	v16 =	vadd.s32 $0xD0, v4;
	v15 =	vld [tilespmem:s24+$0x2280];
	_ =	sdelay $0x4  }
0x54: {  	[tilespmem:v16+s19+$0x0] =	vst.idx.add.f32.msk $0xffff, v15  }
0x55: {  	v40 =	vadd.s32 $0xE0, v4;
	v30 =	vld [tilespmem:s24+$0x2300];
	_ =	sdelay $0x4  }
0x56: {  	[tilespmem:v40+s19+$0x0] =	vst.idx.add.f32.msk $0xffff, v30  }
0x57: {  	v41 =	vadd.s32 $0xF0, v4;
	v31 =	vld [tilespmem:s24+$0x2380];
	_ =	sdelay $0x4  }
0x58: {  	[tilespmem:v41+s19+$0x0] =	vst.idx.add.f32.msk $0xffff, v31  }
0x59: {  	v17 =	vadd.s32 $0x100, v5;
	v16 =	vld [tilespmem:s24+$0x4000];
	_ =	sdelay $0x4  }
0x5a: {  	[tilespmem:v17+s19+$0x0] =	vst.idx.add.f32.msk $0xffff, v16  }
0x5b: {  	v42 =	vadd.s32 $0x110, v4;
	v32 =	vld [tilespmem:s24+$0x4080];
	_ =	sdelay $0x4  }
0x5c: {  	[tilespmem:v42+s19+$0x0] =	vst.idx.add.f32.msk $0xffff, v32  }
0x5d: {  	v43 =	vadd.s32 $0x120, v4;
	v33 =	vld [tilespmem:s24+$0x4100];
	_ =	sdelay $0x4  }
0x5e: {  	[tilespmem:v43+s19+$0x0] =	vst.idx.add.f32.msk $0xffff, v33  }
0x5f: {  	v18 =	vadd.s32 $0x130, v4;
	v17 =	vld [tilespmem:s24+$0x4180];
	_ =	sdelay $0x4  }
0x60: {  	[tilespmem:v18+s19+$0x0] =	vst.idx.add.f32.msk $0xffff, v17  }
0x61: {  	v44 =	vadd.s32 $0x140, v4;
	v34 =	vld [tilespmem:s24+$0x4200];
	_ =	sdelay $0x4  }
0x62: {  	[tilespmem:v44+s19+$0x0] =	vst.idx.add.f32.msk $0xffff, v34  }
0x63: {  	v45 =	vadd.s32 $0x150, v4;
	v35 =	vld [tilespmem:s24+$0x4280];
	_ =	sdelay $0x4  }
0x64: {  	[tilespmem:v45+s19+$0x0] =	vst.idx.add.f32.msk $0xffff, v35  }
0x65: {  	v19 =	vadd.s32 $0x160, v4;
	v18 =	vld [tilespmem:s24+$0x4300];
	_ =	sdelay $0x4  }
0x66: {  	[tilespmem:v19+s19+$0x0] =	vst.idx.add.f32.msk $0xffff, v18  }
0x67: {  	v46 =	vadd.s32 $0x170, v4;
	v36 =	vld [tilespmem:s24+$0x4380];
	_ =	sdelay $0x4  }
0x68: {  	[tilespmem:v46+s19+$0x0] =	vst.idx.add.f32.msk $0xffff, v36  }
0x69: {  	v47 =	vadd.s32 $0x180, v5;
	v37 =	vld [tilespmem:s24+$0x6000];
	_ =	sdelay $0x4  }
0x6a: {  	[tilespmem:v47+s19+$0x0] =	vst.idx.add.f32.msk $0xffff, v37  }
0x6b: {  	v20 =	vadd.s32 $0x190, v4;
	v19 =	vld [tilespmem:s24+$0x6080];
	_ =	sdelay $0x4  }
0x6c: {  	[tilespmem:v20+s19+$0x0] =	vst.idx.add.f32.msk $0xffff, v19  }
0x6d: {  	v48 =	vadd.s32 $0x1A0, v4;
	v38 =	vld [tilespmem:s24+$0x6100];
	_ =	sdelay $0x4  }
0x6e: {  	[tilespmem:v48+s19+$0x0] =	vst.idx.add.f32.msk $0xffff, v38  }
0x6f: {  	v49 =	vadd.s32 $0x1B0, v4;
	v39 =	vld [tilespmem:s24+$0x6180];
	_ =	sdelay $0x4  }
0x70: {  	[tilespmem:v49+s19+$0x0] =	vst.idx.add.f32.msk $0xffff, v39  }
0x71: {  	v21 =	vadd.s32 $0x1C0, v4;
	v20 =	vld [tilespmem:s24+$0x6200];
	_ =	sdelay $0x4  }
0x72: {  	[tilespmem:v21+s19+$0x0] =	vst.idx.add.f32.msk $0xffff, v20  }
0x73: {  	v50 =	vadd.s32 $0x1D0, v4;
	v40 =	vld [tilespmem:s24+$0x6280];
	_ =	sdelay $0x4  }
0x74: {  	[tilespmem:v50+s19+$0x0] =	vst.idx.add.f32.msk $0xffff, v40  }
0x75: {  	v51 =	vadd.s32 $0x1E0, v4;
	v41 =	vld [tilespmem:s24+$0x6300];
	_ =	sdelay $0x4  }
0x76: {  	[tilespmem:v51+s19+$0x0] =	vst.idx.add.f32.msk $0xffff, v41  }
0x77: {  	v22 =	vadd.s32 $0x1F0, v4;
	v21 =	vld [tilespmem:s24+$0x6380];
	_ =	sdelay $0x4  }
0x78: {  	[tilespmem:v22+s19+$0x0] =	vst.idx.add.f32.msk $0xffff, v21  }
0x79: {  	v52 =	vadd.s32 $0x200, v5;
	v42 =	vld [tilespmem:s24+$0x8000];
	_ =	sdelay $0x4  }
0x7a: {  	[tilespmem:v52+s19+$0x0] =	vst.idx.add.f32.msk $0xffff, v42  }
0x7b: {  	v53 =	vadd.s32 $0x210, v4;
	v43 =	vld [tilespmem:s24+$0x8080];
	_ =	sdelay $0x4  }
0x7c: {  	[tilespmem:v53+s19+$0x0] =	vst.idx.add.f32.msk $0xffff, v43  }
0x7d: {  	v23 =	vadd.s32 $0x220, v4;
	v22 =	vld [tilespmem:s24+$0x8100];
	_ =	sdelay $0x4  }
0x7e: {  	[tilespmem:v23+s19+$0x0] =	vst.idx.add.f32.msk $0xffff, v22  }
0x7f: {  	v54 =	vadd.s32 $0x230, v4;
	v44 =	vld [tilespmem:s24+$0x8180];
	_ =	sdelay $0x4  }
0x80: {  	[tilespmem:v54+s19+$0x0] =	vst.idx.add.f32.msk $0xffff, v44  }
0x81: {  	v55 =	vadd.s32 $0x240, v4;
	v45 =	vld [tilespmem:s24+$0x8200];
	_ =	sdelay $0x4  }
0x82: {  	[tilespmem:v55+s19+$0x0] =	vst.idx.add.f32.msk $0xffff, v45  }
0x83: {  	v24 =	vadd.s32 $0x250, v4;
	v23 =	vld [tilespmem:s24+$0x8280];
	_ =	sdelay $0x4  }
0x84: {  	[tilespmem:v24+s19+$0x0] =	vst.idx.add.f32.msk $0xffff, v23  }
0x85: {  	v56 =	vadd.s32 $0x260, v4;
	v46 =	vld [tilespmem:s24+$0x8300];
	_ =	sdelay $0x4  }
0x86: {  	[tilespmem:v56+s19+$0x0] =	vst.idx.add.f32.msk $0xffff, v46  }
0x87: {  	v57 =	vadd.s32 $0x270, v4;
	v47 =	vld [tilespmem:s24+$0x8380];
	_ =	sdelay $0x4  }
0x88: {  	[tilespmem:v57+s19+$0x0] =	vst.idx.add.f32.msk $0xffff, v47  }
0x89: {  	v25 =	vadd.s32 $0x280, v5;
	v24 =	vld [tilespmem:s24+$0xA000];
	_ =	sdelay $0x4  }
0x8a: {  	[tilespmem:v25+s19+$0x0] =	vst.idx.add.f32.msk $0xffff, v24  }
0x8b: {  	v58 =	vadd.s32 $0x290, v4;
	v48 =	vld [tilespmem:s24+$0xA080];
	_ =	sdelay $0x4  }
0x8c: {  	[tilespmem:v58+s19+$0x0] =	vst.idx.add.f32.msk $0xffff, v48  }
0x8d: {  	v59 =	vadd.s32 $0x2A0, v4;
	v49 =	vld [tilespmem:s24+$0xA100];
	_ =	sdelay $0x4  }
0x8e: {  	[tilespmem:v59+s19+$0x0] =	vst.idx.add.f32.msk $0xffff, v49  }
0x8f: {  	v50 =	vadd.s32 $0x2B0, v4;
	v25 =	vld [tilespmem:s24+$0xA180]  }
0x90: {  	v6 =	vmul.f32 v61, v61;
	v7 =	vmul.f32 v62, v62;
	_ =	sdelay $0x1  }
0x91: {  	v6 =	vadd.f32 v7, v6;
	v60 =	vmul.f32 v9, v9;
	_ =	sdelay $0x1  }
0x92: {  	v6 =	vadd.f32 v60, v6;
	v61 =	vmul.f32 v11, v11;
	[tilespmem:v50+s19+$0x0] =	vst.idx.add.f32.msk $0xffff, v25  }
0x93: {  	v62 =	vadd.s32 $0x2C0, v4;
	v9 =	vld [tilespmem:s24+$0xA200]  }
0x94: {  	v6 =	vadd.f32 v61, v6;
	v63 =	vmul.f32 v63, v63;
	_ =	sdelay $0x1  }
0x95: {  	v6 =	vadd.f32 v63, v6;
	v10 =	vmul.f32 v10, v10;
	_ =	sdelay $0x1  }
0x96: {  	v6 =	vadd.f32 v10, v6;
	v50 =	vmul.f32 v12, v12;
	[tilespmem:v62+s19+$0x0] =	vst.idx.add.f32.msk $0xffff, v9  }
0x97: {  	v51 =	vadd.s32 $0x2D0, v4;
	v8 =	vld [tilespmem:s24+$0xA280]  }
0x98: {  	v52 =	vmul.f32 v13, v13;
	v6 =	vadd.f32 v50, v6;
	_ =	sdelay $0x1  }
0x99: {  	v53 =	vmul.f32 v26, v26;
	v6 =	vadd.f32 v52, v6;
	_ =	sdelay $0x1  }
0x9a: {  	v54 =	vmul.f32 v27, v27;
	v6 =	vadd.f32 v53, v6;
	[tilespmem:v51+s19+$0x0] =	vst.idx.add.f32.msk $0xffff, v8  }
0x9b: {  	v55 =	vadd.s32 $0x2E0, v4;
	v10 =	vld [tilespmem:s24+$0xA300]  }
0x9c: {  	v56 =	vmul.f32 v14, v14;
	v6 =	vadd.f32 v54, v6;
	_ =	sdelay $0x1  }
0x9d: {  	v57 =	vmul.f32 v28, v28;
	v6 =	vadd.f32 v56, v6;
	_ =	sdelay $0x1  }
0x9e: {  	v58 =	vmul.f32 v29, v29;
	v6 =	vadd.f32 v57, v6;
	[tilespmem:v55+s19+$0x0] =	vst.idx.add.f32.msk $0xffff, v10  }
0x9f: {  	v59 =	vadd.s32 $0x2F0, v4;
	v11 =	vld [tilespmem:s24+$0xA380]  }
0xa0: {  	v60 =	vmul.f32 v15, v15;
	v6 =	vadd.f32 v58, v6;
	_ =	sdelay $0x1  }
0xa1: {  	v61 =	vmul.f32 v30, v30;
	v6 =	vadd.f32 v60, v6;
	_ =	sdelay $0x1  }
0xa2: {  	v62 =	vmul.f32 v31, v31;
	v6 =	vadd.f32 v61, v6;
	[tilespmem:v59+s19+$0x0] =	vst.idx.add.f32.msk $0xffff, v11  }
0xa3: {  	v63 =	vadd.s32 $0x300, v5;
	v12 =	vld [tilespmem:s24+$0xC000]  }
0xa4: {  	v16 =	vmul.f32 v16, v16;
	v6 =	vadd.f32 v62, v6;
	_ =	sdelay $0x1  }
0xa5: {  	v26 =	vmul.f32 v32, v32;
	v6 =	vadd.f32 v16, v6;
	_ =	sdelay $0x1  }
0xa6: {  	v27 =	vmul.f32 v33, v33;
	v6 =	vadd.f32 v26, v6;
	[tilespmem:v63+s19+$0x0] =	vst.idx.add.f32.msk $0xffff, v12  }
0xa7: {  	v28 =	vadd.s32 $0x310, v4;
	v13 =	vld [tilespmem:s24+$0xC080]  }
0xa8: {  	v29 =	vmul.f32 v17, v17;
	v6 =	vadd.f32 v27, v6;
	_ =	sdelay $0x1  }
0xa9: {  	v30 =	vmul.f32 v34, v34;
	v6 =	vadd.f32 v29, v6;
	_ =	sdelay $0x1  }
0xaa: {  	v31 =	vmul.f32 v35, v35;
	v6 =	vadd.f32 v30, v6;
	[tilespmem:v28+s19+$0x0] =	vst.idx.add.f32.msk $0xffff, v13  }
0xab: {  	v32 =	vadd.s32 $0x320, v4;
	v14 =	vld [tilespmem:s24+$0xC100]  }
0xac: {  	v33 =	vmul.f32 v18, v18;
	v6 =	vadd.f32 v31, v6;
	_ =	sdelay $0x1  }
0xad: {  	v34 =	vmul.f32 v36, v36;
	v6 =	vadd.f32 v33, v6;
	_ =	sdelay $0x1  }
0xae: {  	v35 =	vmul.f32 v37, v37;
	v6 =	vadd.f32 v34, v6;
	[tilespmem:v32+s19+$0x0] =	vst.idx.add.f32.msk $0xffff, v14  }
0xaf: {  	v36 =	vadd.s32 $0x330, v4;
	v15 =	vld [tilespmem:s24+$0xC180]  }
0xb0: {  	v37 =	vmul.f32 v19, v19;
	v6 =	vadd.f32 v35, v6;
	_ =	sdelay $0x1  }
0xb1: {  	v50 =	vmul.f32 v38, v38;
	v6 =	vadd.f32 v37, v6;
	_ =	sdelay $0x1  }
0xb2: {  	v51 =	vmul.f32 v39, v39;
	v6 =	vadd.f32 v50, v6;
	[tilespmem:v36+s19+$0x0] =	vst.idx.add.f32.msk $0xffff, v15  }
0xb3: {  	v52 =	vadd.s32 $0x340, v4;
	v16 =	vld [tilespmem:s24+$0xC200]  }
0xb4: {  	v53 =	vmul.f32 v20, v20;
	v6 =	vadd.f32 v51, v6;
	_ =	sdelay $0x1  }
0xb5: {  	v54 =	vmul.f32 v40, v40;
	v6 =	vadd.f32 v53, v6;
	_ =	sdelay $0x1  }
0xb6: {  	v55 =	vmul.f32 v41, v41;
	v6 =	vadd.f32 v54, v6;
	[tilespmem:v52+s19+$0x0] =	vst.idx.add.f32.msk $0xffff, v16  }
0xb7: {  	v56 =	vadd.s32 $0x350, v4;
	v17 =	vld [tilespmem:s24+$0xC280]  }
0xb8: {  	v57 =	vmul.f32 v21, v21;
	v6 =	vadd.f32 v55, v6;
	_ =	sdelay $0x1  }
0xb9: {  	v58 =	vmul.f32 v42, v42;
	v6 =	vadd.f32 v57, v6;
	_ =	sdelay $0x1  }
0xba: {  	v59 =	vmul.f32 v43, v43;
	v6 =	vadd.f32 v58, v6;
	[tilespmem:v56+s19+$0x0] =	vst.idx.add.f32.msk $0xffff, v17  }
0xbb: {  	v60 =	vadd.s32 $0x360, v4;
	v18 =	vld [tilespmem:s24+$0xC300]  }
0xbc: {  	v61 =	vmul.f32 v22, v22;
	v6 =	vadd.f32 v59, v6;
	_ =	sdelay $0x1  }
0xbd: {  	v62 =	vmul.f32 v44, v44;
	v6 =	vadd.f32 v61, v6;
	_ =	sdelay $0x1  }
0xbe: {  	v63 =	vmul.f32 v45, v45;
	v6 =	vadd.f32 v62, v6;
	[tilespmem:v60+s19+$0x0] =	vst.idx.add.f32.msk $0xffff, v18  }
0xbf: {  	v26 =	vadd.s32 $0x370, v4;
	v19 =	vld [tilespmem:s24+$0xC380]  }
0xc0: {  	v27 =	vmul.f32 v23, v23;
	v6 =	vadd.f32 v63, v6;
	_ =	sdelay $0x1  }
0xc1: {  	v28 =	vmul.f32 v46, v46;
	v6 =	vadd.f32 v27, v6;
	_ =	sdelay $0x1  }
0xc2: {  	v29 =	vmul.f32 v47, v47;
	v6 =	vadd.f32 v28, v6;
	[tilespmem:v26+s19+$0x0] =	vst.idx.add.f32.msk $0xffff, v19  }
0xc3: {  	v30 =	vadd.s32 $0x380, v5;
	v20 =	vld [tilespmem:s24+$0xE000]  }
0xc4: {  	v31 =	vmul.f32 v24, v24;
	v6 =	vadd.f32 v29, v6;
	_ =	sdelay $0x1  }
0xc5: {  	v32 =	vmul.f32 v48, v48;
	v6 =	vadd.f32 v31, v6;
	_ =	sdelay $0x1  }
0xc6: {  	v33 =	vmul.f32 v49, v49;
	v6 =	vadd.f32 v32, v6;
	[tilespmem:v30+s19+$0x0] =	vst.idx.add.f32.msk $0xffff, v20  }
0xc7: {  	v34 =	vadd.s32 $0x390, v4;
	v21 =	vld [tilespmem:s24+$0xE080]  }
0xc8: {  	v35 =	vmul.f32 v25, v25;
	v6 =	vadd.f32 v33, v6;
	_ =	sdelay $0x1  }
0xc9: {  	v36 =	vmul.f32 v9, v9;
	v6 =	vadd.f32 v35, v6;
	_ =	sdelay $0x1  }
0xca: {  	v37 =	vmul.f32 v8, v8;
	v6 =	vadd.f32 v36, v6;
	[tilespmem:v34+s19+$0x0] =	vst.idx.add.f32.msk $0xffff, v21  }
0xcb: {  	v39 =	vadd.s32 $0x3A0, v4;
	v38 =	vld [tilespmem:s24+$0xE100]  }
0xcc: {  	v40 =	vmul.f32 v10, v10;
	v6 =	vadd.f32 v37, v6;
	_ =	sdelay $0x1  }
0xcd: {  	v41 =	vmul.f32 v11, v11;
	v6 =	vadd.f32 v40, v6;
	_ =	sdelay $0x1  }
0xce: {  	v42 =	vmul.f32 v12, v12;
	v6 =	vadd.f32 v41, v6;
	[tilespmem:v39+s19+$0x0] =	vst.idx.add.f32.msk $0xffff, v38  }
0xcf: {  	v43 =	vadd.s32 $0x3B0, v4;
	v9 =	vld [tilespmem:s24+$0xE180]  }
0xd0: {  	v44 =	vmul.f32 v13, v13;
	v6 =	vadd.f32 v42, v6;
	_ =	sdelay $0x1  }
0xd1: {  	v45 =	vmul.f32 v14, v14;
	v6 =	vadd.f32 v44, v6;
	_ =	sdelay $0x1  }
0xd2: {  	v46 =	vmul.f32 v15, v15;
	v6 =	vadd.f32 v45, v6;
	[tilespmem:v43+s19+$0x0] =	vst.idx.add.f32.msk $0xffff, v9  }
0xd3: {  	v47 =	vadd.s32 $0x3C0, v4;
	v10 =	vld [tilespmem:s24+$0xE200]  }
0xd4: {  	v48 =	vmul.f32 v16, v16;
	v6 =	vadd.f32 v46, v6;
	_ =	sdelay $0x1  }
0xd5: {  	v49 =	vmul.f32 v17, v17;
	v6 =	vadd.f32 v48, v6;
	_ =	sdelay $0x1  }
0xd6: {  	v50 =	vmul.f32 v18, v18;
	v6 =	vadd.f32 v49, v6;
	[tilespmem:v47+s19+$0x0] =	vst.idx.add.f32.msk $0xffff, v10  }
0xd7: {  	v51 =	vadd.s32 $0x3D0, v4;
	v11 =	vld [tilespmem:s24+$0xE280]  }
0xd8: {  	v52 =	vmul.f32 v19, v19;
	v6 =	vadd.f32 v50, v6;
	_ =	sdelay $0x1  }
0xd9: {  	v53 =	vmul.f32 v20, v20;
	v6 =	vadd.f32 v52, v6;
	_ =	sdelay $0x1  }
0xda: {  	v54 =	vmul.f32 v21, v21;
	v6 =	vadd.f32 v53, v6;
	[tilespmem:v51+s19+$0x0] =	vst.idx.add.f32.msk $0xffff, v11  }
0xdb: {  	v55 =	vadd.s32 $0x3E0, v4;
	v12 =	vld [tilespmem:s24+$0xE300]  }
0xdc: {  	v56 =	vmul.f32 v38, v38;
	v6 =	vadd.f32 v54, v6;
	_ =	sdelay $0x1  }
0xdd: {  	v57 =	vmul.f32 v9, v9;
	v6 =	vadd.f32 v56, v6;
	_ =	sdelay $0x1  }
0xde: {  	v58 =	vmul.f32 v10, v10;
	v6 =	vadd.f32 v57, v6;
	[tilespmem:v55+s19+$0x0] =	vst.idx.add.f32.msk $0xffff, v12  }
0xdf: {  	v59 =	vld [tilespmem:s24+$0xE380]  }
0xe0: {  	v60 =	vmul.f32 v11, v11;
	v6 =	vadd.f32 v58, v6  }
0xe1: {  	v61 =	vadd.s32 $0x3F0, v4  }
0xe2: {  	v5 =	vadd.s32 $0x400, v5;
	v6 =	vadd.f32 v60, v6;
	v62 =	vmul.f32 v12, v12  }
0xe3: {  	p0 =	sne.s32 s23, $0x3F0;
	v4 =	vadd.s32 $0x410, v4  }
.Ltmp1:
0xe4: {  	v6 =	vadd.f32 v62, v6;
	v63 =	vmul.f32 v59, v59;
	(pc) =	sbr.rel @p0 .LBB2_4-.Ltmp1, $4  }
0xe5: {  	_ = 	snop  }
0xe6: {  	[tilespmem:v61+s19+$0x0] =	vst.idx.add.f32.msk $0xffff, v59;
	v6 =	vadd.f32 v63, v6  }
0xe7: {  	[tilespmem:v5+s19+$0x0] =	vst.idx.add.f32.msk $0xffff, v3  }
0xe8: {  	s21 =	sadd.s32 $0x80, s21;
	s22 =	sadd.s32 $0x10, s22;
	s23 =	sadd.s32 $0x10, s23;
	[tilespmem:v4+s19+$0x0] =	vst.idx.add.f32.msk $0xffff, v6  }
0xe9: {  	s21 =	simm.s32 $0x0  }
0xea: {  	v4 =	vld [tilespmem:$0x12480];
	[tilespmem:s21], [sflag:$0x1] =	stream.strided.gather [hbm4b:s7+s14], $0x10000, s15, s14, $0x38  }
0xeb: {  	_ =	swait.ge [sflag:s13], $0x10000  }
0xec: {  	[sflag:s13] =	ssyncset.done $0x0  }
0xed: {  	[sflag:s13] =	ssyncadd.s32 $0xFFFF0000  }
0xee: {  	[tilespmem:s16], [sflag:$0x1] =	stream.linear.gather [hbm4b:s8+s21], $0x2000, $0x38;
	[tilespmem:$0x13A00] =	vst v63  }
0xef: {  	_ =	swait.ge [sflag:s13], $0x2000  }
0xf0: {  	[sflag:s13] =	ssyncset.done $0x0  }
0xf1: {  	s22 =	simm.s32 $0x12000;
	[sflag:s13] =	ssyncadd.s32 $0xFFFFE000  }
0xf2: {  	[tilespmem:s22], [sflag:$0x1] =	stream.strided.gather [hbm4b:s9+s17], $0x400, s18, s17, $0x38;
	[tilespmem:$0x13A00] =	vst v63  }
0xf3: {  	_ =	swait.ge [sflag:s13], $0x400  }
0xf4: {  	[sflag:s13] =	ssyncset.done $0x0  }
0xf5: {  	s23 =	simm.s32 $0x0;
	vm0 =	vlt.f32 v4, $5.000000000e-01;
	[sflag:s13] =	ssyncadd.s32 $0xFFFFFC00  }
.LBB2_6:
0xf6: {  	s24 =	sand.u32 $0x70, s23;
	s25 =	sand.u32 $0x1C00, s21  }
0xf7: {  	s24 =	sor.u32 s24, s25  }
0xf8: {  	v4 =	vld [tilespmem:s24+$0x10000]  }
0xf9: {  	v5 =	vld [tilespmem:s24+$0x10080];
	_ =	sdelay $0x1  }
0xfa: {  	v6 =	vld [tilespmem:s24+$0x10100];
	_ =	sdelay $0x1  }
0xfb: {  	v7 =	vld [tilespmem:s24+$0x10180]  }
0xfc: {  	vm1 =	vgt.f32 v5, v4  }
0xfd: {  	v4 =	vsel vm1, v5, v4;
	v5 =	vld [tilespmem:s24+$0x10200]  }
0xfe: {  	vm2 =	vgt.f32 v6, v4  }
0xff: {  	v4 =	vsel vm2, v6, v4  }
0x100: {  	v59 =	vld [tilespmem:s22+$0x0];
	vm3 =	vgt.f32 v7, v4  }
0x101: {  	v8 =	vsel vm1, $0x1, v1;
	v4 =	vsel vm3, v7, v4  }
0x102: {  	v60 =	vsel vm2, $0x2, v8;
	vm1 =	vgt.f32 v5, v4  }
0x103: {  	v7 =	vsel vm3, $0x3, v60;
	v4 =	vsel vm1, v5, v4  }
0x104: {  	v5 =	vsel vm1, $0x4, v7;
	vm1 =	vgt.f32 v4, $8.000000110e-01  }
0x105: {  	vm2 =	vne.s32 v5, $0x0;
	vm3 =	veq.s32 v5, v59;
	v4 =	vmul.u32 $0x420, v5  }
0x106: {  	vm1 =	vmand vm1, vm2;
	vm2 =	vmor vm0, vm3  }
0x107: {  	vm1 =	vmand vm1, vm2;
	v4 =	vor.u32 v2, v4  }
0x108: {  	v61 =	vld [tilespmem:s24+$0x0];
	v4 =	vsel vm1, v4, v2;
	_ =	sdelay $0x4  }
0x109: {  	[tilespmem:v4+s19+$0x0] =	vst.idx.add.f32.msk $0xffff, v61  }
0x10a: {  	v5 =	vor.u32 $0x10, v4;
	v62 =	vld [tilespmem:s24+$0x80];
	_ =	sdelay $0x4  }
0x10b: {  	[tilespmem:v5+s19+$0x0] =	vst.idx.add.f32.msk $0xffff, v62  }
0x10c: {  	v5 =	vadd.s32 $0x20, v4;
	v9 =	vld [tilespmem:s24+$0x100];
	_ =	sdelay $0x4  }
0x10d: {  	[tilespmem:v5+s19+$0x0] =	vst.idx.add.f32.msk $0xffff, v9  }
0x10e: {  	v5 =	vadd.s32 $0x30, v4;
	v11 =	vld [tilespmem:s24+$0x180];
	_ =	sdelay $0x4  }
0x10f: {  	[tilespmem:v5+s19+$0x0] =	vst.idx.add.f32.msk $0xffff, v11  }
0x110: {  	v5 =	vadd.s32 $0x40, v4;
	v63 =	vld [tilespmem:s24+$0x200];
	_ =	sdelay $0x4  }
0x111: {  	[tilespmem:v5+s19+$0x0] =	vst.idx.add.f32.msk $0xffff, v63  }
0x112: {  	v5 =	vadd.s32 $0x50, v4;
	v10 =	vld [tilespmem:s24+$0x280];
	_ =	sdelay $0x4  }
0x113: {  	[tilespmem:v5+s19+$0x0] =	vst.idx.add.f32.msk $0xffff, v10  }
0x114: {  	v5 =	vadd.s32 $0x60, v4;
	v12 =	vld [tilespmem:s24+$0x300];
	_ =	sdelay $0x3  }
0x115: {  	s31 =	sor.u32 s21, s23  }
0x116: {  	s25 =	sor.u32 $0x380, s31;
	[tilespmem:v5+s19+$0x0] =	vst.idx.add.f32.msk $0xffff, v12  }
0x117: {  	v5 =	vadd.s32 $0x70, v4;
	v13 =	vld [tilespmem:s25+$0x0];
	_ =	sdelay $0x4  }
0x118: {  	[tilespmem:v5+s19+$0x0] =	vst.idx.add.f32.msk $0xffff, v13;
	v5 =	vand.u32 $0x7FFFFFEF, v4  }
0x119: {  	v26 =	vld [tilespmem:s24+$0x2000];
	v14 =	vadd.s32 $0x80, v5;
	_ =	sdelay $0x4  }
0x11a: {  	[tilespmem:v14+s19+$0x0] =	vst.idx.add.f32.msk $0xffff, v26  }
0x11b: {  	v37 =	vadd.s32 $0x90, v4;
	v27 =	vld [tilespmem:s24+$0x2080];
	_ =	sdelay $0x4  }
0x11c: {  	[tilespmem:v37+s19+$0x0] =	vst.idx.add.f32.msk $0xffff, v27  }
0x11d: {  	v15 =	vadd.s32 $0xA0, v4;
	v14 =	vld [tilespmem:s24+$0x2100];
	_ =	sdelay $0x4  }
0x11e: {  	[tilespmem:v15+s19+$0x0] =	vst.idx.add.f32.msk $0xffff, v14  }
0x11f: {  	v38 =	vadd.s32 $0xB0, v4;
	v28 =	vld [tilespmem:s24+$0x2180];
	_ =	sdelay $0x4  }
0x120: {  	[tilespmem:v38+s19+$0x0] =	vst.idx.add.f32.msk $0xffff, v28  }
0x121: {  	v39 =	vadd.s32 $0xC0, v4;
	v29 =	vld [tilespmem:s24+$0x2200];
	_ =	sdelay $0x4  }
0x122: {  	[tilespmem:v39+s19+$0x0] =	vst.idx.add.f32.msk $0xffff, v29  }
0x123: {  	v16 =	vadd.s32 $0xD0, v4;
	v15 =	vld [tilespmem:s24+$0x2280];
	_ =	sdelay $0x4  }
0x124: {  	[tilespmem:v16+s19+$0x0] =	vst.idx.add.f32.msk $0xffff, v15  }
0x125: {  	v40 =	vadd.s32 $0xE0, v4;
	v30 =	vld [tilespmem:s24+$0x2300];
	_ =	sdelay $0x4  }
0x126: {  	[tilespmem:v40+s19+$0x0] =	vst.idx.add.f32.msk $0xffff, v30  }
0x127: {  	v41 =	vadd.s32 $0xF0, v4;
	v31 =	vld [tilespmem:s24+$0x2380];
	_ =	sdelay $0x4  }
0x128: {  	[tilespmem:v41+s19+$0x0] =	vst.idx.add.f32.msk $0xffff, v31  }
0x129: {  	v17 =	vadd.s32 $0x100, v5;
	v16 =	vld [tilespmem:s24+$0x4000];
	_ =	sdelay $0x4  }
0x12a: {  	[tilespmem:v17+s19+$0x0] =	vst.idx.add.f32.msk $0xffff, v16  }
0x12b: {  	v42 =	vadd.s32 $0x110, v4;
	v32 =	vld [tilespmem:s24+$0x4080];
	_ =	sdelay $0x4  }
0x12c: {  	[tilespmem:v42+s19+$0x0] =	vst.idx.add.f32.msk $0xffff, v32  }
0x12d: {  	v43 =	vadd.s32 $0x120, v4;
	v33 =	vld [tilespmem:s24+$0x4100];
	_ =	sdelay $0x4  }
0x12e: {  	[tilespmem:v43+s19+$0x0] =	vst.idx.add.f32.msk $0xffff, v33  }
0x12f: {  	v18 =	vadd.s32 $0x130, v4;
	v17 =	vld [tilespmem:s24+$0x4180];
	_ =	sdelay $0x4  }
0x130: {  	[tilespmem:v18+s19+$0x0] =	vst.idx.add.f32.msk $0xffff, v17  }
0x131: {  	v44 =	vadd.s32 $0x140, v4;
	v34 =	vld [tilespmem:s24+$0x4200];
	_ =	sdelay $0x4  }
0x132: {  	[tilespmem:v44+s19+$0x0] =	vst.idx.add.f32.msk $0xffff, v34  }
0x133: {  	v45 =	vadd.s32 $0x150, v4;
	v35 =	vld [tilespmem:s24+$0x4280];
	_ =	sdelay $0x4  }
0x134: {  	[tilespmem:v45+s19+$0x0] =	vst.idx.add.f32.msk $0xffff, v35  }
0x135: {  	v19 =	vadd.s32 $0x160, v4;
	v18 =	vld [tilespmem:s24+$0x4300];
	_ =	sdelay $0x4  }
0x136: {  	[tilespmem:v19+s19+$0x0] =	vst.idx.add.f32.msk $0xffff, v18  }
0x137: {  	v46 =	vadd.s32 $0x170, v4;
	v36 =	vld [tilespmem:s24+$0x4380];
	_ =	sdelay $0x4  }
0x138: {  	[tilespmem:v46+s19+$0x0] =	vst.idx.add.f32.msk $0xffff, v36  }
0x139: {  	v47 =	vadd.s32 $0x180, v5;
	v37 =	vld [tilespmem:s24+$0x6000];
	_ =	sdelay $0x4  }
0x13a: {  	[tilespmem:v47+s19+$0x0] =	vst.idx.add.f32.msk $0xffff, v37  }
0x13b: {  	v20 =	vadd.s32 $0x190, v4;
	v19 =	vld [tilespmem:s24+$0x6080];
	_ =	sdelay $0x4  }
0x13c: {  	[tilespmem:v20+s19+$0x0] =	vst.idx.add.f32.msk $0xffff, v19  }
0x13d: {  	v48 =	vadd.s32 $0x1A0, v4;
	v38 =	vld [tilespmem:s24+$0x6100];
	_ =	sdelay $0x4  }
0x13e: {  	[tilespmem:v48+s19+$0x0] =	vst.idx.add.f32.msk $0xffff, v38  }
0x13f: {  	v49 =	vadd.s32 $0x1B0, v4;
	v39 =	vld [tilespmem:s24+$0x6180];
	_ =	sdelay $0x4  }
0x140: {  	[tilespmem:v49+s19+$0x0] =	vst.idx.add.f32.msk $0xffff, v39  }
0x141: {  	v21 =	vadd.s32 $0x1C0, v4;
	v20 =	vld [tilespmem:s24+$0x6200];
	_ =	sdelay $0x4  }
0x142: {  	[tilespmem:v21+s19+$0x0] =	vst.idx.add.f32.msk $0xffff, v20  }
0x143: {  	v50 =	vadd.s32 $0x1D0, v4;
	v40 =	vld [tilespmem:s24+$0x6280];
	_ =	sdelay $0x4  }
0x144: {  	[tilespmem:v50+s19+$0x0] =	vst.idx.add.f32.msk $0xffff, v40  }
0x145: {  	v51 =	vadd.s32 $0x1E0, v4;
	v41 =	vld [tilespmem:s24+$0x6300];
	_ =	sdelay $0x4  }
0x146: {  	[tilespmem:v51+s19+$0x0] =	vst.idx.add.f32.msk $0xffff, v41  }
0x147: {  	v22 =	vadd.s32 $0x1F0, v4;
	v21 =	vld [tilespmem:s24+$0x6380];
	_ =	sdelay $0x4  }
0x148: {  	[tilespmem:v22+s19+$0x0] =	vst.idx.add.f32.msk $0xffff, v21  }
0x149: {  	v52 =	vadd.s32 $0x200, v5;
	v42 =	vld [tilespmem:s24+$0x8000];
	_ =	sdelay $0x4  }
0x14a: {  	[tilespmem:v52+s19+$0x0] =	vst.idx.add.f32.msk $0xffff, v42  }
0x14b: {  	v53 =	vadd.s32 $0x210, v4;
	v43 =	vld [tilespmem:s24+$0x8080];
	_ =	sdelay $0x4  }
0x14c: {  	[tilespmem:v53+s19+$0x0] =	vst.idx.add.f32.msk $0xffff, v43  }
0x14d: {  	v23 =	vadd.s32 $0x220, v4;
	v22 =	vld [tilespmem:s24+$0x8100];
	_ =	sdelay $0x4  }
0x14e: {  	[tilespmem:v23+s19+$0x0] =	vst.idx.add.f32.msk $0xffff, v22  }
0x14f: {  	v54 =	vadd.s32 $0x230, v4;
	v44 =	vld [tilespmem:s24+$0x8180];
	_ =	sdelay $0x4  }
0x150: {  	[tilespmem:v54+s19+$0x0] =	vst.idx.add.f32.msk $0xffff, v44  }
0x151: {  	v55 =	vadd.s32 $0x240, v4;
	v45 =	vld [tilespmem:s24+$0x8200];
	_ =	sdelay $0x4  }
0x152: {  	[tilespmem:v55+s19+$0x0] =	vst.idx.add.f32.msk $0xffff, v45  }
0x153: {  	v24 =	vadd.s32 $0x250, v4;
	v23 =	vld [tilespmem:s24+$0x8280];
	_ =	sdelay $0x4  }
0x154: {  	[tilespmem:v24+s19+$0x0] =	vst.idx.add.f32.msk $0xffff, v23  }
0x155: {  	v56 =	vadd.s32 $0x260, v4;
	v46 =	vld [tilespmem:s24+$0x8300];
	_ =	sdelay $0x4  }
0x156: {  	[tilespmem:v56+s19+$0x0] =	vst.idx.add.f32.msk $0xffff, v46  }
0x157: {  	v57 =	vadd.s32 $0x270, v4;
	v47 =	vld [tilespmem:s24+$0x8380];
	_ =	sdelay $0x4  }
0x158: {  	[tilespmem:v57+s19+$0x0] =	vst.idx.add.f32.msk $0xffff, v47  }
0x159: {  	v25 =	vadd.s32 $0x280, v5;
	v24 =	vld [tilespmem:s24+$0xA000];
	_ =	sdelay $0x4  }
0x15a: {  	[tilespmem:v25+s19+$0x0] =	vst.idx.add.f32.msk $0xffff, v24  }
0x15b: {  	v58 =	vadd.s32 $0x290, v4;
	v48 =	vld [tilespmem:s24+$0xA080];
	_ =	sdelay $0x4  }
0x15c: {  	[tilespmem:v58+s19+$0x0] =	vst.idx.add.f32.msk $0xffff, v48  }
0x15d: {  	v59 =	vadd.s32 $0x2A0, v4;
	v49 =	vld [tilespmem:s24+$0xA100];
	_ =	sdelay $0x4  }
0x15e: {  	[tilespmem:v59+s19+$0x0] =	vst.idx.add.f32.msk $0xffff, v49  }
0x15f: {  	v50 =	vadd.s32 $0x2B0, v4;
	v25 =	vld [tilespmem:s24+$0xA180]  }
0x160: {  	v6 =	vmul.f32 v61, v61;
	v7 =	vmul.f32 v62, v62;
	_ =	sdelay $0x1  }
0x161: {  	v6 =	vadd.f32 v7, v6;
	v60 =	vmul.f32 v9, v9;
	_ =	sdelay $0x1  }
0x162: {  	v6 =	vadd.f32 v60, v6;
	v61 =	vmul.f32 v11, v11;
	[tilespmem:v50+s19+$0x0] =	vst.idx.add.f32.msk $0xffff, v25  }
0x163: {  	v62 =	vadd.s32 $0x2C0, v4;
	v9 =	vld [tilespmem:s24+$0xA200]  }
0x164: {  	v6 =	vadd.f32 v61, v6;
	v63 =	vmul.f32 v63, v63;
	_ =	sdelay $0x1  }
0x165: {  	v6 =	vadd.f32 v63, v6;
	v10 =	vmul.f32 v10, v10;
	_ =	sdelay $0x1  }
0x166: {  	v6 =	vadd.f32 v10, v6;
	v50 =	vmul.f32 v12, v12;
	[tilespmem:v62+s19+$0x0] =	vst.idx.add.f32.msk $0xffff, v9  }
0x167: {  	v51 =	vadd.s32 $0x2D0, v4;
	v8 =	vld [tilespmem:s24+$0xA280]  }
0x168: {  	v52 =	vmul.f32 v13, v13;
	v6 =	vadd.f32 v50, v6;
	_ =	sdelay $0x1  }
0x169: {  	v53 =	vmul.f32 v26, v26;
	v6 =	vadd.f32 v52, v6;
	_ =	sdelay $0x1  }
0x16a: {  	v54 =	vmul.f32 v27, v27;
	v6 =	vadd.f32 v53, v6;
	[tilespmem:v51+s19+$0x0] =	vst.idx.add.f32.msk $0xffff, v8  }
0x16b: {  	v55 =	vadd.s32 $0x2E0, v4;
	v10 =	vld [tilespmem:s24+$0xA300]  }
0x16c: {  	v56 =	vmul.f32 v14, v14;
	v6 =	vadd.f32 v54, v6;
	_ =	sdelay $0x1  }
0x16d: {  	v57 =	vmul.f32 v28, v28;
	v6 =	vadd.f32 v56, v6;
	_ =	sdelay $0x1  }
0x16e: {  	v58 =	vmul.f32 v29, v29;
	v6 =	vadd.f32 v57, v6;
	[tilespmem:v55+s19+$0x0] =	vst.idx.add.f32.msk $0xffff, v10  }
0x16f: {  	v59 =	vadd.s32 $0x2F0, v4;
	v11 =	vld [tilespmem:s24+$0xA380]  }
0x170: {  	v60 =	vmul.f32 v15, v15;
	v6 =	vadd.f32 v58, v6;
	_ =	sdelay $0x1  }
0x171: {  	v61 =	vmul.f32 v30, v30;
	v6 =	vadd.f32 v60, v6;
	_ =	sdelay $0x1  }
0x172: {  	v62 =	vmul.f32 v31, v31;
	v6 =	vadd.f32 v61, v6;
	[tilespmem:v59+s19+$0x0] =	vst.idx.add.f32.msk $0xffff, v11  }
0x173: {  	v63 =	vadd.s32 $0x300, v5;
	v12 =	vld [tilespmem:s24+$0xC000]  }
0x174: {  	v16 =	vmul.f32 v16, v16;
	v6 =	vadd.f32 v62, v6;
	_ =	sdelay $0x1  }
0x175: {  	v26 =	vmul.f32 v32, v32;
	v6 =	vadd.f32 v16, v6;
	_ =	sdelay $0x1  }
0x176: {  	v27 =	vmul.f32 v33, v33;
	v6 =	vadd.f32 v26, v6;
	[tilespmem:v63+s19+$0x0] =	vst.idx.add.f32.msk $0xffff, v12  }
0x177: {  	v28 =	vadd.s32 $0x310, v4;
	v13 =	vld [tilespmem:s24+$0xC080]  }
0x178: {  	v29 =	vmul.f32 v17, v17;
	v6 =	vadd.f32 v27, v6;
	_ =	sdelay $0x1  }
0x179: {  	v30 =	vmul.f32 v34, v34;
	v6 =	vadd.f32 v29, v6;
	_ =	sdelay $0x1  }
0x17a: {  	v31 =	vmul.f32 v35, v35;
	v6 =	vadd.f32 v30, v6;
	[tilespmem:v28+s19+$0x0] =	vst.idx.add.f32.msk $0xffff, v13  }
0x17b: {  	v32 =	vadd.s32 $0x320, v4;
	v14 =	vld [tilespmem:s24+$0xC100]  }
0x17c: {  	v33 =	vmul.f32 v18, v18;
	v6 =	vadd.f32 v31, v6;
	_ =	sdelay $0x1  }
0x17d: {  	v34 =	vmul.f32 v36, v36;
	v6 =	vadd.f32 v33, v6;
	_ =	sdelay $0x1  }
0x17e: {  	v35 =	vmul.f32 v37, v37;
	v6 =	vadd.f32 v34, v6;
	[tilespmem:v32+s19+$0x0] =	vst.idx.add.f32.msk $0xffff, v14  }
0x17f: {  	v36 =	vadd.s32 $0x330, v4;
	v15 =	vld [tilespmem:s24+$0xC180]  }
0x180: {  	v37 =	vmul.f32 v19, v19;
	v6 =	vadd.f32 v35, v6;
	_ =	sdelay $0x1  }
0x181: {  	v50 =	vmul.f32 v38, v38;
	v6 =	vadd.f32 v37, v6;
	_ =	sdelay $0x1  }
0x182: {  	v51 =	vmul.f32 v39, v39;
	v6 =	vadd.f32 v50, v6;
	[tilespmem:v36+s19+$0x0] =	vst.idx.add.f32.msk $0xffff, v15  }
0x183: {  	v52 =	vadd.s32 $0x340, v4;
	v16 =	vld [tilespmem:s24+$0xC200]  }
0x184: {  	v53 =	vmul.f32 v20, v20;
	v6 =	vadd.f32 v51, v6;
	_ =	sdelay $0x1  }
0x185: {  	v54 =	vmul.f32 v40, v40;
	v6 =	vadd.f32 v53, v6;
	_ =	sdelay $0x1  }
0x186: {  	v55 =	vmul.f32 v41, v41;
	v6 =	vadd.f32 v54, v6;
	[tilespmem:v52+s19+$0x0] =	vst.idx.add.f32.msk $0xffff, v16  }
0x187: {  	v56 =	vadd.s32 $0x350, v4;
	v17 =	vld [tilespmem:s24+$0xC280]  }
0x188: {  	v57 =	vmul.f32 v21, v21;
	v6 =	vadd.f32 v55, v6;
	_ =	sdelay $0x1  }
0x189: {  	v58 =	vmul.f32 v42, v42;
	v6 =	vadd.f32 v57, v6;
	_ =	sdelay $0x1  }
0x18a: {  	v59 =	vmul.f32 v43, v43;
	v6 =	vadd.f32 v58, v6;
	[tilespmem:v56+s19+$0x0] =	vst.idx.add.f32.msk $0xffff, v17  }
0x18b: {  	v60 =	vadd.s32 $0x360, v4;
	v18 =	vld [tilespmem:s24+$0xC300]  }
0x18c: {  	v61 =	vmul.f32 v22, v22;
	v6 =	vadd.f32 v59, v6;
	_ =	sdelay $0x1  }
0x18d: {  	v62 =	vmul.f32 v44, v44;
	v6 =	vadd.f32 v61, v6;
	_ =	sdelay $0x1  }
0x18e: {  	v63 =	vmul.f32 v45, v45;
	v6 =	vadd.f32 v62, v6;
	[tilespmem:v60+s19+$0x0] =	vst.idx.add.f32.msk $0xffff, v18  }
0x18f: {  	v26 =	vadd.s32 $0x370, v4;
	v19 =	vld [tilespmem:s24+$0xC380]  }
0x190: {  	v27 =	vmul.f32 v23, v23;
	v6 =	vadd.f32 v63, v6;
	_ =	sdelay $0x1  }
0x191: {  	v28 =	vmul.f32 v46, v46;
	v6 =	vadd.f32 v27, v6;
	_ =	sdelay $0x1  }
0x192: {  	v29 =	vmul.f32 v47, v47;
	v6 =	vadd.f32 v28, v6;
	[tilespmem:v26+s19+$0x0] =	vst.idx.add.f32.msk $0xffff, v19  }
0x193: {  	v30 =	vadd.s32 $0x380, v5;
	v20 =	vld [tilespmem:s24+$0xE000]  }
0x194: {  	v31 =	vmul.f32 v24, v24;
	v6 =	vadd.f32 v29, v6;
	_ =	sdelay $0x1  }
0x195: {  	v32 =	vmul.f32 v48, v48;
	v6 =	vadd.f32 v31, v6;
	_ =	sdelay $0x1  }
0x196: {  	v33 =	vmul.f32 v49, v49;
	v6 =	vadd.f32 v32, v6;
	[tilespmem:v30+s19+$0x0] =	vst.idx.add.f32.msk $0xffff, v20  }
0x197: {  	v34 =	vadd.s32 $0x390, v4;
	v21 =	vld [tilespmem:s24+$0xE080]  }
0x198: {  	v35 =	vmul.f32 v25, v25;
	v6 =	vadd.f32 v33, v6;
	_ =	sdelay $0x1  }
0x199: {  	v36 =	vmul.f32 v9, v9;
	v6 =	vadd.f32 v35, v6;
	_ =	sdelay $0x1  }
0x19a: {  	v37 =	vmul.f32 v8, v8;
	v6 =	vadd.f32 v36, v6;
	[tilespmem:v34+s19+$0x0] =	vst.idx.add.f32.msk $0xffff, v21  }
0x19b: {  	v39 =	vadd.s32 $0x3A0, v4;
	v38 =	vld [tilespmem:s24+$0xE100]  }
0x19c: {  	v40 =	vmul.f32 v10, v10;
	v6 =	vadd.f32 v37, v6;
	_ =	sdelay $0x1  }
0x19d: {  	v41 =	vmul.f32 v11, v11;
	v6 =	vadd.f32 v40, v6;
	_ =	sdelay $0x1  }
0x19e: {  	v42 =	vmul.f32 v12, v12;
	v6 =	vadd.f32 v41, v6;
	[tilespmem:v39+s19+$0x0] =	vst.idx.add.f32.msk $0xffff, v38  }
0x19f: {  	v43 =	vadd.s32 $0x3B0, v4;
	v9 =	vld [tilespmem:s24+$0xE180]  }
0x1a0: {  	v44 =	vmul.f32 v13, v13;
	v6 =	vadd.f32 v42, v6;
	_ =	sdelay $0x1  }
0x1a1: {  	v45 =	vmul.f32 v14, v14;
	v6 =	vadd.f32 v44, v6;
	_ =	sdelay $0x1  }
0x1a2: {  	v46 =	vmul.f32 v15, v15;
	v6 =	vadd.f32 v45, v6;
	[tilespmem:v43+s19+$0x0] =	vst.idx.add.f32.msk $0xffff, v9  }
0x1a3: {  	v47 =	vadd.s32 $0x3C0, v4;
	v10 =	vld [tilespmem:s24+$0xE200]  }
0x1a4: {  	v48 =	vmul.f32 v16, v16;
	v6 =	vadd.f32 v46, v6;
	_ =	sdelay $0x1  }
0x1a5: {  	v49 =	vmul.f32 v17, v17;
	v6 =	vadd.f32 v48, v6;
	_ =	sdelay $0x1  }
0x1a6: {  	v50 =	vmul.f32 v18, v18;
	v6 =	vadd.f32 v49, v6;
	[tilespmem:v47+s19+$0x0] =	vst.idx.add.f32.msk $0xffff, v10  }
0x1a7: {  	v51 =	vadd.s32 $0x3D0, v4;
	v11 =	vld [tilespmem:s24+$0xE280]  }
0x1a8: {  	v52 =	vmul.f32 v19, v19;
	v6 =	vadd.f32 v50, v6;
	_ =	sdelay $0x1  }
0x1a9: {  	v53 =	vmul.f32 v20, v20;
	v6 =	vadd.f32 v52, v6;
	_ =	sdelay $0x1  }
0x1aa: {  	v54 =	vmul.f32 v21, v21;
	v6 =	vadd.f32 v53, v6;
	[tilespmem:v51+s19+$0x0] =	vst.idx.add.f32.msk $0xffff, v11  }
0x1ab: {  	v55 =	vadd.s32 $0x3E0, v4;
	v12 =	vld [tilespmem:s24+$0xE300]  }
0x1ac: {  	v56 =	vmul.f32 v38, v38;
	v6 =	vadd.f32 v54, v6;
	_ =	sdelay $0x1  }
0x1ad: {  	v57 =	vmul.f32 v9, v9;
	v6 =	vadd.f32 v56, v6;
	_ =	sdelay $0x1  }
0x1ae: {  	v58 =	vmul.f32 v10, v10;
	v6 =	vadd.f32 v57, v6;
	[tilespmem:v55+s19+$0x0] =	vst.idx.add.f32.msk $0xffff, v12  }
0x1af: {  	v59 =	vld [tilespmem:s24+$0xE380]  }
0x1b0: {  	v60 =	vmul.f32 v11, v11;
	v6 =	vadd.f32 v58, v6  }
0x1b1: {  	v61 =	vadd.s32 $0x3F0, v4  }
0x1b2: {  	v5 =	vadd.s32 $0x400, v5;
	v6 =	vadd.f32 v60, v6;
	v62 =	vmul.f32 v12, v12  }
0x1b3: {  	p0 =	sne.s32 s23, $0x3F0;
	v4 =	vadd.s32 $0x410, v4  }
.Ltmp2:
0x1b4: {  	v6 =	vadd.f32 v62, v6;
	v63 =	vmul.f32 v59, v59;
	(pc) =	sbr.rel @p0 .LBB2_6-.Ltmp2, $4  }
0x1b5: {  	_ = 	snop  }
0x1b6: {  	[tilespmem:v61+s19+$0x0] =	vst.idx.add.f32.msk $0xffff, v59;
	v6 =	vadd.f32 v63, v6  }
0x1b7: {  	[tilespmem:v5+s19+$0x0] =	vst.idx.add.f32.msk $0xffff, v3  }
0x1b8: {  	s21 =	sadd.s32 $0x80, s21;
	s22 =	sadd.s32 $0x10, s22;
	s23 =	sadd.s32 $0x10, s23;
	[tilespmem:v4+s19+$0x0] =	vst.idx.add.f32.msk $0xffff, v6  }
0x1b9: {  	s2 =	sadd.s32 $0x1, s2  }
0x1ba: {  	p0 =	sne.s32 s2, s11  }
.Ltmp3:
0x1bb: {  	_ = 	snop;
	(pc) =	sbr.rel @p0 .LBB2_1-.Ltmp3, $4  }
0x1bc: {  	[hbm4b:s10+s17] =	stream.strided.scatter [tilespmem:s19], [sflag:$0x1], $0x1500, s20, s17, $0x38;
	[tilespmem:$0x13A00] =	vst v63  }
0x1bd: {  	_ =	swait.ge [sflag:s13], $0x1500  }
0x1be: {  	[sflag:s13] =	ssyncset.done $0x0  }
0x1bf: {  	[sflag:s13] =	ssyncadd.s32 $0xFFFFEB00  }
0x1c0: {  	_ =	sfence.sel $0x180000  }
0x1c1: {  	[bflag:$0x0] =	sbarrier.arrive $0xFFFF  }
0x1c2: {  	p0 =	sne.s32 s1, $0x0;
	_ =	strace $0x90000047  }
0x1c3: {  	s0 =	sadd.s32 @!p0 $0x100000, s0;
	[bflag:$0x2] =	sbarrier.arrive $0xFFFF  }
0x1c4: {  	[sflag:s0] =	ssyncadd.tile.s32 @!p0 $0x1;
	_ =	shalt  }
.Lfunc_end2:
_tile_overlayer_lowered:
.L_overlay_start_2:
0x1c5: {  	(tag) =	ssettag $0x2  }
0x1c6: {  	s0 =	rddreg [dreg:$0x0];
	s2 =	stileid.u32  }
0x1c7: {  	s1 =	rddreg [dreg:$0x1];
	p0 =	sne.s32 s2, $0x0  }
0x1c8: {  	s3 =	rddreg [dreg:$0x2];
	[bflag:$0x3] =	sbarrier.arrive $0xFFFF;
	s2 =	simm.s32 @!p0 $0x1C01  }
0x1c9: {  	[timem:s3], [sflag:s2] =	dma.local @!p0 [hbm:s0], s1  }
0x1ca: {  	s0 =	simm.s32 @!p0 $0x1  }
0x1cb: {  	_ =	swait.ge @!p0 [sflag:s0], s1  }
0x1cc: {  	s1 =	ssub.s32 @!p0 $0x0, s1;
	[sflag:s0] =	ssyncset.done @!p0 $0x0  }
0x1cd: {  	[sflag:s0] =	ssyncadd.s32 @!p0 s1  }
0x1ce: {  	[bflag:$0x3] =	sbarrier.arrive $0xFFFF  }
0x1cf: {  	_ =	shalt  }

</sc_bundles>
